<compile_context>
chip_gen: v7x
topology: tpu7x:2x2x1
jax: 0.10.2.dev20260603
libtpu: 0.0.44.dev20260713+nightly
codegen_flags: <defaults>
</compile_context>

<pallas_src>
import functools

import jax
import jax.numpy as jnp
from jax import lax
from jax.experimental import pallas as pl
from jax.experimental.pallas import tpu as pltpu
from jax.experimental.pallas import tpu_sc as plsc

_N = 10000
_E = 320000
_B = 20
_G = _N // _B
_K = 30
_OUT = 64

_NC = 2
_NS = 16
_NW = _NC * _NS
_C = 1000
_CH = _E // (_NW * _C)
_PK = 1
_SJ = _CH // _PK
_NP = 10240
_RPT = _NP // _NS


def _sc_spmm(y_tab, src3, dst3, zrow, width):
  mesh = plsc.VectorSubcoreMesh(core_axis_name="c", subcore_axis_name="s")

  @functools.partial(
      pl.kernel,
      out_type=jax.ShapeDtypeStruct((_NC, _NP, width), jnp.float32),
      mesh=mesh,
      scratch_types=[
          pltpu.VMEM_SHARED((_NP, width), jnp.float32),
          pltpu.VMEM((_CH, _C), jnp.int32),
          pltpu.VMEM((_CH, _C), jnp.int32),
          pltpu.VMEM((2, _PK, _C, width), jnp.float32),
          pltpu.SemaphoreType.DMA,
          pltpu.SemaphoreType.DMA,
      ],
      compiler_params=pltpu.CompilerParams(use_tc_tiling_on_sc=False),
  )
  def k(y_hbm, src_hbm, dst_hbm, z_hbm, out_hbm, msg_sh, src_v, dst_v,
        rows_v, gsem, ssem):
    c = lax.axis_index("c")
    s = lax.axis_index("s")
    wid = c * _NS + s
    pltpu.sync_copy(src_hbm.at[wid], src_v)
    pltpu.sync_copy(dst_hbm.at[wid], dst_v)
    pltpu.sync_copy(z_hbm.at[pl.ds(s * _RPT, _RPT)],
                    msg_sh.at[pl.ds(s * _RPT, _RPT)])
    plsc.subcore_barrier()

    def body(sj, carry):
      p = lax.rem(sj, 2)

      @pl.when(sj >= 2)
      def _():
        for b in range(_PK):
          pltpu.make_async_copy(
              y_hbm.at[pl.ds(0, _C)], rows_v.at[p, b], ssem).wait()

      gds = []
      for b in range(_PK):
        gds.append(pltpu.async_copy(
            y_hbm.at[src_v.at[sj * _PK + b]], rows_v.at[p, b], gsem))
      for d in gds:
        d.wait()
      for b in range(_PK):
        pltpu.async_copy(
            rows_v.at[p, b], msg_sh.at[dst_v.at[sj * _PK + b]], ssem,
            add=True)
      return carry

    lax.fori_loop(0, _SJ, body, 0)
    for b in range(2 * _PK):
      pltpu.make_async_copy(
          y_hbm.at[pl.ds(0, _C)], rows_v.at[0, b % _PK], ssem).wait()
    plsc.subcore_barrier()
    pltpu.sync_copy(msg_sh.at[pl.ds(s * _RPT, _RPT)],
                    out_hbm.at[c, pl.ds(s * _RPT, _RPT)])

  return k(y_tab, src3, dst3, zrow)


def _tc_first(x, w0):
  def k(x_ref, w_ref, o_ref):
    y = jnp.dot(x_ref[...], w_ref[...], preferred_element_type=jnp.float32)
    o_ref[...] = jnp.concatenate(
        [y,
         jnp.ones((_N, 1), jnp.float32),
         jnp.zeros((_N, 7), jnp.float32)], axis=1)

  return pl.pallas_call(
      k, out_shape=jax.ShapeDtypeStruct((_N, 40), jnp.float32))(x, w0)


def _tc_layer1(mp, y, b, w_next):
  def k(mp_ref, y_ref, b_ref, w_ref, cur_ref, yn_ref, inv_ref):
    inv = 1.0 / (mp_ref[0, :_N, 32:33] + mp_ref[1, :_N, 32:33] + 1.0)
    t = (mp_ref[0, :_N, :32] + mp_ref[1, :_N, :32]
         + y_ref[:, :32] + b_ref[...])
    cur = jnp.tanh(t * inv)
    cur_ref[...] = cur
    inv_ref[...] = inv
    yn_ref[...] = jnp.dot(cur, w_ref[...], preferred_element_type=jnp.float32)

  return pl.pallas_call(
      k,
      out_shape=(
          jax.ShapeDtypeStruct((_N, 32), jnp.float32),
          jax.ShapeDtypeStruct((_N, w_next.shape[1]), jnp.float32),
          jax.ShapeDtypeStruct((_N, 1), jnp.float32),
      ))(mp, y, b, w_next)


def _tc_layer(mp, y, b, inv, w_next):
  def k(mp_ref, y_ref, b_ref, inv_ref, w_ref, cur_ref, yn_ref):
    t = mp_ref[0, :_N] + mp_ref[1, :_N] + y_ref[...] + b_ref[...]
    cur = jnp.tanh(t * inv_ref[...])
    cur_ref[...] = cur
    yn_ref[...] = jnp.dot(cur, w_ref[...], preferred_element_type=jnp.float32)

  return pl.pallas_call(
      k,
      out_shape=(
          jax.ShapeDtypeStruct((_N, 32), jnp.float32),
          jax.ShapeDtypeStruct((_N, w_next.shape[1]), jnp.float32),
      ))(mp, y, b, inv, w_next)


def _tc_phi123(cur1, cur2, cur3, wphi, bp):
  def k(c1, c2, c3, wphi_ref, bpr, o_ref):
    t = jnp.dot(c1[...], wphi_ref[0:32],
                preferred_element_type=jnp.float32)
    t = t + jnp.dot(c2[...], wphi_ref[32:64],
                    preferred_element_type=jnp.float32)
    t = t + jnp.dot(c3[...], wphi_ref[64:96],
                    preferred_element_type=jnp.float32)
    o_ref[...] = t + bpr[...]

  return pl.pallas_call(
      k,
      out_shape=jax.ShapeDtypeStruct((_N, _K), jnp.float32),
  )(cur1, cur2, cur3, wphi, bp)


def _tc_readout(s123, mp3, y3, b3, inv, seg, wphi, wr, br):
  def k(s_ref, mp_ref, y3_ref, b3_ref, inv_ref, seg_ref,
        wphi_ref, wrr, brr, o_ref):
    t4 = (mp_ref[0, :_N, 0:1] + mp_ref[1, :_N, 0:1]
          + y3_ref[:, 0:1] + b3_ref[...])
    cur4 = jnp.tanh(t4 * inv_ref[...])
    t = jnp.maximum(s_ref[...] + cur4 * wphi_ref[96:97], 0.0)
    pooled = jnp.dot(seg_ref[...], t, preferred_element_type=jnp.float32)
    o_ref[...] = jnp.dot(pooled, wrr[...],
                         preferred_element_type=jnp.float32) + brr[...]

  return pl.pallas_call(
      k,
      out_shape=jax.ShapeDtypeStruct((_B, _OUT), jnp.float32),
  )(s123, mp3, y3, b3, inv, seg, wphi, wr, br)


@jax.jit
def kernel(node_feat, edge_index, W0, b0, W1, b1, W2, b2, W3, b3,
           W_phi, b_phi, W_rho, b_rho):
  src3 = edge_index[0].reshape(_NW, _CH, _C)
  dst3 = edge_index[1].reshape(_NW, _CH, _C)
  z40 = jnp.zeros((_NP, 40), jnp.float32)
  z32 = jnp.zeros((_NP, 32), jnp.float32)
  z8 = jnp.zeros((_NP, 8), jnp.float32)

  y0a = _tc_first(node_feat, W0)
  mp0 = _sc_spmm(y0a, src3, dst3, z40, 40)
  cur1, y1, inv = _tc_layer1(mp0, y0a, b0.reshape(1, 32), W1)

  mp1 = _sc_spmm(y1, src3, dst3, z32, 32)
  cur2, y2 = _tc_layer(mp1, y1, b1.reshape(1, 32), inv, W2)
  mp2 = _sc_spmm(y2, src3, dst3, z32, 32)
  W3p = jnp.pad(W3, ((0, 0), (0, 7)))
  cur3, y3 = _tc_layer(mp2, y2, b2.reshape(1, 32), inv, W3p)

  mp3 = _sc_spmm(y3, src3, dst3, z8, 8)
  s123 = _tc_phi123(cur1, cur2, cur3, W_phi, b_phi.reshape(1, _K))
  seg = jnp.repeat(jnp.eye(_B, dtype=jnp.float32), _G, axis=1)
  return _tc_readout(
      s123, mp3, y3, b3.reshape(1, 1), inv, seg,
      W_phi, W_rho, b_rho.reshape(1, _OUT))

# --- scband reference (transcript-rebuilt; emitter-appended) ---
"""Pipeline reference for scband-dgcnndeep-sets-6648609374926 (READ-ONLY COPY).

The authoritative reference and input builder live on the scoring server;
editing this copy changes nothing except your own understanding.
"""

import jax, jax.numpy as jnp
import numpy as np

N = 10000
E = 320000
D_FEAT = 128
LATENT = [32, 32, 32, 1]
TOTAL_LATENT = 97
K = 30
OUTPUT_DIM = 64
B = 20

def _init_linear(key, fan_in, fan_out):
    k1, k2 = jax.random.split(key)
    bound = 1.0 / float(np.sqrt(fan_in))
    W = jax.random.uniform(k1, (fan_in, fan_out), jnp.float32, -bound, bound)
    b = jax.random.uniform(k2, (fan_out,), jnp.float32, -bound, bound)
    return W, b

def setup_inputs(seed: int = 0):
    key = jax.random.key(seed)
    ks = jax.random.split(key, 10)
    inp = {}
    inp["node_feat"] = jax.random.normal(ks[0], (N, D_FEAT), dtype=jnp.float32)
    inp["edge_index"] = jax.random.randint(ks[1], (2, E), 0, N, dtype=jnp.int32)
    dims = [D_FEAT] + LATENT
    for i in range(4):
        W, b = _init_linear(ks[2 + i], dims[i], dims[i + 1])
        inp["W%d" % i] = W
        inp["b%d" % i] = b
    W_phi, b_phi = _init_linear(ks[6], TOTAL_LATENT, K)
    W_rho, b_rho = _init_linear(ks[7], K, OUTPUT_DIM)
    inp["W_phi"] = W_phi
    inp["b_phi"] = b_phi
    inp["W_rho"] = W_rho
    inp["b_rho"] = b_rho
    return inp

def _forward(node_feat, W0, b0, W1, b1, W2, b2, W3, b3, W_phi, b_phi, W_rho, b_rho, edge_index):
    src = edge_index[0]
    dst = edge_index[1]
    # node degrees from adjacency (n2n sparse matrix row sums), +1 as in original
    deg = jnp.zeros((N,), jnp.float32).at[dst].add(1.0)
    node_degs = (deg + 1.0)[:, None]
    params = [(W0, b0), (W1, b1), (W2, b2), (W3, b3)]
    cur = node_feat
    cats = []
    for (W, b) in params:
        # gnn_spmm(n2n_sp, cur) : scatter-add of neighbor features (gather by src, scatter-add to dst)
        msg = jnp.zeros((N, cur.shape[1]), cur.dtype).at[dst].add(cur[src])
        n2npool = msg + cur
        node_linear = n2npool @ W + b
        cur = jnp.tanh(node_linear / node_degs)
        cats.append(cur)
    h = jnp.concatenate(cats, axis=1)  # [N, TOTAL_LATENT]
    # batch of B equal-size graphs -> padding-free sortpooling gather is a reshape
    hb = h.reshape(B, N // B, TOTAL_LATENT)
    # DeepSets invariant model: rho(sum_nodes(phi(x)))
    phi = jax.nn.relu(hb @ W_phi + b_phi)   # SmallPhi: Linear(97 -> k) + ReLU per node
    pooled = jnp.sum(phi, axis=1)           # permutation-invariant sum over nodes
    out = pooled @ W_rho + b_rho            # SmallRho: Linear(k -> output_dim)
    return out

def reference(node_feat, edge_index, W0, b0, W1, b1, W2, b2, W3, b3, W_phi, b_phi, W_rho, b_rho):
    return _forward(node_feat, W0, b0, W1, b1, W2, b2, W3, b3, W_phi, b_phi, W_rho, b_rho, edge_index)

if __name__ == "__main__":
    import jax
    _d = setup_inputs()
    print(jax.jit(kernel)(*tuple(_d.values())))

</pallas_src>

<mosaic_0001>
#map = affine_map<(d0, d1) -> (0, 0)>
#map1 = affine_map<(d0, d1) -> (0, 0, 0)>
module attributes {stable_mosaic.version = 14 : i64} {
  func.func @k(%arg0: i32, %arg1: i32, %arg2: memref<10000x32xf32, #tpu.memory_space<hbm>>, %arg3: memref<32x10x1000xi32, #tpu.memory_space<hbm>>, %arg4: memref<32x10x1000xi32, #tpu.memory_space<hbm>>, %arg5: memref<10240x32xf32, #tpu.memory_space<hbm>>, %arg6: memref<2x10240x32xf32, #tpu.memory_space<hbm>>, %arg7: memref<10240x32xf32, #tpu.memory_space<vmem_shared>>, %arg8: memref<10x1000xi32, #tpu.memory_space<vmem>>, %arg9: memref<10x1000xi32, #tpu.memory_space<vmem>>, %arg10: memref<2x1x1000x32xf32, #tpu.memory_space<vmem>>, %arg11: memref<!tpu.dma_semaphore, #tpu.memory_space<semaphore_mem>>, %arg12: memref<!tpu.dma_semaphore, #tpu.memory_space<semaphore_mem>>) attributes {dimension_semantics = [#tpu.dimension_semantics<core_parallel>, #tpu.dimension_semantics<subcore_parallel>], iteration_bounds = array<i64: 2, 16>, scalar_prefetch = 0 : i64, scratch_operands = 6 : i64, tpu.core_type = #tpu.core_type<sc_vector_subcore>, window_params = [{transform_indices = #map}, {transform_indices = #map1}, {transform_indices = #map1}, {transform_indices = #map}, {transform_indices = #map1}]} {
    %mul3A = arith.constant 16 : i32
    %mul3A_0 = arith.muli %arg0, %mul3A : i32
    %add3A = arith.addi %mul3A_0, %arg1 : i32
    "tpu.region"() ({
      %run_scoped3A = tpu.sem_alloc : memref<!tpu.dma_semaphore, #tpu.memory_space<semaphore_mem>>
      %dma_start3A = arith.constant 0 : i32
      %dma_start3A_46 = arith.constant 0 : i32
      %dma_start3A_47 = tpu.memref_slice %arg3[%add3A, %dma_start3A, %dma_start3A_46] : memref<32x10x1000xi32, #tpu.memory_space<hbm>> -> memref<1x10x1000xi32, #tpu.memory_space<hbm>>
      %dma_start3A_48 = tpu.memref_squeeze %dma_start3A_47 : memref<1x10x1000xi32, #tpu.memory_space<hbm>> -> memref<10x1000xi32, #tpu.memory_space<hbm>>
      %dma_start3A_49 = arith.constant 0 : i32
      %dma_start3A_50 = arith.constant 0 : i32
      %dma_start3A_51 = tpu.memref_slice %arg3[%add3A, %dma_start3A_49, %dma_start3A_50] : memref<32x10x1000xi32, #tpu.memory_space<hbm>> -> memref<1x10x1000xi32, #tpu.memory_space<hbm>>
      %dma_start3A_52 = tpu.memref_squeeze %dma_start3A_51 : memref<1x10x1000xi32, #tpu.memory_space<hbm>> -> memref<10x1000xi32, #tpu.memory_space<hbm>>
      tpu.enqueue_dma source(%dma_start3A_52 : memref<10x1000xi32, #tpu.memory_space<hbm>>) target(%arg8 : memref<10x1000xi32, #tpu.memory_space<vmem>>) target_semaphore(%run_scoped3A : memref<!tpu.dma_semaphore, #tpu.memory_space<semaphore_mem>>)
      %dma_wait3A_53 = arith.constant 0 : i32
      %dma_wait3A_54 = arith.constant 0 : i32
      %dma_wait3A_55 = tpu.memref_slice %arg3[%add3A, %dma_wait3A_53, %dma_wait3A_54] : memref<32x10x1000xi32, #tpu.memory_space<hbm>> -> memref<1x10x1000xi32, #tpu.memory_space<hbm>>
      %dma_wait3A_56 = tpu.memref_squeeze %dma_wait3A_55 : memref<1x10x1000xi32, #tpu.memory_space<hbm>> -> memref<10x1000xi32, #tpu.memory_space<hbm>>
      %dma_wait3A_57 = arith.constant 0 : i32
      %dma_wait3A_58 = arith.constant 0 : i32
      %dma_wait3A_59 = tpu.memref_slice %arg3[%add3A, %dma_wait3A_57, %dma_wait3A_58] : memref<32x10x1000xi32, #tpu.memory_space<hbm>> -> memref<1x10x1000xi32, #tpu.memory_space<hbm>>
      %dma_wait3A_60 = tpu.memref_squeeze %dma_wait3A_59 : memref<1x10x1000xi32, #tpu.memory_space<hbm>> -> memref<10x1000xi32, #tpu.memory_space<hbm>>
      tpu.wait_dma2 semaphore(%run_scoped3A : memref<!tpu.dma_semaphore, #tpu.memory_space<semaphore_mem>>) src(%dma_wait3A_60 : memref<10x1000xi32, #tpu.memory_space<hbm>>) dst(%arg8 : memref<10x1000xi32, #tpu.memory_space<vmem>>)
      tpu.yield
    }) : () -> ()
    "tpu.region"() ({
      %run_scoped3A = tpu.sem_alloc : memref<!tpu.dma_semaphore, #tpu.memory_space<semaphore_mem>>
      %dma_start3A = arith.constant 0 : i32
      %dma_start3A_46 = arith.constant 0 : i32
      %dma_start3A_47 = tpu.memref_slice %arg4[%add3A, %dma_start3A, %dma_start3A_46] : memref<32x10x1000xi32, #tpu.memory_space<hbm>> -> memref<1x10x1000xi32, #tpu.memory_space<hbm>>
      %dma_start3A_48 = tpu.memref_squeeze %dma_start3A_47 : memref<1x10x1000xi32, #tpu.memory_space<hbm>> -> memref<10x1000xi32, #tpu.memory_space<hbm>>
      %dma_start3A_49 = arith.constant 0 : i32
      %dma_start3A_50 = arith.constant 0 : i32
      %dma_start3A_51 = tpu.memref_slice %arg4[%add3A, %dma_start3A_49, %dma_start3A_50] : memref<32x10x1000xi32, #tpu.memory_space<hbm>> -> memref<1x10x1000xi32, #tpu.memory_space<hbm>>
      %dma_start3A_52 = tpu.memref_squeeze %dma_start3A_51 : memref<1x10x1000xi32, #tpu.memory_space<hbm>> -> memref<10x1000xi32, #tpu.memory_space<hbm>>
      tpu.enqueue_dma source(%dma_start3A_52 : memref<10x1000xi32, #tpu.memory_space<hbm>>) target(%arg9 : memref<10x1000xi32, #tpu.memory_space<vmem>>) target_semaphore(%run_scoped3A : memref<!tpu.dma_semaphore, #tpu.memory_space<semaphore_mem>>)
      %dma_wait3A_53 = arith.constant 0 : i32
      %dma_wait3A_54 = arith.constant 0 : i32
      %dma_wait3A_55 = tpu.memref_slice %arg4[%add3A, %dma_wait3A_53, %dma_wait3A_54] : memref<32x10x1000xi32, #tpu.memory_space<hbm>> -> memref<1x10x1000xi32, #tpu.memory_space<hbm>>
      %dma_wait3A_56 = tpu.memref_squeeze %dma_wait3A_55 : memref<1x10x1000xi32, #tpu.memory_space<hbm>> -> memref<10x1000xi32, #tpu.memory_space<hbm>>
      %dma_wait3A_57 = arith.constant 0 : i32
      %dma_wait3A_58 = arith.constant 0 : i32
      %dma_wait3A_59 = tpu.memref_slice %arg4[%add3A, %dma_wait3A_57, %dma_wait3A_58] : memref<32x10x1000xi32, #tpu.memory_space<hbm>> -> memref<1x10x1000xi32, #tpu.memory_space<hbm>>
      %dma_wait3A_60 = tpu.memref_squeeze %dma_wait3A_59 : memref<1x10x1000xi32, #tpu.memory_space<hbm>> -> memref<10x1000xi32, #tpu.memory_space<hbm>>
      tpu.wait_dma2 semaphore(%run_scoped3A : memref<!tpu.dma_semaphore, #tpu.memory_space<semaphore_mem>>) src(%dma_wait3A_60 : memref<10x1000xi32, #tpu.memory_space<hbm>>) dst(%arg9 : memref<10x1000xi32, #tpu.memory_space<vmem>>)
      tpu.yield
    }) : () -> ()
    %mul3A_1 = arith.constant 640 : i32
    %mul3A_2 = arith.muli %arg1, %mul3A_1 : i32
    %mul3A_3 = arith.constant 640 : i32
    %mul3A_4 = arith.muli %arg1, %mul3A_3 : i32
    "tpu.region"() ({
      %run_scoped3A = tpu.sem_alloc : memref<!tpu.dma_semaphore, #tpu.memory_space<semaphore_mem>>
      %dma_start3A = arith.constant 0 : i32
      %dma_start3A_46 = tpu.memref_slice %arg7[%mul3A_4, %dma_start3A] : memref<10240x32xf32, #tpu.memory_space<vmem_shared>> -> memref<640x32xf32, #tpu.memory_space<vmem_shared>>
      %dma_start3A_47 = arith.constant 0 : i32
      %dma_start3A_48 = tpu.memref_slice %arg5[%mul3A_2, %dma_start3A_47] : memref<10240x32xf32, #tpu.memory_space<hbm>> -> memref<640x32xf32, #tpu.memory_space<hbm>>
      tpu.enqueue_dma source(%dma_start3A_48 : memref<640x32xf32, #tpu.memory_space<hbm>>) target(%dma_start3A_46 : memref<640x32xf32, #tpu.memory_space<vmem_shared>>) target_semaphore(%run_scoped3A : memref<!tpu.dma_semaphore, #tpu.memory_space<semaphore_mem>>)
      %dma_wait3A_49 = arith.constant 0 : i32
      %dma_wait3A_50 = tpu.memref_slice %arg7[%mul3A_4, %dma_wait3A_49] : memref<10240x32xf32, #tpu.memory_space<vmem_shared>> -> memref<640x32xf32, #tpu.memory_space<vmem_shared>>
      %dma_wait3A_51 = arith.constant 0 : i32
      %dma_wait3A_52 = tpu.memref_slice %arg5[%mul3A_2, %dma_wait3A_51] : memref<10240x32xf32, #tpu.memory_space<hbm>> -> memref<640x32xf32, #tpu.memory_space<hbm>>
      tpu.wait_dma2 semaphore(%run_scoped3A : memref<!tpu.dma_semaphore, #tpu.memory_space<semaphore_mem>>) src(%dma_wait3A_52 : memref<640x32xf32, #tpu.memory_space<hbm>>) dst(%dma_wait3A_50 : memref<640x32xf32, #tpu.memory_space<vmem_shared>>)
      tpu.yield
    }) : () -> ()
    %barrier3A = arith.constant 0 : index
    tpu.barrier barrier_id(%barrier3A)
    %scan3A = arith.constant 0 : i32
    %scan3A_5 = arith.constant 0 : i32
    %scan3A_6 = arith.constant 10 : i32
    %scan3A_7 = arith.addi %scan3A_5, %scan3A_6 : i32
    %scan3A_8 = arith.constant 1 : i32
    scf.for %scan3A_46 = %scan3A_5 to %scan3A_7 step %scan3A_8  : i32 {
      %rem3A = arith.constant 2 : i32
      %rem3A_47 = arith.remsi %scan3A_46, %rem3A : i32
      %ge3A = arith.constant 2 : i32
      %ge3A_48 = arith.cmpi sge, %scan3A_46, %ge3A : i32
      %convert_element_type3A = arith.extui %ge3A_48 : i1 to i32
      %cond3A = arith.constant 0 : i32
      %cond3A_49 = arith.cmpi ne, %convert_element_type3A, %cond3A : i32
      scf.if %cond3A_49 {
        %dma_wait3A_90 = arith.constant 0 : i32
        %dma_wait3A_91 = arith.constant 0 : i32
        %dma_wait3A_92 = arith.constant 0 : i32
        %dma_wait3A_93 = tpu.memref_slice %arg10[%rem3A_47, %dma_wait3A_90, %dma_wait3A_91, %dma_wait3A_92] : memref<2x1x1000x32xf32, #tpu.memory_space<vmem>> -> memref<1x1x1000x32xf32, #tpu.memory_space<vmem>>
        %dma_wait3A_94 = tpu.memref_squeeze %dma_wait3A_93 : memref<1x1x1000x32xf32, #tpu.memory_space<vmem>> -> memref<1000x32xf32, #tpu.memory_space<vmem>>
        %dma_wait3A_95 = arith.constant 0 : i32
        %dma_wait3A_96 = arith.constant 0 : i32
        %dma_wait3A_97 = tpu.memref_slice %arg2[%dma_wait3A_95, %dma_wait3A_96] : memref<10000x32xf32, #tpu.memory_space<hbm>> -> memref<1000x32xf32, #tpu.memory_space<hbm>>
        %dma_wait3A_98 = arith.constant 0 : i32
        %dma_wait3A_99 = arith.constant 0 : i32
        %dma_wait3A_100 = tpu.memref_slice %arg10[%rem3A_47, %dma_wait3A_90, %dma_wait3A_98, %dma_wait3A_99] : memref<2x1x1000x32xf32, #tpu.memory_space<vmem>> -> memref<1x1x1000x32xf32, #tpu.memory_space<vmem>>
        %dma_wait3A_101 = tpu.memref_squeeze %dma_wait3A_100 : memref<1x1x1000x32xf32, #tpu.memory_space<vmem>> -> memref<1000x32xf32, #tpu.memory_space<vmem>>
        %dma_wait3A_102 = arith.constant 0 : i32
        %dma_wait3A_103 = arith.constant 0 : i32
        %dma_wait3A_104 = tpu.memref_slice %arg2[%dma_wait3A_102, %dma_wait3A_103] : memref<10000x32xf32, #tpu.memory_space<hbm>> -> memref<1000x32xf32, #tpu.memory_space<hbm>>
        tpu.wait_dma2 semaphore(%arg12 : memref<!tpu.dma_semaphore, #tpu.memory_space<semaphore_mem>>) src(%dma_wait3A_104 : memref<1000x32xf32, #tpu.memory_space<hbm>>) dst(%dma_wait3A_101 : memref<1000x32xf32, #tpu.memory_space<vmem>>)
      } else {
      }
      %mul3A_50 = arith.constant 1 : i32
      %mul3A_51 = arith.muli %scan3A_46, %mul3A_50 : i32
      %add3A_52 = arith.constant 0 : i32
      %add3A_53 = arith.addi %mul3A_51, %add3A_52 : i32
      %dma_start3A = arith.constant 0 : i32
      %dma_start3A_54 = arith.constant 0 : i32
      %dma_start3A_55 = arith.constant 0 : i32
      %dma_start3A_56 = tpu.memref_slice %arg10[%rem3A_47, %dma_start3A, %dma_start3A_54, %dma_start3A_55] : memref<2x1x1000x32xf32, #tpu.memory_space<vmem>> -> memref<1x1x1000x32xf32, #tpu.memory_space<vmem>>
      %dma_start3A_57 = tpu.memref_squeeze %dma_start3A_56 : memref<1x1x1000x32xf32, #tpu.memory_space<vmem>> -> memref<1000x32xf32, #tpu.memory_space<vmem>>
      %dma_start3A_58 = arith.constant 0 : i32
      %dma_start3A_59 = tpu.memref_slice %arg8[%add3A_53, %dma_start3A_58] : memref<10x1000xi32, #tpu.memory_space<vmem>> -> memref<1x1000xi32, #tpu.memory_space<vmem>>
      %dma_start3A_60 = tpu.memref_squeeze %dma_start3A_59 : memref<1x1000xi32, #tpu.memory_space<vmem>> -> memref<1000xi32, #tpu.memory_space<vmem>>
      %dma_start3A_61 = arith.constant 0 : i32
      %dma_start3A_62 = arith.constant 0 : i32
      %dma_start3A_63 = tpu.memref_slice %arg2[%dma_start3A_61, %dma_start3A_62] : memref<10000x32xf32, #tpu.memory_space<hbm>> -> memref<10000x32xf32, #tpu.memory_space<hbm>>
      tpu.enqueue_indirect_dma source(%dma_start3A_63 : memref<10000x32xf32, #tpu.memory_space<hbm>>) target(%dma_start3A_57 : memref<1000x32xf32, #tpu.memory_space<vmem>>) offsets(%dma_start3A_60 : memref<1000xi32, #tpu.memory_space<vmem>>) semaphore(%arg11 : memref<!tpu.dma_semaphore, #tpu.memory_space<semaphore_mem>>)
      %dma_wait3A_64 = arith.constant 0 : i32
      %dma_wait3A_65 = arith.constant 0 : i32
      %dma_wait3A_66 = arith.constant 0 : i32
      %dma_wait3A_67 = tpu.memref_slice %arg10[%rem3A_47, %dma_wait3A_64, %dma_wait3A_65, %dma_wait3A_66] : memref<2x1x1000x32xf32, #tpu.memory_space<vmem>> -> memref<1x1x1000x32xf32, #tpu.memory_space<vmem>>
      %dma_wait3A_68 = tpu.memref_squeeze %dma_wait3A_67 : memref<1x1x1000x32xf32, #tpu.memory_space<vmem>> -> memref<1000x32xf32, #tpu.memory_space<vmem>>
      %dma_wait3A_69 = arith.constant 0 : i32
      %dma_wait3A_70 = tpu.memref_slice %arg8[%add3A_53, %dma_wait3A_69] : memref<10x1000xi32, #tpu.memory_space<vmem>> -> memref<1x1000xi32, #tpu.memory_space<vmem>>
      %dma_wait3A_71 = tpu.memref_squeeze %dma_wait3A_70 : memref<1x1000xi32, #tpu.memory_space<vmem>> -> memref<1000xi32, #tpu.memory_space<vmem>>
      %dma_wait3A_72 = arith.constant 0 : i32
      %dma_wait3A_73 = arith.constant 0 : i32
      %dma_wait3A_74 = tpu.memref_slice %arg2[%dma_wait3A_72, %dma_wait3A_73] : memref<10000x32xf32, #tpu.memory_space<hbm>> -> memref<10000x32xf32, #tpu.memory_space<hbm>>
      tpu.wait_indirect_dma semaphore(%arg11 : memref<!tpu.dma_semaphore, #tpu.memory_space<semaphore_mem>>) src(%dma_wait3A_74 : memref<10000x32xf32, #tpu.memory_space<hbm>>) dst(%dma_wait3A_68 : memref<1000x32xf32, #tpu.memory_space<vmem>>)
      %mul3A_75 = arith.constant 1 : i32
      %mul3A_76 = arith.muli %scan3A_46, %mul3A_75 : i32
      %add3A_77 = arith.constant 0 : i32
      %add3A_78 = arith.addi %mul3A_76, %add3A_77 : i32
      %dma_start3A_79 = arith.constant 0 : i32
      %dma_start3A_80 = arith.constant 0 : i32
      %dma_start3A_81 = arith.constant 0 : i32
      %dma_start3A_82 = tpu.memref_slice %arg10[%rem3A_47, %dma_start3A_79, %dma_start3A_80, %dma_start3A_81] : memref<2x1x1000x32xf32, #tpu.memory_space<vmem>> -> memref<1x1x1000x32xf32, #tpu.memory_space<vmem>>
      %dma_start3A_83 = tpu.memref_squeeze %dma_start3A_82 : memref<1x1x1000x32xf32, #tpu.memory_space<vmem>> -> memref<1000x32xf32, #tpu.memory_space<vmem>>
      %dma_start3A_84 = arith.constant 0 : i32
      %dma_start3A_85 = tpu.memref_slice %arg9[%add3A_78, %dma_start3A_84] : memref<10x1000xi32, #tpu.memory_space<vmem>> -> memref<1x1000xi32, #tpu.memory_space<vmem>>
      %dma_start3A_86 = tpu.memref_squeeze %dma_start3A_85 : memref<1x1000xi32, #tpu.memory_space<vmem>> -> memref<1000xi32, #tpu.memory_space<vmem>>
      %dma_start3A_87 = arith.constant 0 : i32
      %dma_start3A_88 = arith.constant 0 : i32
      %dma_start3A_89 = tpu.memref_slice %arg7[%dma_start3A_87, %dma_start3A_88] : memref<10240x32xf32, #tpu.memory_space<vmem_shared>> -> memref<10240x32xf32, #tpu.memory_space<vmem_shared>>
      tpu.enqueue_indirect_dma source(%dma_start3A_83 : memref<1000x32xf32, #tpu.memory_space<vmem>>) target(%dma_start3A_89 : memref<10240x32xf32, #tpu.memory_space<vmem_shared>>) offsets(%dma_start3A_86 : memref<1000xi32, #tpu.memory_space<vmem>>) semaphore(%arg12 : memref<!tpu.dma_semaphore, #tpu.memory_space<semaphore_mem>>) {add = true}
    }
    %scan3A_9 = arith.constant 10 : i32
    %dma_wait3A = arith.constant 0 : i32
    %dma_wait3A_10 = arith.constant 0 : i32
    %dma_wait3A_11 = arith.constant 0 : i32
    %dma_wait3A_12 = arith.constant 0 : i32
    %dma_wait3A_13 = tpu.memref_slice %arg10[%dma_wait3A, %dma_wait3A_10, %dma_wait3A_11, %dma_wait3A_12] : memref<2x1x1000x32xf32, #tpu.memory_space<vmem>> -> memref<1x1x1000x32xf32, #tpu.memory_space<vmem>>
    %dma_wait3A_14 = tpu.memref_squeeze %dma_wait3A_13 : memref<1x1x1000x32xf32, #tpu.memory_space<vmem>> -> memref<1000x32xf32, #tpu.memory_space<vmem>>
    %dma_wait3A_15 = arith.constant 0 : i32
    %dma_wait3A_16 = arith.constant 0 : i32
    %dma_wait3A_17 = tpu.memref_slice %arg2[%dma_wait3A_15, %dma_wait3A_16] : memref<10000x32xf32, #tpu.memory_space<hbm>> -> memref<1000x32xf32, #tpu.memory_space<hbm>>
    %dma_wait3A_18 = arith.constant 0 : i32
    %dma_wait3A_19 = arith.constant 0 : i32
    %dma_wait3A_20 = tpu.memref_slice %arg10[%dma_wait3A, %dma_wait3A_10, %dma_wait3A_18, %dma_wait3A_19] : memref<2x1x1000x32xf32, #tpu.memory_space<vmem>> -> memref<1x1x1000x32xf32, #tpu.memory_space<vmem>>
    %dma_wait3A_21 = tpu.memref_squeeze %dma_wait3A_20 : memref<1x1x1000x32xf32, #tpu.memory_space<vmem>> -> memref<1000x32xf32, #tpu.memory_space<vmem>>
    %dma_wait3A_22 = arith.constant 0 : i32
    %dma_wait3A_23 = arith.constant 0 : i32
    %dma_wait3A_24 = tpu.memref_slice %arg2[%dma_wait3A_22, %dma_wait3A_23] : memref<10000x32xf32, #tpu.memory_space<hbm>> -> memref<1000x32xf32, #tpu.memory_space<hbm>>
    tpu.wait_dma2 semaphore(%arg12 : memref<!tpu.dma_semaphore, #tpu.memory_space<semaphore_mem>>) src(%dma_wait3A_24 : memref<1000x32xf32, #tpu.memory_space<hbm>>) dst(%dma_wait3A_21 : memref<1000x32xf32, #tpu.memory_space<vmem>>)
    %dma_wait3A_25 = arith.constant 0 : i32
    %dma_wait3A_26 = arith.constant 0 : i32
    %dma_wait3A_27 = arith.constant 0 : i32
    %dma_wait3A_28 = arith.constant 0 : i32
    %dma_wait3A_29 = tpu.memref_slice %arg10[%dma_wait3A_25, %dma_wait3A_26, %dma_wait3A_27, %dma_wait3A_28] : memref<2x1x1000x32xf32, #tpu.memory_space<vmem>> -> memref<1x1x1000x32xf32, #tpu.memory_space<vmem>>
    %dma_wait3A_30 = tpu.memref_squeeze %dma_wait3A_29 : memref<1x1x1000x32xf32, #tpu.memory_space<vmem>> -> memref<1000x32xf32, #tpu.memory_space<vmem>>
    %dma_wait3A_31 = arith.constant 0 : i32
    %dma_wait3A_32 = arith.constant 0 : i32
    %dma_wait3A_33 = tpu.memref_slice %arg2[%dma_wait3A_31, %dma_wait3A_32] : memref<10000x32xf32, #tpu.memory_space<hbm>> -> memref<1000x32xf32, #tpu.memory_space<hbm>>
    %dma_wait3A_34 = arith.constant 0 : i32
    %dma_wait3A_35 = arith.constant 0 : i32
    %dma_wait3A_36 = tpu.memref_slice %arg10[%dma_wait3A_25, %dma_wait3A_26, %dma_wait3A_34, %dma_wait3A_35] : memref<2x1x1000x32xf32, #tpu.memory_space<vmem>> -> memref<1x1x1000x32xf32, #tpu.memory_space<vmem>>
    %dma_wait3A_37 = tpu.memref_squeeze %dma_wait3A_36 : memref<1x1x1000x32xf32, #tpu.memory_space<vmem>> -> memref<1000x32xf32, #tpu.memory_space<vmem>>
    %dma_wait3A_38 = arith.constant 0 : i32
    %dma_wait3A_39 = arith.constant 0 : i32
    %dma_wait3A_40 = tpu.memref_slice %arg2[%dma_wait3A_38, %dma_wait3A_39] : memref<10000x32xf32, #tpu.memory_space<hbm>> -> memref<1000x32xf32, #tpu.memory_space<hbm>>
    tpu.wait_dma2 semaphore(%arg12 : memref<!tpu.dma_semaphore, #tpu.memory_space<semaphore_mem>>) src(%dma_wait3A_40 : memref<1000x32xf32, #tpu.memory_space<hbm>>) dst(%dma_wait3A_37 : memref<1000x32xf32, #tpu.memory_space<vmem>>)
    %barrier3A_41 = arith.constant 0 : index
    tpu.barrier barrier_id(%barrier3A_41)
    %mul3A_42 = arith.constant 640 : i32
    %mul3A_43 = arith.muli %arg1, %mul3A_42 : i32
    %mul3A_44 = arith.constant 640 : i32
    %mul3A_45 = arith.muli %arg1, %mul3A_44 : i32
    "tpu.region"() ({
      %run_scoped3A = tpu.sem_alloc : memref<!tpu.dma_semaphore, #tpu.memory_space<semaphore_mem>>
      %dma_start3A = arith.constant 0 : i32
      %dma_start3A_46 = tpu.memref_slice %arg6[%arg0, %mul3A_45, %dma_start3A] : memref<2x10240x32xf32, #tpu.memory_space<hbm>> -> memref<1x640x32xf32, #tpu.memory_space<hbm>>
      %dma_start3A_47 = tpu.memref_squeeze %dma_start3A_46 : memref<1x640x32xf32, #tpu.memory_space<hbm>> -> memref<640x32xf32, #tpu.memory_space<hbm>>
      %dma_start3A_48 = arith.constant 0 : i32
      %dma_start3A_49 = tpu.memref_slice %arg7[%mul3A_43, %dma_start3A_48] : memref<10240x32xf32, #tpu.memory_space<vmem_shared>> -> memref<640x32xf32, #tpu.memory_space<vmem_shared>>
      tpu.enqueue_dma source(%dma_start3A_49 : memref<640x32xf32, #tpu.memory_space<vmem_shared>>) target(%dma_start3A_47 : memref<640x32xf32, #tpu.memory_space<hbm>>) target_semaphore(%run_scoped3A : memref<!tpu.dma_semaphore, #tpu.memory_space<semaphore_mem>>)
      %dma_wait3A_50 = arith.constant 0 : i32
      %dma_wait3A_51 = tpu.memref_slice %arg6[%arg0, %mul3A_45, %dma_wait3A_50] : memref<2x10240x32xf32, #tpu.memory_space<hbm>> -> memref<1x640x32xf32, #tpu.memory_space<hbm>>
      %dma_wait3A_52 = tpu.memref_squeeze %dma_wait3A_51 : memref<1x640x32xf32, #tpu.memory_space<hbm>> -> memref<640x32xf32, #tpu.memory_space<hbm>>
      %dma_wait3A_53 = arith.constant 0 : i32
      %dma_wait3A_54 = tpu.memref_slice %arg7[%mul3A_43, %dma_wait3A_53] : memref<10240x32xf32, #tpu.memory_space<vmem_shared>> -> memref<640x32xf32, #tpu.memory_space<vmem_shared>>
      tpu.wait_dma2 semaphore(%run_scoped3A : memref<!tpu.dma_semaphore, #tpu.memory_space<semaphore_mem>>) src(%dma_wait3A_54 : memref<640x32xf32, #tpu.memory_space<vmem_shared>>) dst(%dma_wait3A_52 : memref<640x32xf32, #tpu.memory_space<hbm>>)
      tpu.yield
    }) : () -> ()
    return
  }
}

#map = affine_map<(d0, d1) -> (0, 0)>
#map1 = affine_map<(d0, d1) -> (0, 0, 0)>
module attributes {stable_mosaic.version = 14 : i64} {
  func.func @k(%arg0: i32, %arg1: i32, %arg2: memref<10000x40xf32, #tpu.memory_space<hbm>>, %arg3: memref<32x10x1000xi32, #tpu.memory_space<hbm>>, %arg4: memref<32x10x1000xi32, #tpu.memory_space<hbm>>, %arg5: memref<10240x40xf32, #tpu.memory_space<hbm>>, %arg6: memref<2x10240x40xf32, #tpu.memory_space<hbm>>, %arg7: memref<10240x40xf32, #tpu.memory_space<vmem_shared>>, %arg8: memref<10x1000xi32, #tpu.memory_space<vmem>>, %arg9: memref<10x1000xi32, #tpu.memory_space<vmem>>, %arg10: memref<2x1x1000x40xf32, #tpu.memory_space<vmem>>, %arg11: memref<!tpu.dma_semaphore, #tpu.memory_space<semaphore_mem>>, %arg12: memref<!tpu.dma_semaphore, #tpu.memory_space<semaphore_mem>>) attributes {dimension_semantics = [#tpu.dimension_semantics<core_parallel>, #tpu.dimension_semantics<subcore_parallel>], iteration_bounds = array<i64: 2, 16>, scalar_prefetch = 0 : i64, scratch_operands = 6 : i64, tpu.core_type = #tpu.core_type<sc_vector_subcore>, window_params = [{transform_indices = #map}, {transform_indices = #map1}, {transform_indices = #map1}, {transform_indices = #map}, {transform_indices = #map1}]} {
    %mul3A = arith.constant 16 : i32
    %mul3A_0 = arith.muli %arg0, %mul3A : i32
    %add3A = arith.addi %mul3A_0, %arg1 : i32
    "tpu.region"() ({
      %run_scoped3A = tpu.sem_alloc : memref<!tpu.dma_semaphore, #tpu.memory_space<semaphore_mem>>
      %dma_start3A = arith.constant 0 : i32
      %dma_start3A_46 = arith.constant 0 : i32
      %dma_start3A_47 = tpu.memref_slice %arg3[%add3A, %dma_start3A, %dma_start3A_46] : memref<32x10x1000xi32, #tpu.memory_space<hbm>> -> memref<1x10x1000xi32, #tpu.memory_space<hbm>>
      %dma_start3A_48 = tpu.memref_squeeze %dma_start3A_47 : memref<1x10x1000xi32, #tpu.memory_space<hbm>> -> memref<10x1000xi32, #tpu.memory_space<hbm>>
      %dma_start3A_49 = arith.constant 0 : i32
      %dma_start3A_50 = arith.constant 0 : i32
      %dma_start3A_51 = tpu.memref_slice %arg3[%add3A, %dma_start3A_49, %dma_start3A_50] : memref<32x10x1000xi32, #tpu.memory_space<hbm>> -> memref<1x10x1000xi32, #tpu.memory_space<hbm>>
      %dma_start3A_52 = tpu.memref_squeeze %dma_start3A_51 : memref<1x10x1000xi32, #tpu.memory_space<hbm>> -> memref<10x1000xi32, #tpu.memory_space<hbm>>
      tpu.enqueue_dma source(%dma_start3A_52 : memref<10x1000xi32, #tpu.memory_space<hbm>>) target(%arg8 : memref<10x1000xi32, #tpu.memory_space<vmem>>) target_semaphore(%run_scoped3A : memref<!tpu.dma_semaphore, #tpu.memory_space<semaphore_mem>>)
      %dma_wait3A_53 = arith.constant 0 : i32
      %dma_wait3A_54 = arith.constant 0 : i32
      %dma_wait3A_55 = tpu.memref_slice %arg3[%add3A, %dma_wait3A_53, %dma_wait3A_54] : memref<32x10x1000xi32, #tpu.memory_space<hbm>> -> memref<1x10x1000xi32, #tpu.memory_space<hbm>>
      %dma_wait3A_56 = tpu.memref_squeeze %dma_wait3A_55 : memref<1x10x1000xi32, #tpu.memory_space<hbm>> -> memref<10x1000xi32, #tpu.memory_space<hbm>>
      %dma_wait3A_57 = arith.constant 0 : i32
      %dma_wait3A_58 = arith.constant 0 : i32
      %dma_wait3A_59 = tpu.memref_slice %arg3[%add3A, %dma_wait3A_57, %dma_wait3A_58] : memref<32x10x1000xi32, #tpu.memory_space<hbm>> -> memref<1x10x1000xi32, #tpu.memory_space<hbm>>
      %dma_wait3A_60 = tpu.memref_squeeze %dma_wait3A_59 : memref<1x10x1000xi32, #tpu.memory_space<hbm>> -> memref<10x1000xi32, #tpu.memory_space<hbm>>
      tpu.wait_dma2 semaphore(%run_scoped3A : memref<!tpu.dma_semaphore, #tpu.memory_space<semaphore_mem>>) src(%dma_wait3A_60 : memref<10x1000xi32, #tpu.memory_space<hbm>>) dst(%arg8 : memref<10x1000xi32, #tpu.memory_space<vmem>>)
      tpu.yield
    }) : () -> ()
    "tpu.region"() ({
      %run_scoped3A = tpu.sem_alloc : memref<!tpu.dma_semaphore, #tpu.memory_space<semaphore_mem>>
      %dma_start3A = arith.constant 0 : i32
      %dma_start3A_46 = arith.constant 0 : i32
      %dma_start3A_47 = tpu.memref_slice %arg4[%add3A, %dma_start3A, %dma_start3A_46] : memref<32x10x1000xi32, #tpu.memory_space<hbm>> -> memref<1x10x1000xi32, #tpu.memory_space<hbm>>
      %dma_start3A_48 = tpu.memref_squeeze %dma_start3A_47 : memref<1x10x1000xi32, #tpu.memory_space<hbm>> -> memref<10x1000xi32, #tpu.memory_space<hbm>>
      %dma_start3A_49 = arith.constant 0 : i32
      %dma_start3A_50 = arith.constant 0 : i32
      %dma_start3A_51 = tpu.memref_slice %arg4[%add3A, %dma_start3A_49, %dma_start3A_50] : memref<32x10x1000xi32, #tpu.memory_space<hbm>> -> memref<1x10x1000xi32, #tpu.memory_space<hbm>>
      %dma_start3A_52 = tpu.memref_squeeze %dma_start3A_51 : memref<1x10x1000xi32, #tpu.memory_space<hbm>> -> memref<10x1000xi32, #tpu.memory_space<hbm>>
      tpu.enqueue_dma source(%dma_start3A_52 : memref<10x1000xi32, #tpu.memory_space<hbm>>) target(%arg9 : memref<10x1000xi32, #tpu.memory_space<vmem>>) target_semaphore(%run_scoped3A : memref<!tpu.dma_semaphore, #tpu.memory_space<semaphore_mem>>)
      %dma_wait3A_53 = arith.constant 0 : i32
      %dma_wait3A_54 = arith.constant 0 : i32
      %dma_wait3A_55 = tpu.memref_slice %arg4[%add3A, %dma_wait3A_53, %dma_wait3A_54] : memref<32x10x1000xi32, #tpu.memory_space<hbm>> -> memref<1x10x1000xi32, #tpu.memory_space<hbm>>
      %dma_wait3A_56 = tpu.memref_squeeze %dma_wait3A_55 : memref<1x10x1000xi32, #tpu.memory_space<hbm>> -> memref<10x1000xi32, #tpu.memory_space<hbm>>
      %dma_wait3A_57 = arith.constant 0 : i32
      %dma_wait3A_58 = arith.constant 0 : i32
      %dma_wait3A_59 = tpu.memref_slice %arg4[%add3A, %dma_wait3A_57, %dma_wait3A_58] : memref<32x10x1000xi32, #tpu.memory_space<hbm>> -> memref<1x10x1000xi32, #tpu.memory_space<hbm>>
      %dma_wait3A_60 = tpu.memref_squeeze %dma_wait3A_59 : memref<1x10x1000xi32, #tpu.memory_space<hbm>> -> memref<10x1000xi32, #tpu.memory_space<hbm>>
      tpu.wait_dma2 semaphore(%run_scoped3A : memref<!tpu.dma_semaphore, #tpu.memory_space<semaphore_mem>>) src(%dma_wait3A_60 : memref<10x1000xi32, #tpu.memory_space<hbm>>) dst(%arg9 : memref<10x1000xi32, #tpu.memory_space<vmem>>)
      tpu.yield
    }) : () -> ()
    %mul3A_1 = arith.constant 640 : i32
    %mul3A_2 = arith.muli %arg1, %mul3A_1 : i32
    %mul3A_3 = arith.constant 640 : i32
    %mul3A_4 = arith.muli %arg1, %mul3A_3 : i32
    "tpu.region"() ({
      %run_scoped3A = tpu.sem_alloc : memref<!tpu.dma_semaphore, #tpu.memory_space<semaphore_mem>>
      %dma_start3A = arith.constant 0 : i32
      %dma_start3A_46 = tpu.memref_slice %arg7[%mul3A_4, %dma_start3A] : memref<10240x40xf32, #tpu.memory_space<vmem_shared>> -> memref<640x40xf32, #tpu.memory_space<vmem_shared>>
      %dma_start3A_47 = arith.constant 0 : i32
      %dma_start3A_48 = tpu.memref_slice %arg5[%mul3A_2, %dma_start3A_47] : memref<10240x40xf32, #tpu.memory_space<hbm>> -> memref<640x40xf32, #tpu.memory_space<hbm>>
      tpu.enqueue_dma source(%dma_start3A_48 : memref<640x40xf32, #tpu.memory_space<hbm>>) target(%dma_start3A_46 : memref<640x40xf32, #tpu.memory_space<vmem_shared>>) target_semaphore(%run_scoped3A : memref<!tpu.dma_semaphore, #tpu.memory_space<semaphore_mem>>)
      %dma_wait3A_49 = arith.constant 0 : i32
      %dma_wait3A_50 = tpu.memref_slice %arg7[%mul3A_4, %dma_wait3A_49] : memref<10240x40xf32, #tpu.memory_space<vmem_shared>> -> memref<640x40xf32, #tpu.memory_space<vmem_shared>>
      %dma_wait3A_51 = arith.constant 0 : i32
      %dma_wait3A_52 = tpu.memref_slice %arg5[%mul3A_2, %dma_wait3A_51] : memref<10240x40xf32, #tpu.memory_space<hbm>> -> memref<640x40xf32, #tpu.memory_space<hbm>>
      tpu.wait_dma2 semaphore(%run_scoped3A : memref<!tpu.dma_semaphore, #tpu.memory_space<semaphore_mem>>) src(%dma_wait3A_52 : memref<640x40xf32, #tpu.memory_space<hbm>>) dst(%dma_wait3A_50 : memref<640x40xf32, #tpu.memory_space<vmem_shared>>)
      tpu.yield
    }) : () -> ()
    %barrier3A = arith.constant 0 : index
    tpu.barrier barrier_id(%barrier3A)
    %scan3A = arith.constant 0 : i32
    %scan3A_5 = arith.constant 0 : i32
    %scan3A_6 = arith.constant 10 : i32
    %scan3A_7 = arith.addi %scan3A_5, %scan3A_6 : i32
    %scan3A_8 = arith.constant 1 : i32
    scf.for %scan3A_46 = %scan3A_5 to %scan3A_7 step %scan3A_8  : i32 {
      %rem3A = arith.constant 2 : i32
      %rem3A_47 = arith.remsi %scan3A_46, %rem3A : i32
      %ge3A = arith.constant 2 : i32
      %ge3A_48 = arith.cmpi sge, %scan3A_46, %ge3A : i32
      %convert_element_type3A = arith.extui %ge3A_48 : i1 to i32
      %cond3A = arith.constant 0 : i32
      %cond3A_49 = arith.cmpi ne, %convert_element_type3A, %cond3A : i32
      scf.if %cond3A_49 {
        %dma_wait3A_90 = arith.constant 0 : i32
        %dma_wait3A_91 = arith.constant 0 : i32
        %dma_wait3A_92 = arith.constant 0 : i32
        %dma_wait3A_93 = tpu.memref_slice %arg10[%rem3A_47, %dma_wait3A_90, %dma_wait3A_91, %dma_wait3A_92] : memref<2x1x1000x40xf32, #tpu.memory_space<vmem>> -> memref<1x1x1000x40xf32, #tpu.memory_space<vmem>>
        %dma_wait3A_94 = tpu.memref_squeeze %dma_wait3A_93 : memref<1x1x1000x40xf32, #tpu.memory_space<vmem>> -> memref<1000x40xf32, #tpu.memory_space<vmem>>
        %dma_wait3A_95 = arith.constant 0 : i32
        %dma_wait3A_96 = arith.constant 0 : i32
        %dma_wait3A_97 = tpu.memref_slice %arg2[%dma_wait3A_95, %dma_wait3A_96] : memref<10000x40xf32, #tpu.memory_space<hbm>> -> memref<1000x40xf32, #tpu.memory_space<hbm>>
        %dma_wait3A_98 = arith.constant 0 : i32
        %dma_wait3A_99 = arith.constant 0 : i32
        %dma_wait3A_100 = tpu.memref_slice %arg10[%rem3A_47, %dma_wait3A_90, %dma_wait3A_98, %dma_wait3A_99] : memref<2x1x1000x40xf32, #tpu.memory_space<vmem>> -> memref<1x1x1000x40xf32, #tpu.memory_space<vmem>>
        %dma_wait3A_101 = tpu.memref_squeeze %dma_wait3A_100 : memref<1x1x1000x40xf32, #tpu.memory_space<vmem>> -> memref<1000x40xf32, #tpu.memory_space<vmem>>
        %dma_wait3A_102 = arith.constant 0 : i32
        %dma_wait3A_103 = arith.constant 0 : i32
        %dma_wait3A_104 = tpu.memref_slice %arg2[%dma_wait3A_102, %dma_wait3A_103] : memref<10000x40xf32, #tpu.memory_space<hbm>> -> memref<1000x40xf32, #tpu.memory_space<hbm>>
        tpu.wait_dma2 semaphore(%arg12 : memref<!tpu.dma_semaphore, #tpu.memory_space<semaphore_mem>>) src(%dma_wait3A_104 : memref<1000x40xf32, #tpu.memory_space<hbm>>) dst(%dma_wait3A_101 : memref<1000x40xf32, #tpu.memory_space<vmem>>)
      } else {
      }
      %mul3A_50 = arith.constant 1 : i32
      %mul3A_51 = arith.muli %scan3A_46, %mul3A_50 : i32
      %add3A_52 = arith.constant 0 : i32
      %add3A_53 = arith.addi %mul3A_51, %add3A_52 : i32
      %dma_start3A = arith.constant 0 : i32
      %dma_start3A_54 = arith.constant 0 : i32
      %dma_start3A_55 = arith.constant 0 : i32
      %dma_start3A_56 = tpu.memref_slice %arg10[%rem3A_47, %dma_start3A, %dma_start3A_54, %dma_start3A_55] : memref<2x1x1000x40xf32, #tpu.memory_space<vmem>> -> memref<1x1x1000x40xf32, #tpu.memory_space<vmem>>
      %dma_start3A_57 = tpu.memref_squeeze %dma_start3A_56 : memref<1x1x1000x40xf32, #tpu.memory_space<vmem>> -> memref<1000x40xf32, #tpu.memory_space<vmem>>
      %dma_start3A_58 = arith.constant 0 : i32
      %dma_start3A_59 = tpu.memref_slice %arg8[%add3A_53, %dma_start3A_58] : memref<10x1000xi32, #tpu.memory_space<vmem>> -> memref<1x1000xi32, #tpu.memory_space<vmem>>
      %dma_start3A_60 = tpu.memref_squeeze %dma_start3A_59 : memref<1x1000xi32, #tpu.memory_space<vmem>> -> memref<1000xi32, #tpu.memory_space<vmem>>
      %dma_start3A_61 = arith.constant 0 : i32
      %dma_start3A_62 = arith.constant 0 : i32
      %dma_start3A_63 = tpu.memref_slice %arg2[%dma_start3A_61, %dma_start3A_62] : memref<10000x40xf32, #tpu.memory_space<hbm>> -> memref<10000x40xf32, #tpu.memory_space<hbm>>
      tpu.enqueue_indirect_dma source(%dma_start3A_63 : memref<10000x40xf32, #tpu.memory_space<hbm>>) target(%dma_start3A_57 : memref<1000x40xf32, #tpu.memory_space<vmem>>) offsets(%dma_start3A_60 : memref<1000xi32, #tpu.memory_space<vmem>>) semaphore(%arg11 : memref<!tpu.dma_semaphore, #tpu.memory_space<semaphore_mem>>)
      %dma_wait3A_64 = arith.constant 0 : i32
      %dma_wait3A_65 = arith.constant 0 : i32
      %dma_wait3A_66 = arith.constant 0 : i32
      %dma_wait3A_67 = tpu.memref_slice %arg10[%rem3A_47, %dma_wait3A_64, %dma_wait3A_65, %dma_wait3A_66] : memref<2x1x1000x40xf32, #tpu.memory_space<vmem>> -> memref<1x1x1000x40xf32, #tpu.memory_space<vmem>>
      %dma_wait3A_68 = tpu.memref_squeeze %dma_wait3A_67 : memref<1x1x1000x40xf32, #tpu.memory_space<vmem>> -> memref<1000x40xf32, #tpu.memory_space<vmem>>
      %dma_wait3A_69 = arith.constant 0 : i32
      %dma_wait3A_70 = tpu.memref_slice %arg8[%add3A_53, %dma_wait3A_69] : memref<10x1000xi32, #tpu.memory_space<vmem>> -> memref<1x1000xi32, #tpu.memory_space<vmem>>
      %dma_wait3A_71 = tpu.memref_squeeze %dma_wait3A_70 : memref<1x1000xi32, #tpu.memory_space<vmem>> -> memref<1000xi32, #tpu.memory_space<vmem>>
      %dma_wait3A_72 = arith.constant 0 : i32
      %dma_wait3A_73 = arith.constant 0 : i32
      %dma_wait3A_74 = tpu.memref_slice %arg2[%dma_wait3A_72, %dma_wait3A_73] : memref<10000x40xf32, #tpu.memory_space<hbm>> -> memref<10000x40xf32, #tpu.memory_space<hbm>>
      tpu.wait_indirect_dma semaphore(%arg11 : memref<!tpu.dma_semaphore, #tpu.memory_space<semaphore_mem>>) src(%dma_wait3A_74 : memref<10000x40xf32, #tpu.memory_space<hbm>>) dst(%dma_wait3A_68 : memref<1000x40xf32, #tpu.memory_space<vmem>>)
      %mul3A_75 = arith.constant 1 : i32
      %mul3A_76 = arith.muli %scan3A_46, %mul3A_75 : i32
      %add3A_77 = arith.constant 0 : i32
      %add3A_78 = arith.addi %mul3A_76, %add3A_77 : i32
      %dma_start3A_79 = arith.constant 0 : i32
      %dma_start3A_80 = arith.constant 0 : i32
      %dma_start3A_81 = arith.constant 0 : i32
      %dma_start3A_82 = tpu.memref_slice %arg10[%rem3A_47, %dma_start3A_79, %dma_start3A_80, %dma_start3A_81] : memref<2x1x1000x40xf32, #tpu.memory_space<vmem>> -> memref<1x1x1000x40xf32, #tpu.memory_space<vmem>>
      %dma_start3A_83 = tpu.memref_squeeze %dma_start3A_82 : memref<1x1x1000x40xf32, #tpu.memory_space<vmem>> -> memref<1000x40xf32, #tpu.memory_space<vmem>>
      %dma_start3A_84 = arith.constant 0 : i32
      %dma_start3A_85 = tpu.memref_slice %arg9[%add3A_78, %dma_start3A_84] : memref<10x1000xi32, #tpu.memory_space<vmem>> -> memref<1x1000xi32, #tpu.memory_space<vmem>>
      %dma_start3A_86 = tpu.memref_squeeze %dma_start3A_85 : memref<1x1000xi32, #tpu.memory_space<vmem>> -> memref<1000xi32, #tpu.memory_space<vmem>>
      %dma_start3A_87 = arith.constant 0 : i32
      %dma_start3A_88 = arith.constant 0 : i32
      %dma_start3A_89 = tpu.memref_slice %arg7[%dma_start3A_87, %dma_start3A_88] : memref<10240x40xf32, #tpu.memory_space<vmem_shared>> -> memref<10240x40xf32, #tpu.memory_space<vmem_shared>>
      tpu.enqueue_indirect_dma source(%dma_start3A_83 : memref<1000x40xf32, #tpu.memory_space<vmem>>) target(%dma_start3A_89 : memref<10240x40xf32, #tpu.memory_space<vmem_shared>>) offsets(%dma_start3A_86 : memref<1000xi32, #tpu.memory_space<vmem>>) semaphore(%arg12 : memref<!tpu.dma_semaphore, #tpu.memory_space<semaphore_mem>>) {add = true}
    }
    %scan3A_9 = arith.constant 10 : i32
    %dma_wait3A = arith.constant 0 : i32
    %dma_wait3A_10 = arith.constant 0 : i32
    %dma_wait3A_11 = arith.constant 0 : i32
    %dma_wait3A_12 = arith.constant 0 : i32
    %dma_wait3A_13 = tpu.memref_slice %arg10[%dma_wait3A, %dma_wait3A_10, %dma_wait3A_11, %dma_wait3A_12] : memref<2x1x1000x40xf32, #tpu.memory_space<vmem>> -> memref<1x1x1000x40xf32, #tpu.memory_space<vmem>>
    %dma_wait3A_14 = tpu.memref_squeeze %dma_wait3A_13 : memref<1x1x1000x40xf32, #tpu.memory_space<vmem>> -> memref<1000x40xf32, #tpu.memory_space<vmem>>
    %dma_wait3A_15 = arith.constant 0 : i32
    %dma_wait3A_16 = arith.constant 0 : i32
    %dma_wait3A_17 = tpu.memref_slice %arg2[%dma_wait3A_15, %dma_wait3A_16] : memref<10000x40xf32, #tpu.memory_space<hbm>> -> memref<1000x40xf32, #tpu.memory_space<hbm>>
    %dma_wait3A_18 = arith.constant 0 : i32
    %dma_wait3A_19 = arith.constant 0 : i32
    %dma_wait3A_20 = tpu.memref_slice %arg10[%dma_wait3A, %dma_wait3A_10, %dma_wait3A_18, %dma_wait3A_19] : memref<2x1x1000x40xf32, #tpu.memory_space<vmem>> -> memref<1x1x1000x40xf32, #tpu.memory_space<vmem>>
    %dma_wait3A_21 = tpu.memref_squeeze %dma_wait3A_20 : memref<1x1x1000x40xf32, #tpu.memory_space<vmem>> -> memref<1000x40xf32, #tpu.memory_space<vmem>>
    %dma_wait3A_22 = arith.constant 0 : i32
    %dma_wait3A_23 = arith.constant 0 : i32
    %dma_wait3A_24 = tpu.memref_slice %arg2[%dma_wait3A_22, %dma_wait3A_23] : memref<10000x40xf32, #tpu.memory_space<hbm>> -> memref<1000x40xf32, #tpu.memory_space<hbm>>
    tpu.wait_dma2 semaphore(%arg12 : memref<!tpu.dma_semaphore, #tpu.memory_space<semaphore_mem>>) src(%dma_wait3A_24 : memref<1000x40xf32, #tpu.memory_space<hbm>>) dst(%dma_wait3A_21 : memref<1000x40xf32, #tpu.memory_space<vmem>>)
    %dma_wait3A_25 = arith.constant 0 : i32
    %dma_wait3A_26 = arith.constant 0 : i32
    %dma_wait3A_27 = arith.constant 0 : i32
    %dma_wait3A_28 = arith.constant 0 : i32
    %dma_wait3A_29 = tpu.memref_slice %arg10[%dma_wait3A_25, %dma_wait3A_26, %dma_wait3A_27, %dma_wait3A_28] : memref<2x1x1000x40xf32, #tpu.memory_space<vmem>> -> memref<1x1x1000x40xf32, #tpu.memory_space<vmem>>
    %dma_wait3A_30 = tpu.memref_squeeze %dma_wait3A_29 : memref<1x1x1000x40xf32, #tpu.memory_space<vmem>> -> memref<1000x40xf32, #tpu.memory_space<vmem>>
    %dma_wait3A_31 = arith.constant 0 : i32
    %dma_wait3A_32 = arith.constant 0 : i32
    %dma_wait3A_33 = tpu.memref_slice %arg2[%dma_wait3A_31, %dma_wait3A_32] : memref<10000x40xf32, #tpu.memory_space<hbm>> -> memref<1000x40xf32, #tpu.memory_space<hbm>>
    %dma_wait3A_34 = arith.constant 0 : i32
    %dma_wait3A_35 = arith.constant 0 : i32
    %dma_wait3A_36 = tpu.memref_slice %arg10[%dma_wait3A_25, %dma_wait3A_26, %dma_wait3A_34, %dma_wait3A_35] : memref<2x1x1000x40xf32, #tpu.memory_space<vmem>> -> memref<1x1x1000x40xf32, #tpu.memory_space<vmem>>
    %dma_wait3A_37 = tpu.memref_squeeze %dma_wait3A_36 : memref<1x1x1000x40xf32, #tpu.memory_space<vmem>> -> memref<1000x40xf32, #tpu.memory_space<vmem>>
    %dma_wait3A_38 = arith.constant 0 : i32
    %dma_wait3A_39 = arith.constant 0 : i32
    %dma_wait3A_40 = tpu.memref_slice %arg2[%dma_wait3A_38, %dma_wait3A_39] : memref<10000x40xf32, #tpu.memory_space<hbm>> -> memref<1000x40xf32, #tpu.memory_space<hbm>>
    tpu.wait_dma2 semaphore(%arg12 : memref<!tpu.dma_semaphore, #tpu.memory_space<semaphore_mem>>) src(%dma_wait3A_40 : memref<1000x40xf32, #tpu.memory_space<hbm>>) dst(%dma_wait3A_37 : memref<1000x40xf32, #tpu.memory_space<vmem>>)
    %barrier3A_41 = arith.constant 0 : index
    tpu.barrier barrier_id(%barrier3A_41)
    %mul3A_42 = arith.constant 640 : i32
    %mul3A_43 = arith.muli %arg1, %mul3A_42 : i32
    %mul3A_44 = arith.constant 640 : i32
    %mul3A_45 = arith.muli %arg1, %mul3A_44 : i32
    "tpu.region"() ({
      %run_scoped3A = tpu.sem_alloc : memref<!tpu.dma_semaphore, #tpu.memory_space<semaphore_mem>>
      %dma_start3A = arith.constant 0 : i32
      %dma_start3A_46 = tpu.memref_slice %arg6[%arg0, %mul3A_45, %dma_start3A] : memref<2x10240x40xf32, #tpu.memory_space<hbm>> -> memref<1x640x40xf32, #tpu.memory_space<hbm>>
      %dma_start3A_47 = tpu.memref_squeeze %dma_start3A_46 : memref<1x640x40xf32, #tpu.memory_space<hbm>> -> memref<640x40xf32, #tpu.memory_space<hbm>>
      %dma_start3A_48 = arith.constant 0 : i32
      %dma_start3A_49 = tpu.memref_slice %arg7[%mul3A_43, %dma_start3A_48] : memref<10240x40xf32, #tpu.memory_space<vmem_shared>> -> memref<640x40xf32, #tpu.memory_space<vmem_shared>>
      tpu.enqueue_dma source(%dma_start3A_49 : memref<640x40xf32, #tpu.memory_space<vmem_shared>>) target(%dma_start3A_47 : memref<640x40xf32, #tpu.memory_space<hbm>>) target_semaphore(%run_scoped3A : memref<!tpu.dma_semaphore, #tpu.memory_space<semaphore_mem>>)
      %dma_wait3A_50 = arith.constant 0 : i32
      %dma_wait3A_51 = tpu.memref_slice %arg6[%arg0, %mul3A_45, %dma_wait3A_50] : memref<2x10240x40xf32, #tpu.memory_space<hbm>> -> memref<1x640x40xf32, #tpu.memory_space<hbm>>
      %dma_wait3A_52 = tpu.memref_squeeze %dma_wait3A_51 : memref<1x640x40xf32, #tpu.memory_space<hbm>> -> memref<640x40xf32, #tpu.memory_space<hbm>>
      %dma_wait3A_53 = arith.constant 0 : i32
      %dma_wait3A_54 = tpu.memref_slice %arg7[%mul3A_43, %dma_wait3A_53] : memref<10240x40xf32, #tpu.memory_space<vmem_shared>> -> memref<640x40xf32, #tpu.memory_space<vmem_shared>>
      tpu.wait_dma2 semaphore(%run_scoped3A : memref<!tpu.dma_semaphore, #tpu.memory_space<semaphore_mem>>) src(%dma_wait3A_54 : memref<640x40xf32, #tpu.memory_space<vmem_shared>>) dst(%dma_wait3A_52 : memref<640x40xf32, #tpu.memory_space<hbm>>)
      tpu.yield
    }) : () -> ()
    return
  }
}

#map = affine_map<(d0, d1) -> (0, 0)>
#map1 = affine_map<(d0, d1) -> (0, 0, 0)>
module attributes {stable_mosaic.version = 14 : i64} {
  func.func @k(%arg0: i32, %arg1: i32, %arg2: memref<10000x8xf32, #tpu.memory_space<hbm>>, %arg3: memref<32x10x1000xi32, #tpu.memory_space<hbm>>, %arg4: memref<32x10x1000xi32, #tpu.memory_space<hbm>>, %arg5: memref<10240x8xf32, #tpu.memory_space<hbm>>, %arg6: memref<2x10240x8xf32, #tpu.memory_space<hbm>>, %arg7: memref<10240x8xf32, #tpu.memory_space<vmem_shared>>, %arg8: memref<10x1000xi32, #tpu.memory_space<vmem>>, %arg9: memref<10x1000xi32, #tpu.memory_space<vmem>>, %arg10: memref<2x1x1000x8xf32, #tpu.memory_space<vmem>>, %arg11: memref<!tpu.dma_semaphore, #tpu.memory_space<semaphore_mem>>, %arg12: memref<!tpu.dma_semaphore, #tpu.memory_space<semaphore_mem>>) attributes {dimension_semantics = [#tpu.dimension_semantics<core_parallel>, #tpu.dimension_semantics<subcore_parallel>], iteration_bounds = array<i64: 2, 16>, scalar_prefetch = 0 : i64, scratch_operands = 6 : i64, tpu.core_type = #tpu.core_type<sc_vector_subcore>, window_params = [{transform_indices = #map}, {transform_indices = #map1}, {transform_indices = #map1}, {transform_indices = #map}, {transform_indices = #map1}]} {
    %mul3A = arith.constant 16 : i32
    %mul3A_0 = arith.muli %arg0, %mul3A : i32
    %add3A = arith.addi %mul3A_0, %arg1 : i32
    "tpu.region"() ({
      %run_scoped3A = tpu.sem_alloc : memref<!tpu.dma_semaphore, #tpu.memory_space<semaphore_mem>>
      %dma_start3A = arith.constant 0 : i32
      %dma_start3A_46 = arith.constant 0 : i32
      %dma_start3A_47 = tpu.memref_slice %arg3[%add3A, %dma_start3A, %dma_start3A_46] : memref<32x10x1000xi32, #tpu.memory_space<hbm>> -> memref<1x10x1000xi32, #tpu.memory_space<hbm>>
      %dma_start3A_48 = tpu.memref_squeeze %dma_start3A_47 : memref<1x10x1000xi32, #tpu.memory_space<hbm>> -> memref<10x1000xi32, #tpu.memory_space<hbm>>
      %dma_start3A_49 = arith.constant 0 : i32
      %dma_start3A_50 = arith.constant 0 : i32
      %dma_start3A_51 = tpu.memref_slice %arg3[%add3A, %dma_start3A_49, %dma_start3A_50] : memref<32x10x1000xi32, #tpu.memory_space<hbm>> -> memref<1x10x1000xi32, #tpu.memory_space<hbm>>
      %dma_start3A_52 = tpu.memref_squeeze %dma_start3A_51 : memref<1x10x1000xi32, #tpu.memory_space<hbm>> -> memref<10x1000xi32, #tpu.memory_space<hbm>>
      tpu.enqueue_dma source(%dma_start3A_52 : memref<10x1000xi32, #tpu.memory_space<hbm>>) target(%arg8 : memref<10x1000xi32, #tpu.memory_space<vmem>>) target_semaphore(%run_scoped3A : memref<!tpu.dma_semaphore, #tpu.memory_space<semaphore_mem>>)
      %dma_wait3A_53 = arith.constant 0 : i32
      %dma_wait3A_54 = arith.constant 0 : i32
      %dma_wait3A_55 = tpu.memref_slice %arg3[%add3A, %dma_wait3A_53, %dma_wait3A_54] : memref<32x10x1000xi32, #tpu.memory_space<hbm>> -> memref<1x10x1000xi32, #tpu.memory_space<hbm>>
      %dma_wait3A_56 = tpu.memref_squeeze %dma_wait3A_55 : memref<1x10x1000xi32, #tpu.memory_space<hbm>> -> memref<10x1000xi32, #tpu.memory_space<hbm>>
      %dma_wait3A_57 = arith.constant 0 : i32
      %dma_wait3A_58 = arith.constant 0 : i32
      %dma_wait3A_59 = tpu.memref_slice %arg3[%add3A, %dma_wait3A_57, %dma_wait3A_58] : memref<32x10x1000xi32, #tpu.memory_space<hbm>> -> memref<1x10x1000xi32, #tpu.memory_space<hbm>>
      %dma_wait3A_60 = tpu.memref_squeeze %dma_wait3A_59 : memref<1x10x1000xi32, #tpu.memory_space<hbm>> -> memref<10x1000xi32, #tpu.memory_space<hbm>>
      tpu.wait_dma2 semaphore(%run_scoped3A : memref<!tpu.dma_semaphore, #tpu.memory_space<semaphore_mem>>) src(%dma_wait3A_60 : memref<10x1000xi32, #tpu.memory_space<hbm>>) dst(%arg8 : memref<10x1000xi32, #tpu.memory_space<vmem>>)
      tpu.yield
    }) : () -> ()
    "tpu.region"() ({
      %run_scoped3A = tpu.sem_alloc : memref<!tpu.dma_semaphore, #tpu.memory_space<semaphore_mem>>
      %dma_start3A = arith.constant 0 : i32
      %dma_start3A_46 = arith.constant 0 : i32
      %dma_start3A_47 = tpu.memref_slice %arg4[%add3A, %dma_start3A, %dma_start3A_46] : memref<32x10x1000xi32, #tpu.memory_space<hbm>> -> memref<1x10x1000xi32, #tpu.memory_space<hbm>>
      %dma_start3A_48 = tpu.memref_squeeze %dma_start3A_47 : memref<1x10x1000xi32, #tpu.memory_space<hbm>> -> memref<10x1000xi32, #tpu.memory_space<hbm>>
      %dma_start3A_49 = arith.constant 0 : i32
      %dma_start3A_50 = arith.constant 0 : i32
      %dma_start3A_51 = tpu.memref_slice %arg4[%add3A, %dma_start3A_49, %dma_start3A_50] : memref<32x10x1000xi32, #tpu.memory_space<hbm>> -> memref<1x10x1000xi32, #tpu.memory_space<hbm>>
      %dma_start3A_52 = tpu.memref_squeeze %dma_start3A_51 : memref<1x10x1000xi32, #tpu.memory_space<hbm>> -> memref<10x1000xi32, #tpu.memory_space<hbm>>
      tpu.enqueue_dma source(%dma_start3A_52 : memref<10x1000xi32, #tpu.memory_space<hbm>>) target(%arg9 : memref<10x1000xi32, #tpu.memory_space<vmem>>) target_semaphore(%run_scoped3A : memref<!tpu.dma_semaphore, #tpu.memory_space<semaphore_mem>>)
      %dma_wait3A_53 = arith.constant 0 : i32
      %dma_wait3A_54 = arith.constant 0 : i32
      %dma_wait3A_55 = tpu.memref_slice %arg4[%add3A, %dma_wait3A_53, %dma_wait3A_54] : memref<32x10x1000xi32, #tpu.memory_space<hbm>> -> memref<1x10x1000xi32, #tpu.memory_space<hbm>>
      %dma_wait3A_56 = tpu.memref_squeeze %dma_wait3A_55 : memref<1x10x1000xi32, #tpu.memory_space<hbm>> -> memref<10x1000xi32, #tpu.memory_space<hbm>>
      %dma_wait3A_57 = arith.constant 0 : i32
      %dma_wait3A_58 = arith.constant 0 : i32
      %dma_wait3A_59 = tpu.memref_slice %arg4[%add3A, %dma_wait3A_57, %dma_wait3A_58] : memref<32x10x1000xi32, #tpu.memory_space<hbm>> -> memref<1x10x1000xi32, #tpu.memory_space<hbm>>
      %dma_wait3A_60 = tpu.memref_squeeze %dma_wait3A_59 : memref<1x10x1000xi32, #tpu.memory_space<hbm>> -> memref<10x1000xi32, #tpu.memory_space<hbm>>
      tpu.wait_dma2 semaphore(%run_scoped3A : memref<!tpu.dma_semaphore, #tpu.memory_space<semaphore_mem>>) src(%dma_wait3A_60 : memref<10x1000xi32, #tpu.memory_space<hbm>>) dst(%arg9 : memref<10x1000xi32, #tpu.memory_space<vmem>>)
      tpu.yield
    }) : () -> ()
    %mul3A_1 = arith.constant 640 : i32
    %mul3A_2 = arith.muli %arg1, %mul3A_1 : i32
    %mul3A_3 = arith.constant 640 : i32
    %mul3A_4 = arith.muli %arg1, %mul3A_3 : i32
    "tpu.region"() ({
      %run_scoped3A = tpu.sem_alloc : memref<!tpu.dma_semaphore, #tpu.memory_space<semaphore_mem>>
      %dma_start3A = arith.constant 0 : i32
      %dma_start3A_46 = tpu.memref_slice %arg7[%mul3A_4, %dma_start3A] : memref<10240x8xf32, #tpu.memory_space<vmem_shared>> -> memref<640x8xf32, #tpu.memory_space<vmem_shared>>
      %dma_start3A_47 = arith.constant 0 : i32
      %dma_start3A_48 = tpu.memref_slice %arg5[%mul3A_2, %dma_start3A_47] : memref<10240x8xf32, #tpu.memory_space<hbm>> -> memref<640x8xf32, #tpu.memory_space<hbm>>
      tpu.enqueue_dma source(%dma_start3A_48 : memref<640x8xf32, #tpu.memory_space<hbm>>) target(%dma_start3A_46 : memref<640x8xf32, #tpu.memory_space<vmem_shared>>) target_semaphore(%run_scoped3A : memref<!tpu.dma_semaphore, #tpu.memory_space<semaphore_mem>>)
      %dma_wait3A_49 = arith.constant 0 : i32
      %dma_wait3A_50 = tpu.memref_slice %arg7[%mul3A_4, %dma_wait3A_49] : memref<10240x8xf32, #tpu.memory_space<vmem_shared>> -> memref<640x8xf32, #tpu.memory_space<vmem_shared>>
      %dma_wait3A_51 = arith.constant 0 : i32
      %dma_wait3A_52 = tpu.memref_slice %arg5[%mul3A_2, %dma_wait3A_51] : memref<10240x8xf32, #tpu.memory_space<hbm>> -> memref<640x8xf32, #tpu.memory_space<hbm>>
      tpu.wait_dma2 semaphore(%run_scoped3A : memref<!tpu.dma_semaphore, #tpu.memory_space<semaphore_mem>>) src(%dma_wait3A_52 : memref<640x8xf32, #tpu.memory_space<hbm>>) dst(%dma_wait3A_50 : memref<640x8xf32, #tpu.memory_space<vmem_shared>>)
      tpu.yield
    }) : () -> ()
    %barrier3A = arith.constant 0 : index
    tpu.barrier barrier_id(%barrier3A)
    %scan3A = arith.constant 0 : i32
    %scan3A_5 = arith.constant 0 : i32
    %scan3A_6 = arith.constant 10 : i32
    %scan3A_7 = arith.addi %scan3A_5, %scan3A_6 : i32
    %scan3A_8 = arith.constant 1 : i32
    scf.for %scan3A_46 = %scan3A_5 to %scan3A_7 step %scan3A_8  : i32 {
      %rem3A = arith.constant 2 : i32
      %rem3A_47 = arith.remsi %scan3A_46, %rem3A : i32
      %ge3A = arith.constant 2 : i32
      %ge3A_48 = arith.cmpi sge, %scan3A_46, %ge3A : i32
      %convert_element_type3A = arith.extui %ge3A_48 : i1 to i32
      %cond3A = arith.constant 0 : i32
      %cond3A_49 = arith.cmpi ne, %convert_element_type3A, %cond3A : i32
      scf.if %cond3A_49 {
        %dma_wait3A_90 = arith.constant 0 : i32
        %dma_wait3A_91 = arith.constant 0 : i32
        %dma_wait3A_92 = arith.constant 0 : i32
        %dma_wait3A_93 = tpu.memref_slice %arg10[%rem3A_47, %dma_wait3A_90, %dma_wait3A_91, %dma_wait3A_92] : memref<2x1x1000x8xf32, #tpu.memory_space<vmem>> -> memref<1x1x1000x8xf32, #tpu.memory_space<vmem>>
        %dma_wait3A_94 = tpu.memref_squeeze %dma_wait3A_93 : memref<1x1x1000x8xf32, #tpu.memory_space<vmem>> -> memref<1000x8xf32, #tpu.memory_space<vmem>>
        %dma_wait3A_95 = arith.constant 0 : i32
        %dma_wait3A_96 = arith.constant 0 : i32
        %dma_wait3A_97 = tpu.memref_slice %arg2[%dma_wait3A_95, %dma_wait3A_96] : memref<10000x8xf32, #tpu.memory_space<hbm>> -> memref<1000x8xf32, #tpu.memory_space<hbm>>
        %dma_wait3A_98 = arith.constant 0 : i32
        %dma_wait3A_99 = arith.constant 0 : i32
        %dma_wait3A_100 = tpu.memref_slice %arg10[%rem3A_47, %dma_wait3A_90, %dma_wait3A_98, %dma_wait3A_99] : memref<2x1x1000x8xf32, #tpu.memory_space<vmem>> -> memref<1x1x1000x8xf32, #tpu.memory_space<vmem>>
        %dma_wait3A_101 = tpu.memref_squeeze %dma_wait3A_100 : memref<1x1x1000x8xf32, #tpu.memory_space<vmem>> -> memref<1000x8xf32, #tpu.memory_space<vmem>>
        %dma_wait3A_102 = arith.constant 0 : i32
        %dma_wait3A_103 = arith.constant 0 : i32
        %dma_wait3A_104 = tpu.memref_slice %arg2[%dma_wait3A_102, %dma_wait3A_103] : memref<10000x8xf32, #tpu.memory_space<hbm>> -> memref<1000x8xf32, #tpu.memory_space<hbm>>
        tpu.wait_dma2 semaphore(%arg12 : memref<!tpu.dma_semaphore, #tpu.memory_space<semaphore_mem>>) src(%dma_wait3A_104 : memref<1000x8xf32, #tpu.memory_space<hbm>>) dst(%dma_wait3A_101 : memref<1000x8xf32, #tpu.memory_space<vmem>>)
      } else {
      }
      %mul3A_50 = arith.constant 1 : i32
      %mul3A_51 = arith.muli %scan3A_46, %mul3A_50 : i32
      %add3A_52 = arith.constant 0 : i32
      %add3A_53 = arith.addi %mul3A_51, %add3A_52 : i32
      %dma_start3A = arith.constant 0 : i32
      %dma_start3A_54 = arith.constant 0 : i32
      %dma_start3A_55 = arith.constant 0 : i32
      %dma_start3A_56 = tpu.memref_slice %arg10[%rem3A_47, %dma_start3A, %dma_start3A_54, %dma_start3A_55] : memref<2x1x1000x8xf32, #tpu.memory_space<vmem>> -> memref<1x1x1000x8xf32, #tpu.memory_space<vmem>>
      %dma_start3A_57 = tpu.memref_squeeze %dma_start3A_56 : memref<1x1x1000x8xf32, #tpu.memory_space<vmem>> -> memref<1000x8xf32, #tpu.memory_space<vmem>>
      %dma_start3A_58 = arith.constant 0 : i32
      %dma_start3A_59 = tpu.memref_slice %arg8[%add3A_53, %dma_start3A_58] : memref<10x1000xi32, #tpu.memory_space<vmem>> -> memref<1x1000xi32, #tpu.memory_space<vmem>>
      %dma_start3A_60 = tpu.memref_squeeze %dma_start3A_59 : memref<1x1000xi32, #tpu.memory_space<vmem>> -> memref<1000xi32, #tpu.memory_space<vmem>>
      %dma_start3A_61 = arith.constant 0 : i32
      %dma_start3A_62 = arith.constant 0 : i32
      %dma_start3A_63 = tpu.memref_slice %arg2[%dma_start3A_61, %dma_start3A_62] : memref<10000x8xf32, #tpu.memory_space<hbm>> -> memref<10000x8xf32, #tpu.memory_space<hbm>>
      tpu.enqueue_indirect_dma source(%dma_start3A_63 : memref<10000x8xf32, #tpu.memory_space<hbm>>) target(%dma_start3A_57 : memref<1000x8xf32, #tpu.memory_space<vmem>>) offsets(%dma_start3A_60 : memref<1000xi32, #tpu.memory_space<vmem>>) semaphore(%arg11 : memref<!tpu.dma_semaphore, #tpu.memory_space<semaphore_mem>>)
      %dma_wait3A_64 = arith.constant 0 : i32
      %dma_wait3A_65 = arith.constant 0 : i32
      %dma_wait3A_66 = arith.constant 0 : i32
      %dma_wait3A_67 = tpu.memref_slice %arg10[%rem3A_47, %dma_wait3A_64, %dma_wait3A_65, %dma_wait3A_66] : memref<2x1x1000x8xf32, #tpu.memory_space<vmem>> -> memref<1x1x1000x8xf32, #tpu.memory_space<vmem>>
      %dma_wait3A_68 = tpu.memref_squeeze %dma_wait3A_67 : memref<1x1x1000x8xf32, #tpu.memory_space<vmem>> -> memref<1000x8xf32, #tpu.memory_space<vmem>>
      %dma_wait3A_69 = arith.constant 0 : i32
      %dma_wait3A_70 = tpu.memref_slice %arg8[%add3A_53, %dma_wait3A_69] : memref<10x1000xi32, #tpu.memory_space<vmem>> -> memref<1x1000xi32, #tpu.memory_space<vmem>>
      %dma_wait3A_71 = tpu.memref_squeeze %dma_wait3A_70 : memref<1x1000xi32, #tpu.memory_space<vmem>> -> memref<1000xi32, #tpu.memory_space<vmem>>
      %dma_wait3A_72 = arith.constant 0 : i32
      %dma_wait3A_73 = arith.constant 0 : i32
      %dma_wait3A_74 = tpu.memref_slice %arg2[%dma_wait3A_72, %dma_wait3A_73] : memref<10000x8xf32, #tpu.memory_space<hbm>> -> memref<10000x8xf32, #tpu.memory_space<hbm>>
      tpu.wait_indirect_dma semaphore(%arg11 : memref<!tpu.dma_semaphore, #tpu.memory_space<semaphore_mem>>) src(%dma_wait3A_74 : memref<10000x8xf32, #tpu.memory_space<hbm>>) dst(%dma_wait3A_68 : memref<1000x8xf32, #tpu.memory_space<vmem>>)
      %mul3A_75 = arith.constant 1 : i32
      %mul3A_76 = arith.muli %scan3A_46, %mul3A_75 : i32
      %add3A_77 = arith.constant 0 : i32
      %add3A_78 = arith.addi %mul3A_76, %add3A_77 : i32
      %dma_start3A_79 = arith.constant 0 : i32
      %dma_start3A_80 = arith.constant 0 : i32
      %dma_start3A_81 = arith.constant 0 : i32
      %dma_start3A_82 = tpu.memref_slice %arg10[%rem3A_47, %dma_start3A_79, %dma_start3A_80, %dma_start3A_81] : memref<2x1x1000x8xf32, #tpu.memory_space<vmem>> -> memref<1x1x1000x8xf32, #tpu.memory_space<vmem>>
      %dma_start3A_83 = tpu.memref_squeeze %dma_start3A_82 : memref<1x1x1000x8xf32, #tpu.memory_space<vmem>> -> memref<1000x8xf32, #tpu.memory_space<vmem>>
      %dma_start3A_84 = arith.constant 0 : i32
      %dma_start3A_85 = tpu.memref_slice %arg9[%add3A_78, %dma_start3A_84] : memref<10x1000xi32, #tpu.memory_space<vmem>> -> memref<1x1000xi32, #tpu.memory_space<vmem>>
      %dma_start3A_86 = tpu.memref_squeeze %dma_start3A_85 : memref<1x1000xi32, #tpu.memory_space<vmem>> -> memref<1000xi32, #tpu.memory_space<vmem>>
      %dma_start3A_87 = arith.constant 0 : i32
      %dma_start3A_88 = arith.constant 0 : i32
      %dma_start3A_89 = tpu.memref_slice %arg7[%dma_start3A_87, %dma_start3A_88] : memref<10240x8xf32, #tpu.memory_space<vmem_shared>> -> memref<10240x8xf32, #tpu.memory_space<vmem_shared>>
      tpu.enqueue_indirect_dma source(%dma_start3A_83 : memref<1000x8xf32, #tpu.memory_space<vmem>>) target(%dma_start3A_89 : memref<10240x8xf32, #tpu.memory_space<vmem_shared>>) offsets(%dma_start3A_86 : memref<1000xi32, #tpu.memory_space<vmem>>) semaphore(%arg12 : memref<!tpu.dma_semaphore, #tpu.memory_space<semaphore_mem>>) {add = true}
    }
    %scan3A_9 = arith.constant 10 : i32
    %dma_wait3A = arith.constant 0 : i32
    %dma_wait3A_10 = arith.constant 0 : i32
    %dma_wait3A_11 = arith.constant 0 : i32
    %dma_wait3A_12 = arith.constant 0 : i32
    %dma_wait3A_13 = tpu.memref_slice %arg10[%dma_wait3A, %dma_wait3A_10, %dma_wait3A_11, %dma_wait3A_12] : memref<2x1x1000x8xf32, #tpu.memory_space<vmem>> -> memref<1x1x1000x8xf32, #tpu.memory_space<vmem>>
    %dma_wait3A_14 = tpu.memref_squeeze %dma_wait3A_13 : memref<1x1x1000x8xf32, #tpu.memory_space<vmem>> -> memref<1000x8xf32, #tpu.memory_space<vmem>>
    %dma_wait3A_15 = arith.constant 0 : i32
    %dma_wait3A_16 = arith.constant 0 : i32
    %dma_wait3A_17 = tpu.memref_slice %arg2[%dma_wait3A_15, %dma_wait3A_16] : memref<10000x8xf32, #tpu.memory_space<hbm>> -> memref<1000x8xf32, #tpu.memory_space<hbm>>
    %dma_wait3A_18 = arith.constant 0 : i32
    %dma_wait3A_19 = arith.constant 0 : i32
    %dma_wait3A_20 = tpu.memref_slice %arg10[%dma_wait3A, %dma_wait3A_10, %dma_wait3A_18, %dma_wait3A_19] : memref<2x1x1000x8xf32, #tpu.memory_space<vmem>> -> memref<1x1x1000x8xf32, #tpu.memory_space<vmem>>
    %dma_wait3A_21 = tpu.memref_squeeze %dma_wait3A_20 : memref<1x1x1000x8xf32, #tpu.memory_space<vmem>> -> memref<1000x8xf32, #tpu.memory_space<vmem>>
    %dma_wait3A_22 = arith.constant 0 : i32
    %dma_wait3A_23 = arith.constant 0 : i32
    %dma_wait3A_24 = tpu.memref_slice %arg2[%dma_wait3A_22, %dma_wait3A_23] : memref<10000x8xf32, #tpu.memory_space<hbm>> -> memref<1000x8xf32, #tpu.memory_space<hbm>>
    tpu.wait_dma2 semaphore(%arg12 : memref<!tpu.dma_semaphore, #tpu.memory_space<semaphore_mem>>) src(%dma_wait3A_24 : memref<1000x8xf32, #tpu.memory_space<hbm>>) dst(%dma_wait3A_21 : memref<1000x8xf32, #tpu.memory_space<vmem>>)
    %dma_wait3A_25 = arith.constant 0 : i32
    %dma_wait3A_26 = arith.constant 0 : i32
    %dma_wait3A_27 = arith.constant 0 : i32
    %dma_wait3A_28 = arith.constant 0 : i32
    %dma_wait3A_29 = tpu.memref_slice %arg10[%dma_wait3A_25, %dma_wait3A_26, %dma_wait3A_27, %dma_wait3A_28] : memref<2x1x1000x8xf32, #tpu.memory_space<vmem>> -> memref<1x1x1000x8xf32, #tpu.memory_space<vmem>>
    %dma_wait3A_30 = tpu.memref_squeeze %dma_wait3A_29 : memref<1x1x1000x8xf32, #tpu.memory_space<vmem>> -> memref<1000x8xf32, #tpu.memory_space<vmem>>
    %dma_wait3A_31 = arith.constant 0 : i32
    %dma_wait3A_32 = arith.constant 0 : i32
    %dma_wait3A_33 = tpu.memref_slice %arg2[%dma_wait3A_31, %dma_wait3A_32] : memref<10000x8xf32, #tpu.memory_space<hbm>> -> memref<1000x8xf32, #tpu.memory_space<hbm>>
    %dma_wait3A_34 = arith.constant 0 : i32
    %dma_wait3A_35 = arith.constant 0 : i32
    %dma_wait3A_36 = tpu.memref_slice %arg10[%dma_wait3A_25, %dma_wait3A_26, %dma_wait3A_34, %dma_wait3A_35] : memref<2x1x1000x8xf32, #tpu.memory_space<vmem>> -> memref<1x1x1000x8xf32, #tpu.memory_space<vmem>>
    %dma_wait3A_37 = tpu.memref_squeeze %dma_wait3A_36 : memref<1x1x1000x8xf32, #tpu.memory_space<vmem>> -> memref<1000x8xf32, #tpu.memory_space<vmem>>
    %dma_wait3A_38 = arith.constant 0 : i32
    %dma_wait3A_39 = arith.constant 0 : i32
    %dma_wait3A_40 = tpu.memref_slice %arg2[%dma_wait3A_38, %dma_wait3A_39] : memref<10000x8xf32, #tpu.memory_space<hbm>> -> memref<1000x8xf32, #tpu.memory_space<hbm>>
    tpu.wait_dma2 semaphore(%arg12 : memref<!tpu.dma_semaphore, #tpu.memory_space<semaphore_mem>>) src(%dma_wait3A_40 : memref<1000x8xf32, #tpu.memory_space<hbm>>) dst(%dma_wait3A_37 : memref<1000x8xf32, #tpu.memory_space<vmem>>)
    %barrier3A_41 = arith.constant 0 : index
    tpu.barrier barrier_id(%barrier3A_41)
    %mul3A_42 = arith.constant 640 : i32
    %mul3A_43 = arith.muli %arg1, %mul3A_42 : i32
    %mul3A_44 = arith.constant 640 : i32
    %mul3A_45 = arith.muli %arg1, %mul3A_44 : i32
    "tpu.region"() ({
      %run_scoped3A = tpu.sem_alloc : memref<!tpu.dma_semaphore, #tpu.memory_space<semaphore_mem>>
      %dma_start3A = arith.constant 0 : i32
      %dma_start3A_46 = tpu.memref_slice %arg6[%arg0, %mul3A_45, %dma_start3A] : memref<2x10240x8xf32, #tpu.memory_space<hbm>> -> memref<1x640x8xf32, #tpu.memory_space<hbm>>
      %dma_start3A_47 = tpu.memref_squeeze %dma_start3A_46 : memref<1x640x8xf32, #tpu.memory_space<hbm>> -> memref<640x8xf32, #tpu.memory_space<hbm>>
      %dma_start3A_48 = arith.constant 0 : i32
      %dma_start3A_49 = tpu.memref_slice %arg7[%mul3A_43, %dma_start3A_48] : memref<10240x8xf32, #tpu.memory_space<vmem_shared>> -> memref<640x8xf32, #tpu.memory_space<vmem_shared>>
      tpu.enqueue_dma source(%dma_start3A_49 : memref<640x8xf32, #tpu.memory_space<vmem_shared>>) target(%dma_start3A_47 : memref<640x8xf32, #tpu.memory_space<hbm>>) target_semaphore(%run_scoped3A : memref<!tpu.dma_semaphore, #tpu.memory_space<semaphore_mem>>)
      %dma_wait3A_50 = arith.constant 0 : i32
      %dma_wait3A_51 = tpu.memref_slice %arg6[%arg0, %mul3A_45, %dma_wait3A_50] : memref<2x10240x8xf32, #tpu.memory_space<hbm>> -> memref<1x640x8xf32, #tpu.memory_space<hbm>>
      %dma_wait3A_52 = tpu.memref_squeeze %dma_wait3A_51 : memref<1x640x8xf32, #tpu.memory_space<hbm>> -> memref<640x8xf32, #tpu.memory_space<hbm>>
      %dma_wait3A_53 = arith.constant 0 : i32
      %dma_wait3A_54 = tpu.memref_slice %arg7[%mul3A_43, %dma_wait3A_53] : memref<10240x8xf32, #tpu.memory_space<vmem_shared>> -> memref<640x8xf32, #tpu.memory_space<vmem_shared>>
      tpu.wait_dma2 semaphore(%run_scoped3A : memref<!tpu.dma_semaphore, #tpu.memory_space<semaphore_mem>>) src(%dma_wait3A_54 : memref<640x8xf32, #tpu.memory_space<vmem_shared>>) dst(%dma_wait3A_52 : memref<640x8xf32, #tpu.memory_space<hbm>>)
      tpu.yield
    }) : () -> ()
    return
  }
}

#map = affine_map<(d0, d1) -> (0, 0)>
#map1 = affine_map<(d0, d1) -> (0, 0, 0)>
module attributes {stable_mosaic.version = 14 : i64} {
  func.func @k(%arg0: i32, %arg1: i32, %arg2: memref<10000x32xf32, #tpu.memory_space<hbm>>, %arg3: memref<32x10x1000xi32, #tpu.memory_space<hbm>>, %arg4: memref<32x10x1000xi32, #tpu.memory_space<hbm>>, %arg5: memref<10240x32xf32, #tpu.memory_space<hbm>>, %arg6: memref<2x10240x32xf32, #tpu.memory_space<hbm>>, %arg7: memref<10240x32xf32, #tpu.memory_space<vmem_shared>>, %arg8: memref<10x1000xi32, #tpu.memory_space<vmem>>, %arg9: memref<10x1000xi32, #tpu.memory_space<vmem>>, %arg10: memref<2x1x1000x32xf32, #tpu.memory_space<vmem>>, %arg11: memref<!tpu.dma_semaphore, #tpu.memory_space<semaphore_mem>>, %arg12: memref<!tpu.dma_semaphore, #tpu.memory_space<semaphore_mem>>) attributes {dimension_semantics = [#tpu.dimension_semantics<core_parallel>, #tpu.dimension_semantics<subcore_parallel>], iteration_bounds = array<i64: 2, 16>, scalar_prefetch = 0 : i64, scratch_operands = 6 : i64, tpu.core_type = #tpu.core_type<sc_vector_subcore>, window_params = [{transform_indices = #map}, {transform_indices = #map1}, {transform_indices = #map1}, {transform_indices = #map}, {transform_indices = #map1}]} {
    %mul3A = arith.constant 16 : i32
    %mul3A_0 = arith.muli %arg0, %mul3A : i32
    %add3A = arith.addi %mul3A_0, %arg1 : i32
    "tpu.region"() ({
      %run_scoped3A = tpu.sem_alloc : memref<!tpu.dma_semaphore, #tpu.memory_space<semaphore_mem>>
      %dma_start3A = arith.constant 0 : i32
      %dma_start3A_46 = arith.constant 0 : i32
      %dma_start3A_47 = tpu.memref_slice %arg3[%add3A, %dma_start3A, %dma_start3A_46] : memref<32x10x1000xi32, #tpu.memory_space<hbm>> -> memref<1x10x1000xi32, #tpu.memory_space<hbm>>
      %dma_start3A_48 = tpu.memref_squeeze %dma_start3A_47 : memref<1x10x1000xi32, #tpu.memory_space<hbm>> -> memref<10x1000xi32, #tpu.memory_space<hbm>>
      %dma_start3A_49 = arith.constant 0 : i32
      %dma_start3A_50 = arith.constant 0 : i32
      %dma_start3A_51 = tpu.memref_slice %arg3[%add3A, %dma_start3A_49, %dma_start3A_50] : memref<32x10x1000xi32, #tpu.memory_space<hbm>> -> memref<1x10x1000xi32, #tpu.memory_space<hbm>>
      %dma_start3A_52 = tpu.memref_squeeze %dma_start3A_51 : memref<1x10x1000xi32, #tpu.memory_space<hbm>> -> memref<10x1000xi32, #tpu.memory_space<hbm>>
      tpu.enqueue_dma source(%dma_start3A_52 : memref<10x1000xi32, #tpu.memory_space<hbm>>) target(%arg8 : memref<10x1000xi32, #tpu.memory_space<vmem>>) target_semaphore(%run_scoped3A : memref<!tpu.dma_semaphore, #tpu.memory_space<semaphore_mem>>)
      %dma_wait3A_53 = arith.constant 0 : i32
      %dma_wait3A_54 = arith.constant 0 : i32
      %dma_wait3A_55 = tpu.memref_slice %arg3[%add3A, %dma_wait3A_53, %dma_wait3A_54] : memref<32x10x1000xi32, #tpu.memory_space<hbm>> -> memref<1x10x1000xi32, #tpu.memory_space<hbm>>
      %dma_wait3A_56 = tpu.memref_squeeze %dma_wait3A_55 : memref<1x10x1000xi32, #tpu.memory_space<hbm>> -> memref<10x1000xi32, #tpu.memory_space<hbm>>
      %dma_wait3A_57 = arith.constant 0 : i32
      %dma_wait3A_58 = arith.constant 0 : i32
      %dma_wait3A_59 = tpu.memref_slice %arg3[%add3A, %dma_wait3A_57, %dma_wait3A_58] : memref<32x10x1000xi32, #tpu.memory_space<hbm>> -> memref<1x10x1000xi32, #tpu.memory_space<hbm>>
      %dma_wait3A_60 = tpu.memref_squeeze %dma_wait3A_59 : memref<1x10x1000xi32, #tpu.memory_space<hbm>> -> memref<10x1000xi32, #tpu.memory_space<hbm>>
      tpu.wait_dma2 semaphore(%run_scoped3A : memref<!tpu.dma_semaphore, #tpu.memory_space<semaphore_mem>>) src(%dma_wait3A_60 : memref<10x1000xi32, #tpu.memory_space<hbm>>) dst(%arg8 : memref<10x1000xi32, #tpu.memory_space<vmem>>)
      tpu.yield
    }) : () -> ()
    "tpu.region"() ({
      %run_scoped3A = tpu.sem_alloc : memref<!tpu.dma_semaphore, #tpu.memory_space<semaphore_mem>>
      %dma_start3A = arith.constant 0 : i32
      %dma_start3A_46 = arith.constant 0 : i32
      %dma_start3A_47 = tpu.memref_slice %arg4[%add3A, %dma_start3A, %dma_start3A_46] : memref<32x10x1000xi32, #tpu.memory_space<hbm>> -> memref<1x10x1000xi32, #tpu.memory_space<hbm>>
      %dma_start3A_48 = tpu.memref_squeeze %dma_start3A_47 : memref<1x10x1000xi32, #tpu.memory_space<hbm>> -> memref<10x1000xi32, #tpu.memory_space<hbm>>
      %dma_start3A_49 = arith.constant 0 : i32
      %dma_start3A_50 = arith.constant 0 : i32
      %dma_start3A_51 = tpu.memref_slice %arg4[%add3A, %dma_start3A_49, %dma_start3A_50] : memref<32x10x1000xi32, #tpu.memory_space<hbm>> -> memref<1x10x1000xi32, #tpu.memory_space<hbm>>
      %dma_start3A_52 = tpu.memref_squeeze %dma_start3A_51 : memref<1x10x1000xi32, #tpu.memory_space<hbm>> -> memref<10x1000xi32, #tpu.memory_space<hbm>>
      tpu.enqueue_dma source(%dma_start3A_52 : memref<10x1000xi32, #tpu.memory_space<hbm>>) target(%arg9 : memref<10x1000xi32, #tpu.memory_space<vmem>>) target_semaphore(%run_scoped3A : memref<!tpu.dma_semaphore, #tpu.memory_space<semaphore_mem>>)
      %dma_wait3A_53 = arith.constant 0 : i32
      %dma_wait3A_54 = arith.constant 0 : i32
      %dma_wait3A_55 = tpu.memref_slice %arg4[%add3A, %dma_wait3A_53, %dma_wait3A_54] : memref<32x10x1000xi32, #tpu.memory_space<hbm>> -> memref<1x10x1000xi32, #tpu.memory_space<hbm>>
      %dma_wait3A_56 = tpu.memref_squeeze %dma_wait3A_55 : memref<1x10x1000xi32, #tpu.memory_space<hbm>> -> memref<10x1000xi32, #tpu.memory_space<hbm>>
      %dma_wait3A_57 = arith.constant 0 : i32
      %dma_wait3A_58 = arith.constant 0 : i32
      %dma_wait3A_59 = tpu.memref_slice %arg4[%add3A, %dma_wait3A_57, %dma_wait3A_58] : memref<32x10x1000xi32, #tpu.memory_space<hbm>> -> memref<1x10x1000xi32, #tpu.memory_space<hbm>>
      %dma_wait3A_60 = tpu.memref_squeeze %dma_wait3A_59 : memref<1x10x1000xi32, #tpu.memory_space<hbm>> -> memref<10x1000xi32, #tpu.memory_space<hbm>>
      tpu.wait_dma2 semaphore(%run_scoped3A : memref<!tpu.dma_semaphore, #tpu.memory_space<semaphore_mem>>) src(%dma_wait3A_60 : memref<10x1000xi32, #tpu.memory_space<hbm>>) dst(%arg9 : memref<10x1000xi32, #tpu.memory_space<vmem>>)
      tpu.yield
    }) : () -> ()
    %mul3A_1 = arith.constant 640 : i32
    %mul3A_2 = arith.muli %arg1, %mul3A_1 : i32
    %mul3A_3 = arith.constant 640 : i32
    %mul3A_4 = arith.muli %arg1, %mul3A_3 : i32
    "tpu.region"() ({
      %run_scoped3A = tpu.sem_alloc : memref<!tpu.dma_semaphore, #tpu.memory_space<semaphore_mem>>
      %dma_start3A = arith.constant 0 : i32
      %dma_start3A_46 = tpu.memref_slice %arg7[%mul3A_4, %dma_start3A] : memref<10240x32xf32, #tpu.memory_space<vmem_shared>> -> memref<640x32xf32, #tpu.memory_space<vmem_shared>>
      %dma_start3A_47 = arith.constant 0 : i32
      %dma_start3A_48 = tpu.memref_slice %arg5[%mul3A_2, %dma_start3A_47] : memref<10240x32xf32, #tpu.memory_space<hbm>> -> memref<640x32xf32, #tpu.memory_space<hbm>>
      tpu.enqueue_dma source(%dma_start3A_48 : memref<640x32xf32, #tpu.memory_space<hbm>>) target(%dma_start3A_46 : memref<640x32xf32, #tpu.memory_space<vmem_shared>>) target_semaphore(%run_scoped3A : memref<!tpu.dma_semaphore, #tpu.memory_space<semaphore_mem>>)
      %dma_wait3A_49 = arith.constant 0 : i32
      %dma_wait3A_50 = tpu.memref_slice %arg7[%mul3A_4, %dma_wait3A_49] : memref<10240x32xf32, #tpu.memory_space<vmem_shared>> -> memref<640x32xf32, #tpu.memory_space<vmem_shared>>
      %dma_wait3A_51 = arith.constant 0 : i32
      %dma_wait3A_52 = tpu.memref_slice %arg5[%mul3A_2, %dma_wait3A_51] : memref<10240x32xf32, #tpu.memory_space<hbm>> -> memref<640x32xf32, #tpu.memory_space<hbm>>
      tpu.wait_dma2 semaphore(%run_scoped3A : memref<!tpu.dma_semaphore, #tpu.memory_space<semaphore_mem>>) src(%dma_wait3A_52 : memref<640x32xf32, #tpu.memory_space<hbm>>) dst(%dma_wait3A_50 : memref<640x32xf32, #tpu.memory_space<vmem_shared>>)
      tpu.yield
    }) : () -> ()
    %barrier3A = arith.constant 0 : index
    tpu.barrier barrier_id(%barrier3A)
    %scan3A = arith.constant 0 : i32
    %scan3A_5 = arith.constant 0 : i32
    %scan3A_6 = arith.constant 10 : i32
    %scan3A_7 = arith.addi %scan3A_5, %scan3A_6 : i32
    %scan3A_8 = arith.constant 1 : i32
    scf.for %scan3A_46 = %scan3A_5 to %scan3A_7 step %scan3A_8  : i32 {
      %rem3A = arith.constant 2 : i32
      %rem3A_47 = arith.remsi %scan3A_46, %rem3A : i32
      %ge3A = arith.constant 2 : i32
      %ge3A_48 = arith.cmpi sge, %scan3A_46, %ge3A : i32
      %convert_element_type3A = arith.extui %ge3A_48 : i1 to i32
      %cond3A = arith.constant 0 : i32
      %cond3A_49 = arith.cmpi ne, %convert_element_type3A, %cond3A : i32
      scf.if %cond3A_49 {
        %dma_wait3A_90 = arith.constant 0 : i32
        %dma_wait3A_91 = arith.constant 0 : i32
        %dma_wait3A_92 = arith.constant 0 : i32
        %dma_wait3A_93 = tpu.memref_slice %arg10[%rem3A_47, %dma_wait3A_90, %dma_wait3A_91, %dma_wait3A_92] : memref<2x1x1000x32xf32, #tpu.memory_space<vmem>> -> memref<1x1x1000x32xf32, #tpu.memory_space<vmem>>
        %dma_wait3A_94 = tpu.memref_squeeze %dma_wait3A_93 : memref<1x1x1000x32xf32, #tpu.memory_space<vmem>> -> memref<1000x32xf32, #tpu.memory_space<vmem>>
        %dma_wait3A_95 = arith.constant 0 : i32
        %dma_wait3A_96 = arith.constant 0 : i32
        %dma_wait3A_97 = tpu.memref_slice %arg2[%dma_wait3A_95, %dma_wait3A_96] : memref<10000x32xf32, #tpu.memory_space<hbm>> -> memref<1000x32xf32, #tpu.memory_space<hbm>>
        %dma_wait3A_98 = arith.constant 0 : i32
        %dma_wait3A_99 = arith.constant 0 : i32
        %dma_wait3A_100 = tpu.memref_slice %arg10[%rem3A_47, %dma_wait3A_90, %dma_wait3A_98, %dma_wait3A_99] : memref<2x1x1000x32xf32, #tpu.memory_space<vmem>> -> memref<1x1x1000x32xf32, #tpu.memory_space<vmem>>
        %dma_wait3A_101 = tpu.memref_squeeze %dma_wait3A_100 : memref<1x1x1000x32xf32, #tpu.memory_space<vmem>> -> memref<1000x32xf32, #tpu.memory_space<vmem>>
        %dma_wait3A_102 = arith.constant 0 : i32
        %dma_wait3A_103 = arith.constant 0 : i32
        %dma_wait3A_104 = tpu.memref_slice %arg2[%dma_wait3A_102, %dma_wait3A_103] : memref<10000x32xf32, #tpu.memory_space<hbm>> -> memref<1000x32xf32, #tpu.memory_space<hbm>>
        tpu.wait_dma2 semaphore(%arg12 : memref<!tpu.dma_semaphore, #tpu.memory_space<semaphore_mem>>) src(%dma_wait3A_104 : memref<1000x32xf32, #tpu.memory_space<hbm>>) dst(%dma_wait3A_101 : memref<1000x32xf32, #tpu.memory_space<vmem>>)
      } else {
      }
      %mul3A_50 = arith.constant 1 : i32
      %mul3A_51 = arith.muli %scan3A_46, %mul3A_50 : i32
      %add3A_52 = arith.constant 0 : i32
      %add3A_53 = arith.addi %mul3A_51, %add3A_52 : i32
      %dma_start3A = arith.constant 0 : i32
      %dma_start3A_54 = arith.constant 0 : i32
      %dma_start3A_55 = arith.constant 0 : i32
      %dma_start3A_56 = tpu.memref_slice %arg10[%rem3A_47, %dma_start3A, %dma_start3A_54, %dma_start3A_55] : memref<2x1x1000x32xf32, #tpu.memory_space<vmem>> -> memref<1x1x1000x32xf32, #tpu.memory_space<vmem>>
      %dma_start3A_57 = tpu.memref_squeeze %dma_start3A_56 : memref<1x1x1000x32xf32, #tpu.memory_space<vmem>> -> memref<1000x32xf32, #tpu.memory_space<vmem>>
      %dma_start3A_58 = arith.constant 0 : i32
      %dma_start3A_59 = tpu.memref_slice %arg8[%add3A_53, %dma_start3A_58] : memref<10x1000xi32, #tpu.memory_space<vmem>> -> memref<1x1000xi32, #tpu.memory_space<vmem>>
      %dma_start3A_60 = tpu.memref_squeeze %dma_start3A_59 : memref<1x1000xi32, #tpu.memory_space<vmem>> -> memref<1000xi32, #tpu.memory_space<vmem>>
      %dma_start3A_61 = arith.constant 0 : i32
      %dma_start3A_62 = arith.constant 0 : i32
      %dma_start3A_63 = tpu.memref_slice %arg2[%dma_start3A_61, %dma_start3A_62] : memref<10000x32xf32, #tpu.memory_space<hbm>> -> memref<10000x32xf32, #tpu.memory_space<hbm>>
      tpu.enqueue_indirect_dma source(%dma_start3A_63 : memref<10000x32xf32, #tpu.memory_space<hbm>>) target(%dma_start3A_57 : memref<1000x32xf32, #tpu.memory_space<vmem>>) offsets(%dma_start3A_60 : memref<1000xi32, #tpu.memory_space<vmem>>) semaphore(%arg11 : memref<!tpu.dma_semaphore, #tpu.memory_space<semaphore_mem>>)
      %dma_wait3A_64 = arith.constant 0 : i32
      %dma_wait3A_65 = arith.constant 0 : i32
      %dma_wait3A_66 = arith.constant 0 : i32
      %dma_wait3A_67 = tpu.memref_slice %arg10[%rem3A_47, %dma_wait3A_64, %dma_wait3A_65, %dma_wait3A_66] : memref<2x1x1000x32xf32, #tpu.memory_space<vmem>> -> memref<1x1x1000x32xf32, #tpu.memory_space<vmem>>
      %dma_wait3A_68 = tpu.memref_squeeze %dma_wait3A_67 : memref<1x1x1000x32xf32, #tpu.memory_space<vmem>> -> memref<1000x32xf32, #tpu.memory_space<vmem>>
      %dma_wait3A_69 = arith.constant 0 : i32
      %dma_wait3A_70 = tpu.memref_slice %arg8[%add3A_53, %dma_wait3A_69] : memref<10x1000xi32, #tpu.memory_space<vmem>> -> memref<1x1000xi32, #tpu.memory_space<vmem>>
      %dma_wait3A_71 = tpu.memref_squeeze %dma_wait3A_70 : memref<1x1000xi32, #tpu.memory_space<vmem>> -> memref<1000xi32, #tpu.memory_space<vmem>>
      %dma_wait3A_72 = arith.constant 0 : i32
      %dma_wait3A_73 = arith.constant 0 : i32
      %dma_wait3A_74 = tpu.memref_slice %arg2[%dma_wait3A_72, %dma_wait3A_73] : memref<10000x32xf32, #tpu.memory_space<hbm>> -> memref<10000x32xf32, #tpu.memory_space<hbm>>
      tpu.wait_indirect_dma semaphore(%arg11 : memref<!tpu.dma_semaphore, #tpu.memory_space<semaphore_mem>>) src(%dma_wait3A_74 : memref<10000x32xf32, #tpu.memory_space<hbm>>) dst(%dma_wait3A_68 : memref<1000x32xf32, #tpu.memory_space<vmem>>)
      %mul3A_75 = arith.constant 1 : i32
      %mul3A_76 = arith.muli %scan3A_46, %mul3A_75 : i32
      %add3A_77 = arith.constant 0 : i32
      %add3A_78 = arith.addi %mul3A_76, %add3A_77 : i32
      %dma_start3A_79 = arith.constant 0 : i32
      %dma_start3A_80 = arith.constant 0 : i32
      %dma_start3A_81 = arith.constant 0 : i32
      %dma_start3A_82 = tpu.memref_slice %arg10[%rem3A_47, %dma_start3A_79, %dma_start3A_80, %dma_start3A_81] : memref<2x1x1000x32xf32, #tpu.memory_space<vmem>> -> memref<1x1x1000x32xf32, #tpu.memory_space<vmem>>
      %dma_start3A_83 = tpu.memref_squeeze %dma_start3A_82 : memref<1x1x1000x32xf32, #tpu.memory_space<vmem>> -> memref<1000x32xf32, #tpu.memory_space<vmem>>
      %dma_start3A_84 = arith.constant 0 : i32
      %dma_start3A_85 = tpu.memref_slice %arg9[%add3A_78, %dma_start3A_84] : memref<10x1000xi32, #tpu.memory_space<vmem>> -> memref<1x1000xi32, #tpu.memory_space<vmem>>
      %dma_start3A_86 = tpu.memref_squeeze %dma_start3A_85 : memref<1x1000xi32, #tpu.memory_space<vmem>> -> memref<1000xi32, #tpu.memory_space<vmem>>
      %dma_start3A_87 = arith.constant 0 : i32
      %dma_start3A_88 = arith.constant 0 : i32
      %dma_start3A_89 = tpu.memref_slice %arg7[%dma_start3A_87, %dma_start3A_88] : memref<10240x32xf32, #tpu.memory_space<vmem_shared>> -> memref<10240x32xf32, #tpu.memory_space<vmem_shared>>
      tpu.enqueue_indirect_dma source(%dma_start3A_83 : memref<1000x32xf32, #tpu.memory_space<vmem>>) target(%dma_start3A_89 : memref<10240x32xf32, #tpu.memory_space<vmem_shared>>) offsets(%dma_start3A_86 : memref<1000xi32, #tpu.memory_space<vmem>>) semaphore(%arg12 : memref<!tpu.dma_semaphore, #tpu.memory_space<semaphore_mem>>) {add = true}
    }
    %scan3A_9 = arith.constant 10 : i32
    %dma_wait3A = arith.constant 0 : i32
    %dma_wait3A_10 = arith.constant 0 : i32
    %dma_wait3A_11 = arith.constant 0 : i32
    %dma_wait3A_12 = arith.constant 0 : i32
    %dma_wait3A_13 = tpu.memref_slice %arg10[%dma_wait3A, %dma_wait3A_10, %dma_wait3A_11, %dma_wait3A_12] : memref<2x1x1000x32xf32, #tpu.memory_space<vmem>> -> memref<1x1x1000x32xf32, #tpu.memory_space<vmem>>
    %dma_wait3A_14 = tpu.memref_squeeze %dma_wait3A_13 : memref<1x1x1000x32xf32, #tpu.memory_space<vmem>> -> memref<1000x32xf32, #tpu.memory_space<vmem>>
    %dma_wait3A_15 = arith.constant 0 : i32
    %dma_wait3A_16 = arith.constant 0 : i32
    %dma_wait3A_17 = tpu.memref_slice %arg2[%dma_wait3A_15, %dma_wait3A_16] : memref<10000x32xf32, #tpu.memory_space<hbm>> -> memref<1000x32xf32, #tpu.memory_space<hbm>>
    %dma_wait3A_18 = arith.constant 0 : i32
    %dma_wait3A_19 = arith.constant 0 : i32
    %dma_wait3A_20 = tpu.memref_slice %arg10[%dma_wait3A, %dma_wait3A_10, %dma_wait3A_18, %dma_wait3A_19] : memref<2x1x1000x32xf32, #tpu.memory_space<vmem>> -> memref<1x1x1000x32xf32, #tpu.memory_space<vmem>>
    %dma_wait3A_21 = tpu.memref_squeeze %dma_wait3A_20 : memref<1x1x1000x32xf32, #tpu.memory_space<vmem>> -> memref<1000x32xf32, #tpu.memory_space<vmem>>
    %dma_wait3A_22 = arith.constant 0 : i32
    %dma_wait3A_23 = arith.constant 0 : i32
    %dma_wait3A_24 = tpu.memref_slice %arg2[%dma_wait3A_22, %dma_wait3A_23] : memref<10000x32xf32, #tpu.memory_space<hbm>> -> memref<1000x32xf32, #tpu.memory_space<hbm>>
    tpu.wait_dma2 semaphore(%arg12 : memref<!tpu.dma_semaphore, #tpu.memory_space<semaphore_mem>>) src(%dma_wait3A_24 : memref<1000x32xf32, #tpu.memory_space<hbm>>) dst(%dma_wait3A_21 : memref<1000x32xf32, #tpu.memory_space<vmem>>)
    %dma_wait3A_25 = arith.constant 0 : i32
    %dma_wait3A_26 = arith.constant 0 : i32
    %dma_wait3A_27 = arith.constant 0 : i32
    %dma_wait3A_28 = arith.constant 0 : i32
    %dma_wait3A_29 = tpu.memref_slice %arg10[%dma_wait3A_25, %dma_wait3A_26, %dma_wait3A_27, %dma_wait3A_28] : memref<2x1x1000x32xf32, #tpu.memory_space<vmem>> -> memref<1x1x1000x32xf32, #tpu.memory_space<vmem>>
    %dma_wait3A_30 = tpu.memref_squeeze %dma_wait3A_29 : memref<1x1x1000x32xf32, #tpu.memory_space<vmem>> -> memref<1000x32xf32, #tpu.memory_space<vmem>>
    %dma_wait3A_31 = arith.constant 0 : i32
    %dma_wait3A_32 = arith.constant 0 : i32
    %dma_wait3A_33 = tpu.memref_slice %arg2[%dma_wait3A_31, %dma_wait3A_32] : memref<10000x32xf32, #tpu.memory_space<hbm>> -> memref<1000x32xf32, #tpu.memory_space<hbm>>
    %dma_wait3A_34 = arith.constant 0 : i32
    %dma_wait3A_35 = arith.constant 0 : i32
    %dma_wait3A_36 = tpu.memref_slice %arg10[%dma_wait3A_25, %dma_wait3A_26, %dma_wait3A_34, %dma_wait3A_35] : memref<2x1x1000x32xf32, #tpu.memory_space<vmem>> -> memref<1x1x1000x32xf32, #tpu.memory_space<vmem>>
    %dma_wait3A_37 = tpu.memref_squeeze %dma_wait3A_36 : memref<1x1x1000x32xf32, #tpu.memory_space<vmem>> -> memref<1000x32xf32, #tpu.memory_space<vmem>>
    %dma_wait3A_38 = arith.constant 0 : i32
    %dma_wait3A_39 = arith.constant 0 : i32
    %dma_wait3A_40 = tpu.memref_slice %arg2[%dma_wait3A_38, %dma_wait3A_39] : memref<10000x32xf32, #tpu.memory_space<hbm>> -> memref<1000x32xf32, #tpu.memory_space<hbm>>
    tpu.wait_dma2 semaphore(%arg12 : memref<!tpu.dma_semaphore, #tpu.memory_space<semaphore_mem>>) src(%dma_wait3A_40 : memref<1000x32xf32, #tpu.memory_space<hbm>>) dst(%dma_wait3A_37 : memref<1000x32xf32, #tpu.memory_space<vmem>>)
    %barrier3A_41 = arith.constant 0 : index
    tpu.barrier barrier_id(%barrier3A_41)
    %mul3A_42 = arith.constant 640 : i32
    %mul3A_43 = arith.muli %arg1, %mul3A_42 : i32
    %mul3A_44 = arith.constant 640 : i32
    %mul3A_45 = arith.muli %arg1, %mul3A_44 : i32
    "tpu.region"() ({
      %run_scoped3A = tpu.sem_alloc : memref<!tpu.dma_semaphore, #tpu.memory_space<semaphore_mem>>
      %dma_start3A = arith.constant 0 : i32
      %dma_start3A_46 = tpu.memref_slice %arg6[%arg0, %mul3A_45, %dma_start3A] : memref<2x10240x32xf32, #tpu.memory_space<hbm>> -> memref<1x640x32xf32, #tpu.memory_space<hbm>>
      %dma_start3A_47 = tpu.memref_squeeze %dma_start3A_46 : memref<1x640x32xf32, #tpu.memory_space<hbm>> -> memref<640x32xf32, #tpu.memory_space<hbm>>
      %dma_start3A_48 = arith.constant 0 : i32
      %dma_start3A_49 = tpu.memref_slice %arg7[%mul3A_43, %dma_start3A_48] : memref<10240x32xf32, #tpu.memory_space<vmem_shared>> -> memref<640x32xf32, #tpu.memory_space<vmem_shared>>
      tpu.enqueue_dma source(%dma_start3A_49 : memref<640x32xf32, #tpu.memory_space<vmem_shared>>) target(%dma_start3A_47 : memref<640x32xf32, #tpu.memory_space<hbm>>) target_semaphore(%run_scoped3A : memref<!tpu.dma_semaphore, #tpu.memory_space<semaphore_mem>>)
      %dma_wait3A_50 = arith.constant 0 : i32
      %dma_wait3A_51 = tpu.memref_slice %arg6[%arg0, %mul3A_45, %dma_wait3A_50] : memref<2x10240x32xf32, #tpu.memory_space<hbm>> -> memref<1x640x32xf32, #tpu.memory_space<hbm>>
      %dma_wait3A_52 = tpu.memref_squeeze %dma_wait3A_51 : memref<1x640x32xf32, #tpu.memory_space<hbm>> -> memref<640x32xf32, #tpu.memory_space<hbm>>
      %dma_wait3A_53 = arith.constant 0 : i32
      %dma_wait3A_54 = tpu.memref_slice %arg7[%mul3A_43, %dma_wait3A_53] : memref<10240x32xf32, #tpu.memory_space<vmem_shared>> -> memref<640x32xf32, #tpu.memory_space<vmem_shared>>
      tpu.wait_dma2 semaphore(%run_scoped3A : memref<!tpu.dma_semaphore, #tpu.memory_space<semaphore_mem>>) src(%dma_wait3A_54 : memref<640x32xf32, #tpu.memory_space<vmem_shared>>) dst(%dma_wait3A_52 : memref<640x32xf32, #tpu.memory_space<hbm>>)
      tpu.yield
    }) : () -> ()
    return
  }
}

module attributes {stable_mosaic.version = 14 : i64} {
  func.func @k(%arg0: memref<10000x128xf32, #tpu.memory_space<vmem>>, %arg1: memref<128x32xf32, #tpu.memory_space<vmem>>, %arg2: memref<10000x40xf32, #tpu.memory_space<vmem>>) attributes {dimension_semantics = [], scalar_prefetch = 0 : i64, scratch_operands = 0 : i64, tpu.core_type = #tpu.core_type<tc>} {
    %get3A = arith.constant 0 : index
    %get3A_0 = arith.constant 0 : index
    %get3A_1 = vector.load %arg0[%get3A, %get3A_0] : memref<10000x128xf32, #tpu.memory_space<vmem>>, vector<10000x128xf32>
    %get3A_2 = arith.constant 0 : index
    %get3A_3 = arith.constant 0 : index
    %get3A_4 = vector.load %arg1[%get3A_2, %get3A_3] : memref<128x32xf32, #tpu.memory_space<vmem>>, vector<128x32xf32>
    %dot_general3A = arith.constant dense<0.000000e+00> : vector<10000x32xf32>
    %dot_general3A_5 = tpu.matmul %get3A_1, %get3A_4, %dot_general3A {dimension_numbers = #tpu.dot_dimension_numbers<[1], [0], [0], [1], [0, 0, 1, 1], [], []>, transpose_lhs_hint = false} : vector<10000x128xf32>, vector<128x32xf32>, vector<10000x32xf32> -> vector<10000x32xf32>
    %broadcast_in_dim3A = arith.constant 1.000000e+00 : f32
    %broadcast_in_dim3A_6 = vector.broadcast %broadcast_in_dim3A : f32 to vector<10000x1xf32>
    %broadcast_in_dim3A_7 = arith.constant 0.000000e+00 : f32
    %broadcast_in_dim3A_8 = vector.broadcast %broadcast_in_dim3A_7 : f32 to vector<10000x7xf32>
    %concatenate3A = tpu.concatenate %dot_general3A_5, %broadcast_in_dim3A_6, %broadcast_in_dim3A_8 in 1 : vector<10000x32xf32>, vector<10000x1xf32>, vector<10000x7xf32> -> vector<10000x40xf32>
    %swap3A = arith.constant 0 : index
    %swap3A_9 = arith.constant 0 : index
    %swap3A_10 = vector.load %arg2[%swap3A, %swap3A_9] : memref<10000x40xf32, #tpu.memory_space<vmem>>, vector<10000x40xf32>
    tpu.vector_store %arg2[%swap3A, %swap3A_9], %concatenate3A {strides = array<i32>} : memref<10000x40xf32, #tpu.memory_space<vmem>>, vector<10000x40xf32>,
    return
  }
}

module attributes {stable_mosaic.version = 14 : i64} {
  func.func @k(%arg0: memref<2x10240x40xf32, #tpu.memory_space<vmem>>, %arg1: memref<10000x40xf32, #tpu.memory_space<vmem>>, %arg2: memref<1x32xf32, #tpu.memory_space<vmem>>, %arg3: memref<32x32xf32, #tpu.memory_space<vmem>>, %arg4: memref<10000x32xf32, #tpu.memory_space<vmem>>, %arg5: memref<10000x32xf32, #tpu.memory_space<vmem>>, %arg6: memref<10000x1xf32, #tpu.memory_space<vmem>>) attributes {dimension_semantics = [], scalar_prefetch = 0 : i64, scratch_operands = 0 : i64, tpu.core_type = #tpu.core_type<tc>} {
    %get3A = arith.constant 0 : index
    %get3A_0 = arith.constant 0 : index
    %get3A_1 = arith.constant 32 : index
    %get3A_2 = vector.load %arg0[%get3A, %get3A_0, %get3A_1] : memref<2x10240x40xf32, #tpu.memory_space<vmem>>, vector<1x10000x1xf32>
    %get3A_3 = vector.shape_cast %get3A_2 : vector<1x10000x1xf32> to vector<10000x1xf32>
    %get3A_4 = arith.constant 1 : index
    %get3A_5 = arith.constant 0 : index
    %get3A_6 = arith.constant 32 : index
    %get3A_7 = vector.load %arg0[%get3A_4, %get3A_5, %get3A_6] : memref<2x10240x40xf32, #tpu.memory_space<vmem>>, vector<1x10000x1xf32>
    %get3A_8 = vector.shape_cast %get3A_7 : vector<1x10000x1xf32> to vector<10000x1xf32>
    %add3A = arith.addf %get3A_3, %get3A_8 : vector<10000x1xf32>
    %add3A_9 = arith.constant 1.000000e+00 : f32
    %add3A_10 = vector.broadcast %add3A_9 : f32 to vector<10000x1xf32>
    %add3A_11 = arith.addf %add3A, %add3A_10 : vector<10000x1xf32>
    %div3A = arith.constant 1.000000e+00 : f32
    %div3A_12 = vector.broadcast %div3A : f32 to vector<10000x1xf32>
    %div3A_13 = arith.divf %div3A_12, %add3A_11 : vector<10000x1xf32>
    %get3A_14 = arith.constant 0 : index
    %get3A_15 = arith.constant 0 : index
    %get3A_16 = arith.constant 0 : index
    %get3A_17 = vector.load %arg0[%get3A_14, %get3A_15, %get3A_16] : memref<2x10240x40xf32, #tpu.memory_space<vmem>>, vector<1x10000x32xf32>
    %get3A_18 = vector.shape_cast %get3A_17 : vector<1x10000x32xf32> to vector<10000x32xf32>
    %get3A_19 = arith.constant 1 : index
    %get3A_20 = arith.constant 0 : index
    %get3A_21 = arith.constant 0 : index
    %get3A_22 = vector.load %arg0[%get3A_19, %get3A_20, %get3A_21] : memref<2x10240x40xf32, #tpu.memory_space<vmem>>, vector<1x10000x32xf32>
    %get3A_23 = vector.shape_cast %get3A_22 : vector<1x10000x32xf32> to vector<10000x32xf32>
    %add3A_24 = arith.addf %get3A_18, %get3A_23 : vector<10000x32xf32>
    %get3A_25 = arith.constant 0 : index
    %get3A_26 = arith.constant 0 : index
    %get3A_27 = vector.load %arg1[%get3A_25, %get3A_26] : memref<10000x40xf32, #tpu.memory_space<vmem>>, vector<10000x32xf32>
    %add3A_28 = arith.addf %add3A_24, %get3A_27 : vector<10000x32xf32>
    %get3A_29 = arith.constant 0 : index
    %get3A_30 = arith.constant 0 : index
    %get3A_31 = vector.load %arg2[%get3A_29, %get3A_30] : memref<1x32xf32, #tpu.memory_space<vmem>>, vector<1x32xf32>
    %add3A_32 = vector.broadcast %get3A_31 : vector<1x32xf32> to vector<10000x32xf32>
    %add3A_33 = arith.addf %add3A_28, %add3A_32 : vector<10000x32xf32>
    %mul3A = vector.broadcast %div3A_13 : vector<10000x1xf32> to vector<10000x32xf32>
    %mul3A_34 = arith.mulf %add3A_33, %mul3A : vector<10000x32xf32>
    %tanh3A = math.tanh %mul3A_34 : vector<10000x32xf32>
    %swap3A = arith.constant 0 : index
    %swap3A_35 = arith.constant 0 : index
    %swap3A_36 = vector.load %arg4[%swap3A, %swap3A_35] : memref<10000x32xf32, #tpu.memory_space<vmem>>, vector<10000x32xf32>
    tpu.vector_store %arg4[%swap3A, %swap3A_35], %tanh3A {strides = array<i32>} : memref<10000x32xf32, #tpu.memory_space<vmem>>, vector<10000x32xf32>,
    %swap3A_37 = arith.constant 0 : index
    %swap3A_38 = arith.constant 0 : index
    %swap3A_39 = vector.load %arg6[%swap3A_37, %swap3A_38] : memref<10000x1xf32, #tpu.memory_space<vmem>>, vector<10000x1xf32>
    tpu.vector_store %arg6[%swap3A_37, %swap3A_38], %div3A_13 {strides = array<i32>} : memref<10000x1xf32, #tpu.memory_space<vmem>>, vector<10000x1xf32>,
    %get3A_40 = arith.constant 0 : index
    %get3A_41 = arith.constant 0 : index
    %get3A_42 = vector.load %arg3[%get3A_40, %get3A_41] : memref<32x32xf32, #tpu.memory_space<vmem>>, vector<32x32xf32>
    %dot_general3A = arith.constant dense<0.000000e+00> : vector<10000x32xf32>
    %dot_general3A_43 = tpu.matmul %tanh3A, %get3A_42, %dot_general3A {dimension_numbers = #tpu.dot_dimension_numbers<[1], [0], [0], [1], [0, 0, 1, 1], [], []>, transpose_lhs_hint = false} : vector<10000x32xf32>, vector<32x32xf32>, vector<10000x32xf32> -> vector<10000x32xf32>
    %swap3A_44 = arith.constant 0 : index
    %swap3A_45 = arith.constant 0 : index
    %swap3A_46 = vector.load %arg5[%swap3A_44, %swap3A_45] : memref<10000x32xf32, #tpu.memory_space<vmem>>, vector<10000x32xf32>
    tpu.vector_store %arg5[%swap3A_44, %swap3A_45], %dot_general3A_43 {strides = array<i32>} : memref<10000x32xf32, #tpu.memory_space<vmem>>, vector<10000x32xf32>,
    return
  }
}

module attributes {stable_mosaic.version = 14 : i64} {
  func.func @k(%arg0: memref<2x10240x32xf32, #tpu.memory_space<vmem>>, %arg1: memref<10000x32xf32, #tpu.memory_space<vmem>>, %arg2: memref<1x32xf32, #tpu.memory_space<vmem>>, %arg3: memref<10000x1xf32, #tpu.memory_space<vmem>>, %arg4: memref<32x32xf32, #tpu.memory_space<vmem>>, %arg5: memref<10000x32xf32, #tpu.memory_space<vmem>>, %arg6: memref<10000x32xf32, #tpu.memory_space<vmem>>) attributes {dimension_semantics = [], scalar_prefetch = 0 : i64, scratch_operands = 0 : i64, tpu.core_type = #tpu.core_type<tc>} {
    %get3A = arith.constant 0 : index
    %get3A_0 = arith.constant 0 : index
    %get3A_1 = arith.constant 0 : index
    %get3A_2 = vector.load %arg0[%get3A, %get3A_0, %get3A_1] : memref<2x10240x32xf32, #tpu.memory_space<vmem>>, vector<1x10000x32xf32>
    %get3A_3 = vector.shape_cast %get3A_2 : vector<1x10000x32xf32> to vector<10000x32xf32>
    %get3A_4 = arith.constant 1 : index
    %get3A_5 = arith.constant 0 : index
    %get3A_6 = arith.constant 0 : index
    %get3A_7 = vector.load %arg0[%get3A_4, %get3A_5, %get3A_6] : memref<2x10240x32xf32, #tpu.memory_space<vmem>>, vector<1x10000x32xf32>
    %get3A_8 = vector.shape_cast %get3A_7 : vector<1x10000x32xf32> to vector<10000x32xf32>
    %add3A = arith.addf %get3A_3, %get3A_8 : vector<10000x32xf32>
    %get3A_9 = arith.constant 0 : index
    %get3A_10 = arith.constant 0 : index
    %get3A_11 = vector.load %arg1[%get3A_9, %get3A_10] : memref<10000x32xf32, #tpu.memory_space<vmem>>, vector<10000x32xf32>
    %add3A_12 = arith.addf %add3A, %get3A_11 : vector<10000x32xf32>
    %get3A_13 = arith.constant 0 : index
    %get3A_14 = arith.constant 0 : index
    %get3A_15 = vector.load %arg2[%get3A_13, %get3A_14] : memref<1x32xf32, #tpu.memory_space<vmem>>, vector<1x32xf32>
    %add3A_16 = vector.broadcast %get3A_15 : vector<1x32xf32> to vector<10000x32xf32>
    %add3A_17 = arith.addf %add3A_12, %add3A_16 : vector<10000x32xf32>
    %get3A_18 = arith.constant 0 : index
    %get3A_19 = arith.constant 0 : index
    %get3A_20 = vector.load %arg3[%get3A_18, %get3A_19] : memref<10000x1xf32, #tpu.memory_space<vmem>>, vector<10000x1xf32>
    %mul3A = vector.broadcast %get3A_20 : vector<10000x1xf32> to vector<10000x32xf32>
    %mul3A_21 = arith.mulf %add3A_17, %mul3A : vector<10000x32xf32>
    %tanh3A = math.tanh %mul3A_21 : vector<10000x32xf32>
    %swap3A = arith.constant 0 : index
    %swap3A_22 = arith.constant 0 : index
    %swap3A_23 = vector.load %arg5[%swap3A, %swap3A_22] : memref<10000x32xf32, #tpu.memory_space<vmem>>, vector<10000x32xf32>
    tpu.vector_store %arg5[%swap3A, %swap3A_22], %tanh3A {strides = array<i32>} : memref<10000x32xf32, #tpu.memory_space<vmem>>, vector<10000x32xf32>,
    %get3A_24 = arith.constant 0 : index
    %get3A_25 = arith.constant 0 : index
    %get3A_26 = vector.load %arg4[%get3A_24, %get3A_25] : memref<32x32xf32, #tpu.memory_space<vmem>>, vector<32x32xf32>
    %dot_general3A = arith.constant dense<0.000000e+00> : vector<10000x32xf32>
    %dot_general3A_27 = tpu.matmul %tanh3A, %get3A_26, %dot_general3A {dimension_numbers = #tpu.dot_dimension_numbers<[1], [0], [0], [1], [0, 0, 1, 1], [], []>, transpose_lhs_hint = false} : vector<10000x32xf32>, vector<32x32xf32>, vector<10000x32xf32> -> vector<10000x32xf32>
    %swap3A_28 = arith.constant 0 : index
    %swap3A_29 = arith.constant 0 : index
    %swap3A_30 = vector.load %arg6[%swap3A_28, %swap3A_29] : memref<10000x32xf32, #tpu.memory_space<vmem>>, vector<10000x32xf32>
    tpu.vector_store %arg6[%swap3A_28, %swap3A_29], %dot_general3A_27 {strides = array<i32>} : memref<10000x32xf32, #tpu.memory_space<vmem>>, vector<10000x32xf32>,
    return
  }
}

module attributes {stable_mosaic.version = 14 : i64} {
  func.func @k(%arg0: memref<2x10240x32xf32, #tpu.memory_space<vmem>>, %arg1: memref<10000x32xf32, #tpu.memory_space<vmem>>, %arg2: memref<1x32xf32, #tpu.memory_space<vmem>>, %arg3: memref<10000x1xf32, #tpu.memory_space<vmem>>, %arg4: memref<32x8xf32, #tpu.memory_space<vmem>>, %arg5: memref<10000x32xf32, #tpu.memory_space<vmem>>, %arg6: memref<10000x8xf32, #tpu.memory_space<vmem>>) attributes {dimension_semantics = [], scalar_prefetch = 0 : i64, scratch_operands = 0 : i64, tpu.core_type = #tpu.core_type<tc>} {
    %get3A = arith.constant 0 : index
    %get3A_0 = arith.constant 0 : index
    %get3A_1 = arith.constant 0 : index
    %get3A_2 = vector.load %arg0[%get3A, %get3A_0, %get3A_1] : memref<2x10240x32xf32, #tpu.memory_space<vmem>>, vector<1x10000x32xf32>
    %get3A_3 = vector.shape_cast %get3A_2 : vector<1x10000x32xf32> to vector<10000x32xf32>
    %get3A_4 = arith.constant 1 : index
    %get3A_5 = arith.constant 0 : index
    %get3A_6 = arith.constant 0 : index
    %get3A_7 = vector.load %arg0[%get3A_4, %get3A_5, %get3A_6] : memref<2x10240x32xf32, #tpu.memory_space<vmem>>, vector<1x10000x32xf32>
    %get3A_8 = vector.shape_cast %get3A_7 : vector<1x10000x32xf32> to vector<10000x32xf32>
    %add3A = arith.addf %get3A_3, %get3A_8 : vector<10000x32xf32>
    %get3A_9 = arith.constant 0 : index
    %get3A_10 = arith.constant 0 : index
    %get3A_11 = vector.load %arg1[%get3A_9, %get3A_10] : memref<10000x32xf32, #tpu.memory_space<vmem>>, vector<10000x32xf32>
    %add3A_12 = arith.addf %add3A, %get3A_11 : vector<10000x32xf32>
    %get3A_13 = arith.constant 0 : index
    %get3A_14 = arith.constant 0 : index
    %get3A_15 = vector.load %arg2[%get3A_13, %get3A_14] : memref<1x32xf32, #tpu.memory_space<vmem>>, vector<1x32xf32>
    %add3A_16 = vector.broadcast %get3A_15 : vector<1x32xf32> to vector<10000x32xf32>
    %add3A_17 = arith.addf %add3A_12, %add3A_16 : vector<10000x32xf32>
    %get3A_18 = arith.constant 0 : index
    %get3A_19 = arith.constant 0 : index
    %get3A_20 = vector.load %arg3[%get3A_18, %get3A_19] : memref<10000x1xf32, #tpu.memory_space<vmem>>, vector<10000x1xf32>
    %mul3A = vector.broadcast %get3A_20 : vector<10000x1xf32> to vector<10000x32xf32>
    %mul3A_21 = arith.mulf %add3A_17, %mul3A : vector<10000x32xf32>
    %tanh3A = math.tanh %mul3A_21 : vector<10000x32xf32>
    %swap3A = arith.constant 0 : index
    %swap3A_22 = arith.constant 0 : index
    %swap3A_23 = vector.load %arg5[%swap3A, %swap3A_22] : memref<10000x32xf32, #tpu.memory_space<vmem>>, vector<10000x32xf32>
    tpu.vector_store %arg5[%swap3A, %swap3A_22], %tanh3A {strides = array<i32>} : memref<10000x32xf32, #tpu.memory_space<vmem>>, vector<10000x32xf32>,
    %get3A_24 = arith.constant 0 : index
    %get3A_25 = arith.constant 0 : index
    %get3A_26 = vector.load %arg4[%get3A_24, %get3A_25] : memref<32x8xf32, #tpu.memory_space<vmem>>, vector<32x8xf32>
    %dot_general3A = arith.constant dense<0.000000e+00> : vector<10000x8xf32>
    %dot_general3A_27 = tpu.matmul %tanh3A, %get3A_26, %dot_general3A {dimension_numbers = #tpu.dot_dimension_numbers<[1], [0], [0], [1], [0, 0, 1, 1], [], []>, transpose_lhs_hint = false} : vector<10000x32xf32>, vector<32x8xf32>, vector<10000x8xf32> -> vector<10000x8xf32>
    %swap3A_28 = arith.constant 0 : index
    %swap3A_29 = arith.constant 0 : index
    %swap3A_30 = vector.load %arg6[%swap3A_28, %swap3A_29] : memref<10000x8xf32, #tpu.memory_space<vmem>>, vector<10000x8xf32>
    tpu.vector_store %arg6[%swap3A_28, %swap3A_29], %dot_general3A_27 {strides = array<i32>} : memref<10000x8xf32, #tpu.memory_space<vmem>>, vector<10000x8xf32>,
    return
  }
}

module attributes {stable_mosaic.version = 14 : i64} {
  func.func @k(%arg0: memref<10000x32xf32, #tpu.memory_space<vmem>>, %arg1: memref<10000x32xf32, #tpu.memory_space<vmem>>, %arg2: memref<10000x32xf32, #tpu.memory_space<vmem>>, %arg3: memref<97x30xf32, #tpu.memory_space<vmem>>, %arg4: memref<1x30xf32, #tpu.memory_space<vmem>>, %arg5: memref<10000x30xf32, #tpu.memory_space<vmem>>) attributes {dimension_semantics = [], scalar_prefetch = 0 : i64, scratch_operands = 0 : i64, tpu.core_type = #tpu.core_type<tc>} {
    %get3A = arith.constant 0 : index
    %get3A_0 = arith.constant 0 : index
    %get3A_1 = vector.load %arg0[%get3A, %get3A_0] : memref<10000x32xf32, #tpu.memory_space<vmem>>, vector<10000x32xf32>
    %get3A_2 = arith.constant 0 : index
    %get3A_3 = arith.constant 0 : index
    %get3A_4 = vector.load %arg3[%get3A_2, %get3A_3] : memref<97x30xf32, #tpu.memory_space<vmem>>, vector<32x30xf32>
    %dot_general3A = arith.constant dense<0.000000e+00> : vector<10000x30xf32>
    %dot_general3A_5 = tpu.matmul %get3A_1, %get3A_4, %dot_general3A {dimension_numbers = #tpu.dot_dimension_numbers<[1], [0], [0], [1], [0, 0, 1, 1], [], []>, transpose_lhs_hint = false} : vector<10000x32xf32>, vector<32x30xf32>, vector<10000x30xf32> -> vector<10000x30xf32>
    %get3A_6 = arith.constant 0 : index
    %get3A_7 = arith.constant 0 : index
    %get3A_8 = vector.load %arg1[%get3A_6, %get3A_7] : memref<10000x32xf32, #tpu.memory_space<vmem>>, vector<10000x32xf32>
    %get3A_9 = arith.constant 32 : index
    %get3A_10 = arith.constant 0 : index
    %get3A_11 = vector.load %arg3[%get3A_9, %get3A_10] : memref<97x30xf32, #tpu.memory_space<vmem>>, vector<32x30xf32>
    %dot_general3A_12 = arith.constant dense<0.000000e+00> : vector<10000x30xf32>
    %dot_general3A_13 = tpu.matmul %get3A_8, %get3A_11, %dot_general3A_12 {dimension_numbers = #tpu.dot_dimension_numbers<[1], [0], [0], [1], [0, 0, 1, 1], [], []>, transpose_lhs_hint = false} : vector<10000x32xf32>, vector<32x30xf32>, vector<10000x30xf32> -> vector<10000x30xf32>
    %add3A = arith.addf %dot_general3A_5, %dot_general3A_13 : vector<10000x30xf32>
    %get3A_14 = arith.constant 0 : index
    %get3A_15 = arith.constant 0 : index
    %get3A_16 = vector.load %arg2[%get3A_14, %get3A_15] : memref<10000x32xf32, #tpu.memory_space<vmem>>, vector<10000x32xf32>
    %get3A_17 = arith.constant 64 : index
    %get3A_18 = arith.constant 0 : index
    %get3A_19 = vector.load %arg3[%get3A_17, %get3A_18] : memref<97x30xf32, #tpu.memory_space<vmem>>, vector<32x30xf32>
    %dot_general3A_20 = arith.constant dense<0.000000e+00> : vector<10000x30xf32>
    %dot_general3A_21 = tpu.matmul %get3A_16, %get3A_19, %dot_general3A_20 {dimension_numbers = #tpu.dot_dimension_numbers<[1], [0], [0], [1], [0, 0, 1, 1], [], []>, transpose_lhs_hint = false} : vector<10000x32xf32>, vector<32x30xf32>, vector<10000x30xf32> -> vector<10000x30xf32>
    %add3A_22 = arith.addf %add3A, %dot_general3A_21 : vector<10000x30xf32>
    %get3A_23 = arith.constant 0 : index
    %get3A_24 = arith.constant 0 : index
    %get3A_25 = vector.load %arg4[%get3A_23, %get3A_24] : memref<1x30xf32, #tpu.memory_space<vmem>>, vector<1x30xf32>
    %add3A_26 = vector.broadcast %get3A_25 : vector<1x30xf32> to vector<10000x30xf32>
    %add3A_27 = arith.addf %add3A_22, %add3A_26 : vector<10000x30xf32>
    %swap3A = arith.constant 0 : index
    %swap3A_28 = arith.constant 0 : index
    %swap3A_29 = vector.load %arg5[%swap3A, %swap3A_28] : memref<10000x30xf32, #tpu.memory_space<vmem>>, vector<10000x30xf32>
    tpu.vector_store %arg5[%swap3A, %swap3A_28], %add3A_27 {strides = array<i32>} : memref<10000x30xf32, #tpu.memory_space<vmem>>, vector<10000x30xf32>,
    return
  }
}

module attributes {stable_mosaic.version = 14 : i64} {
  func.func @k(%arg0: memref<10000x30xf32, #tpu.memory_space<vmem>>, %arg1: memref<2x10240x8xf32, #tpu.memory_space<vmem>>, %arg2: memref<10000x8xf32, #tpu.memory_space<vmem>>, %arg3: memref<1x1xf32, #tpu.memory_space<vmem>>, %arg4: memref<10000x1xf32, #tpu.memory_space<vmem>>, %arg5: memref<20x10000xf32, #tpu.memory_space<vmem>>, %arg6: memref<97x30xf32, #tpu.memory_space<vmem>>, %arg7: memref<30x64xf32, #tpu.memory_space<vmem>>, %arg8: memref<1x64xf32, #tpu.memory_space<vmem>>, %arg9: memref<20x64xf32, #tpu.memory_space<vmem>>) attributes {dimension_semantics = [], scalar_prefetch = 0 : i64, scratch_operands = 0 : i64, tpu.core_type = #tpu.core_type<tc>} {
    %get3A = arith.constant 0 : index
    %get3A_0 = arith.constant 0 : index
    %get3A_1 = arith.constant 0 : index
    %get3A_2 = vector.load %arg1[%get3A, %get3A_0, %get3A_1] : memref<2x10240x8xf32, #tpu.memory_space<vmem>>, vector<1x10000x1xf32>
    %get3A_3 = vector.shape_cast %get3A_2 : vector<1x10000x1xf32> to vector<10000x1xf32>
    %get3A_4 = arith.constant 1 : index
    %get3A_5 = arith.constant 0 : index
    %get3A_6 = arith.constant 0 : index
    %get3A_7 = vector.load %arg1[%get3A_4, %get3A_5, %get3A_6] : memref<2x10240x8xf32, #tpu.memory_space<vmem>>, vector<1x10000x1xf32>
    %get3A_8 = vector.shape_cast %get3A_7 : vector<1x10000x1xf32> to vector<10000x1xf32>
    %add3A = arith.addf %get3A_3, %get3A_8 : vector<10000x1xf32>
    %get3A_9 = arith.constant 0 : index
    %get3A_10 = arith.constant 0 : index
    %get3A_11 = vector.load %arg2[%get3A_9, %get3A_10] : memref<10000x8xf32, #tpu.memory_space<vmem>>, vector<10000x1xf32>
    %add3A_12 = arith.addf %add3A, %get3A_11 : vector<10000x1xf32>
    %get3A_13 = arith.constant 0 : index
    %get3A_14 = arith.constant 0 : index
    %get3A_15 = vector.load %arg3[%get3A_13, %get3A_14] : memref<1x1xf32, #tpu.memory_space<vmem>>, vector<1x1xf32>
    %add3A_16 = vector.broadcast %get3A_15 : vector<1x1xf32> to vector<10000x1xf32>
    %add3A_17 = arith.addf %add3A_12, %add3A_16 : vector<10000x1xf32>
    %get3A_18 = arith.constant 0 : index
    %get3A_19 = arith.constant 0 : index
    %get3A_20 = vector.load %arg4[%get3A_18, %get3A_19] : memref<10000x1xf32, #tpu.memory_space<vmem>>, vector<10000x1xf32>
    %mul3A = arith.mulf %add3A_17, %get3A_20 : vector<10000x1xf32>
    %tanh3A = math.tanh %mul3A : vector<10000x1xf32>
    %get3A_21 = arith.constant 0 : index
    %get3A_22 = arith.constant 0 : index
    %get3A_23 = vector.load %arg0[%get3A_21, %get3A_22] : memref<10000x30xf32, #tpu.memory_space<vmem>>, vector<10000x30xf32>
    %get3A_24 = arith.constant 96 : index
    %get3A_25 = arith.constant 0 : index
    %get3A_26 = vector.load %arg6[%get3A_24, %get3A_25] : memref<97x30xf32, #tpu.memory_space<vmem>>, vector<1x30xf32>
    %mul3A_27 = vector.broadcast %tanh3A : vector<10000x1xf32> to vector<10000x30xf32>
    %mul3A_28 = vector.broadcast %get3A_26 : vector<1x30xf32> to vector<10000x30xf32>
    %mul3A_29 = arith.mulf %mul3A_27, %mul3A_28 : vector<10000x30xf32>
    %add3A_30 = arith.addf %get3A_23, %mul3A_29 : vector<10000x30xf32>
    %max3A = arith.constant 0.000000e+00 : f32
    %max3A_31 = vector.broadcast %max3A : f32 to vector<10000x30xf32>
    %max3A_32 = arith.maximumf %add3A_30, %max3A_31 : vector<10000x30xf32>
    %get3A_33 = arith.constant 0 : index
    %get3A_34 = arith.constant 0 : index
    %get3A_35 = vector.load %arg5[%get3A_33, %get3A_34] : memref<20x10000xf32, #tpu.memory_space<vmem>>, vector<20x10000xf32>
    %dot_general3A = arith.constant dense<0.000000e+00> : vector<20x30xf32>
    %dot_general3A_36 = tpu.matmul %get3A_35, %max3A_32, %dot_general3A {dimension_numbers = #tpu.dot_dimension_numbers<[1], [0], [0], [1], [0, 0, 1, 1], [], []>, transpose_lhs_hint = false} : vector<20x10000xf32>, vector<10000x30xf32>, vector<20x30xf32> -> vector<20x30xf32>
    %get3A_37 = arith.constant 0 : index
    %get3A_38 = arith.constant 0 : index
    %get3A_39 = vector.load %arg7[%get3A_37, %get3A_38] : memref<30x64xf32, #tpu.memory_space<vmem>>, vector<30x64xf32>
    %dot_general3A_40 = arith.constant dense<0.000000e+00> : vector<20x64xf32>
    %dot_general3A_41 = tpu.matmul %dot_general3A_36, %get3A_39, %dot_general3A_40 {dimension_numbers = #tpu.dot_dimension_numbers<[1], [0], [0], [1], [0, 0, 1, 1], [], []>, transpose_lhs_hint = false} : vector<20x30xf32>, vector<30x64xf32>, vector<20x64xf32> -> vector<20x64xf32>
    %get3A_42 = arith.constant 0 : index
    %get3A_43 = arith.constant 0 : index
    %get3A_44 = vector.load %arg8[%get3A_42, %get3A_43] : memref<1x64xf32, #tpu.memory_space<vmem>>, vector<1x64xf32>
    %add3A_45 = vector.broadcast %get3A_44 : vector<1x64xf32> to vector<20x64xf32>
    %add3A_46 = arith.addf %dot_general3A_41, %add3A_45 : vector<20x64xf32>
    %swap3A = arith.constant 0 : index
    %swap3A_47 = arith.constant 0 : index
    %swap3A_48 = vector.load %arg9[%swap3A, %swap3A_47] : memref<20x64xf32, #tpu.memory_space<vmem>>, vector<20x64xf32>
    tpu.vector_store %arg9[%swap3A, %swap3A_47], %add3A_46 {strides = array<i32>} : memref<20x64xf32, #tpu.memory_space<vmem>>, vector<20x64xf32>,
    return
  }
}

</mosaic_0001>

<sc_bundles>
// kernel: kernel.12.cloned.1.call-start
scs
__scs_entry_jumppad:
0x0: {  	(pc) =	sbr.rel $0x88, $3  }
0x1: {  	(tag) =	ssettag $0x0;
	lr =	simm.s32 $0x1  }
0x2: {  	[smem:$0x3F93] =	sst lr;
	_ =	strace $0xD0000000  }
0x3: {  	_ = 	snop  }
0x4: {  	_ = 	snop  }
0x5: {  	_ = 	snop  }
0x6: {  	_ = 	snop  }
0x7: {  	_ = 	snop  }
__scs_overlays_trampoline_lowered:
0x8: {  	[smem:$0x3FA2] =	sst s0  }
0x9: {  	[smem:$0x3FA3] =	sst s1  }
0xa: {  	[smem:$0x3FA4] =	sst s2  }
0xb: {  	[smem:$0x3FA5] =	sst s3  }
0xc: {  	[smem:$0x3FA6] =	sst s4  }
0xd: {  	[smem:$0x3FA7] =	sst s5  }
0xe: {  	[smem:$0x3FA8] =	sst s6  }
0xf: {  	[smem:$0x3FA9] =	sst s7  }
0x10: {  	[smem:$0x3FAA] =	sst s8  }
0x11: {  	[smem:$0x3FAB] =	sst s9;
	s0 =	simm.s32 @!p0 $0x0  }
0x12: {  	s1 =	sld [smem:$0x3F91];
	s0 =	simm.s32 @p0 $0x1  }
0x13: {  	[smem:$0x3FAC] =	sst s0;
	s0 =	simm.s32 @!p1 $0x0  }
0x14: {  	s2 =	sld [smem:$0x3F90];
	s0 =	simm.s32 @p1 $0x1  }
0x15: {  	[smem:$0x3FAD] =	sst s0;
	s0 =	simm.s32 @!p2 $0x0  }
0x16: {  	s3 =	sld [smem:$0x3FDB];
	s0 =	simm.s32 @p2 $0x1  }
0x17: {  	s4 =	simm.s32 $0x1BF5;
	[smem:$0x3FAF] =	sst s0  }
0x18: {  	s0 =	sld [smem:$0x3F92];
	_ =	swait.ge [sflag:s4], $0x0  }
0x19: {  	s7 =	sld [smem:$0x3F93]  }
0x1a: {  	s8 =	sadd.s32 $0xFFFFE003, lr  }
0x1b: {  	s9 =	sadd.s32 $0xFFFFFEF7, lr;
	s5 =	simm.s32 $0xFFFFFFFF;
	p2 =	slt.u32 s8, $0xFFFFF086  }
0x1c: {  	p1 =	slt.u32 s9, $0xF7A;
	s5 =	simm.s32 @!p2 $0x0  }
0x1d: {  	s5 =	simm.s32 @p1 $0x1;
	p0 =	seq.s32 s7, s2  }
0x1e: {  	s7 =	smul.u32 @!p0 $0xF7A, s2;
	p2 =	seq.s32 @!p0 s5, $0x0  }
0x1f: {  	s9 =	smul.u32 $0xF7A, s1;
	s8 =	simm.s32 @!p0 $0x1BF5;
	p2 =	por !p2, p0  }
0x20: {  	[sflag:s8] =	ssyncset.s32 @!p0 $0xFFFFF086;
	s6 =	sadd.s32 @!p0 s3, s7;
	s7 =	simm.s32 @!p0 $0x108  }
0x21: {  	s3 =	sadd.s32 s3, s9;
	s6 =	sadd.s32 @!p0 $0x88, s6;
	s7 =	simm.s32 @p2 $0x1082  }
0x22: {  	[simem:s7], [sflag:s8] =	dma.local @!p0 [hbm:s6], $0xF7A  }
0x23: {  	s9 =	sor.u32 $0xD0000000, s2;
	s6 =	simm.s32 $0x108;
	_ =	swait.ge @!p0 [sflag:s8], $0x0  }
0x24: {  	s3 =	sadd.s32 $0x88, s3;
	s6 =	simm.s32 @!p1 $0x1082;
	[sflag:s4] =	ssyncset.s32 $0xFFFFF086  }
0x25: {  	[simem:s6], [sflag:s4] =	dma.local [hbm:s3], $0xF7A  }
0x26: {  	[smem:$0x3F93] =	sst s1;
	(tag) =	ssettag s2;
	_ =	strace s9  }
0x27: {  	s1 =	sld [smem:$0x3FA3]  }
0x28: {  	s2 =	sld [smem:$0x3FA4]  }
0x29: {  	s4 =	sld [smem:$0x3FA6]  }
0x2a: {  	p0 =	seq.s32 s5, $0x0;
	s5 =	sld [smem:$0x3FA7]  }
0x2b: {  	s6 =	sld [smem:$0x3FA8]  }
0x2c: {  	s7 =	sld [smem:$0x3FA9]  }
0x2d: {  	s3 =	simm.s32 $0x108;
	s8 =	sld [smem:$0x3FAA]  }
0x2e: {  	s3 =	simm.s32 @!p0 $0x1082;
	s9 =	sld [smem:$0x3FAB]  }
0x2f: {  	lr =	sadd.s32 s0, s3;
	s0 =	sld [smem:$0x3FA2]  }
0x30: {  	s3 =	sld [smem:$0x3FA5]  }
0x31: {  	[smem:$0x3FAE] =	sst s10  }
0x32: {  	s10 =	sld [smem:$0x3FAC];
	_ =	sdelay $0x3  }
0x33: {  	p0 =	seq.s32 s10, $0x1;
	s10 =	sld [smem:$0x3FAE];
	_ =	sdelay $0x3  }
0x34: {  	[smem:$0x3FAE] =	sst s10  }
0x35: {  	s10 =	sld [smem:$0x3FAD];
	_ =	sdelay $0x3  }
0x36: {  	p1 =	seq.s32 s10, $0x1;
	s10 =	sld [smem:$0x3FAE];
	_ =	sdelay $0x3  }
0x37: {  	[smem:$0x3FAE] =	sst s10  }
0x38: {  	s10 =	sld [smem:$0x3FAF]  }
0x39: {  	_ = 	snop;
	(pc) =	sbr.ind lr, $3  }
0x3a: {  	_ = 	snop  }
0x3b: {  	_ = 	snop  }
0x3c: {  	p2 =	seq.s32 s10, $0x1;
	s10 =	sld [smem:$0x3FAE]  }
0x3d: {  	_ =	shalt  }
0x3e: {  	_ =	shalt  }
0x3f: {  	_ =	shalt  }
0x40: {  	_ =	shalt  }
0x41: {  	_ =	shalt  }
0x42: {  	_ =	shalt  }
0x43: {  	_ =	shalt  }
0x44: {  	_ =	shalt  }
0x45: {  	_ =	shalt  }
0x46: {  	_ =	shalt  }
0x47: {  	_ =	shalt  }
0x48: {  	_ =	shalt  }
0x49: {  	_ =	shalt  }
0x4a: {  	_ =	shalt  }
0x4b: {  	_ =	shalt  }
0x4c: {  	_ =	shalt  }
0x4d: {  	_ =	shalt  }
0x4e: {  	_ =	shalt  }
0x4f: {  	_ =	shalt  }
0x50: {  	_ =	shalt  }
0x51: {  	_ =	shalt  }
0x52: {  	_ =	shalt  }
0x53: {  	_ =	shalt  }
0x54: {  	_ =	shalt  }
0x55: {  	_ =	shalt  }
0x56: {  	_ =	shalt  }
0x57: {  	_ =	shalt  }
0x58: {  	_ =	shalt  }
0x59: {  	_ =	shalt  }
0x5a: {  	_ =	shalt  }
0x5b: {  	_ =	shalt  }
0x5c: {  	_ =	shalt  }
0x5d: {  	_ =	shalt  }
0x5e: {  	_ =	shalt  }
0x5f: {  	_ =	shalt  }
0x60: {  	_ =	shalt  }
0x61: {  	_ =	shalt  }
0x62: {  	_ =	shalt  }
0x63: {  	_ =	shalt  }
0x64: {  	_ =	shalt  }
0x65: {  	_ =	shalt  }
0x66: {  	_ =	shalt  }
0x67: {  	_ =	shalt  }
0x68: {  	_ =	shalt  }
0x69: {  	_ =	shalt  }
0x6a: {  	_ =	shalt  }
0x6b: {  	_ =	shalt  }
0x6c: {  	_ =	shalt  }
0x6d: {  	_ =	shalt  }
0x6e: {  	_ =	shalt  }
0x6f: {  	_ =	shalt  }
0x70: {  	_ =	shalt  }
0x71: {  	_ =	shalt  }
0x72: {  	_ =	shalt  }
0x73: {  	_ =	shalt  }
0x74: {  	_ =	shalt  }
0x75: {  	_ =	shalt  }
0x76: {  	_ =	shalt  }
0x77: {  	_ =	shalt  }
0x78: {  	_ =	shalt  }
0x79: {  	_ =	shalt  }
0x7a: {  	_ =	shalt  }
0x7b: {  	_ =	shalt  }
0x7c: {  	_ =	shalt  }
0x7d: {  	_ =	shalt  }
0x7e: {  	_ =	shalt  }
0x7f: {  	_ =	shalt  }
0x80: {  	_ =	shalt  }
0x81: {  	_ =	shalt  }
0x82: {  	_ =	shalt  }
0x83: {  	_ =	shalt  }
0x84: {  	_ =	shalt  }
0x85: {  	_ =	shalt  }
0x86: {  	_ =	shalt  }
0x87: {  	_ =	shalt  }
.Lfunc_end0:
.L_simem_size_0:
called_computation_lowered:
.L_overlay_start_0:
0x88: {  	s2 =	sld [smem:$0x3FD9]  }
0x89: {  	s3 =	sld [smem:$0x3FFE];
	_ =	sdelay $0x1  }
0x8a: {  	s1 =	srdreg.scid  }
0x8b: {  	s0 =	sand.u32 $0x1, s1  }
0x8c: {  	s16 =	sshll.u32 s0, $0xA;
	s2 =	sadd.s32 s3, s2  }
0x8d: {  	s2 =	sadd.s32 s2, s16  }
0x8e: {  	[smem:$0x3FBA] =	sst s2  }
0x8f: {  	_ = 	snop  }
0x90: {  	(tm) =	ssettm $0x1  }
0x91: {  	s17 =	sld [smem:$0x3FFB];
	_ =	sdelay $0x3  }
0x92: {  	_ =	strace s17  }
0x93: {  	s2 =	sld [smem:$0x3FFC];
	_ =	sdelay $0x3  }
0x94: {  	_ =	strace s2  }
0x95: {  	s2 =	sld [smem:$0x3FFD];
	_ =	sdelay $0x3  }
0x96: {  	_ =	strace s2  }
0x97: {  	_ =	strace $0x8FFFFFFF  }
0x98: {  	s18 =	sld [smem:$0x3FDB];
	_ =	sdelay $0x1  }
0x99: {  	s19 =	simm.s32 $_scs_section_size  }
0x9a: {  	s4 =	simm.s32 $_size__tile_overlayer_lowered;
	s5 =	simm.s32 $_tile_overlayer_lowered  }
0x9b: {  	s22 =	simm.s32 $0x1BFF;
	s21 =	sshll.u32 s5, $0x1;
	s2 =	sadd.s32 s19, s18  }
0x9c: {  	s6 =	simm.s32 $0x0;
	s20 =	sshll.u32 s4, $0x1;
	s4 =	sadd.s32 s21, s2  }
0x9d: {  	[timem:s6], [sflag:s22] =	dma.local [hbm:s4], s20  }
0x9e: {  	_ =	swait.ge [sflag:s22], s20  }
0x9f: {  	s3 =	ssub.s32 $0x0, s20;
	[sflag:s22] =	ssyncset.done $0x0  }
0xa0: {  	[sflag:s22] =	ssyncadd.s32 s3;
	_ =	sdelay $0x1  }
0xa1: {  	s23 =	simm.s32 $0x1B8B  }
0xa2: {  	_ =	swait.ge [sflag:s23], $0x1  }
0xa3: {  	[sflag:s23] =	ssyncset.done $0x0  }
0xa4: {  	s25 =	simm.s32 $0x1B8E;
	s24 =	sld [smem:$0x3FFE];
	[sflag:s23] =	ssyncadd.s32 $0xFFFFFFFF  }
0xa5: {  	s26 =	simm.s32 $execute0_lowered;
	[smem:$0x3FD2] =	sst s25  }
0xa6: {  	s4 =	sshll.u32 s26, $0x1;
	_ =	strace $0x80000046;
	[dreg:$0x1] =	wrdreg $0xFFFFFFFF  }
0xa7: {  	s28 =	simm.s32 $_size_execute0_lowered;
	s2 =	sadd.s32 s2, s4;
	[dreg:$0x0] =	wrdreg $0x0  }
0xa8: {  	s4 =	sshll.u32 s28, $0x1;
	[dreg:$0x2] =	wrdreg s2  }
0xa9: {  	[dreg:$0x3] =	wrdreg s4  }
0xaa: {  	[dreg:$0x4] =	wrdreg $0xC0  }
0xab: {  	_ =	task [dreg:s6], $0x5FFFF  }
0xac: {  	[dreg:$0x1] =	wrdreg $0xFFFFFFFF  }
0xad: {  	[dreg:$0x0] =	wrdreg $0x60  }
0xae: {  	[dreg:$0x2] =	wrdreg s24  }
0xaf: {  	[dreg:$0x3] =	wrdreg $0x0  }
0xb0: {  	[dreg:$0x4] =	wrdreg $0x9  }
0xb1: {  	_ =	task.clear_ibuf [dreg:s6], $0x5FFFF;
	_ =	strace $0x90000046  }
0xb2: {  	s29 =	simm.s32 $0x9;
	_ =	strace $0x80000048  }
0xb3: {  	_ =	swait.ge [sflag:s29], $0x1  }
0xb4: {  	[sflag:s29] =	ssyncadd.s32 $0xFFFFFFFF  }
0xb5: {  	_ =	strace $0x90000048  }
0xb6: {  	_ =	sfence  }
0xb7: {  	s30 =	sld [smem:$0x0];
	_ =	sdelay $0x2  }
0xb8: {  	s31 =	sshll.u32 s1, $0xD;
	s1 =	sshrl.u32 s1, $0x2  }
0xb9: {  	s3 =	sand.u32 $0x4000, s31;
	s1 =	sadd.s32 s1, s30  }
0xba: {  	s0 =	sor.u32 s3, s0;
	s1 =	sshll.u32 s1, $0x11  }
0xbb: {  	s0 =	sor.u32 s1, s0  }
0xbc: {  	s0 =	sadd.s32 $0x8F2B, s0  }
0xbd: {  	[sflag:s0] =	ssyncadd.remote.s32 $0x1  }
0xbe: {  	_ =	sfence.sel $0xFFFF  }
0xbf: {  	[dreg:$0x0] =	wrdreg $0xFFFFFFFF;
	(pc) =	sbr.abs _section_cstart, $3  }
0xc0: {  	[dreg:$0x1] =	wrdreg $0xFFFFFFFF  }
0xc1: {  	_ =	task.clear_ibuf [dreg:s6], $0x2FFFF;
	_ =	strace $0x9FFFFFFF  }
0xc2: {  	(tm) =	ssettm $0x7FFFFFFF  }
0xc3: {  	_ =	shalt  }
tec
execute0_lowered:
.L_overlay_start_1:
0x0: {  	(tag) =	ssettag $0x1  }
0x1: {  	s0 =	srdreg.scid;
	s18 =	stileid.u32  }
0x2: {  	s1 =	sand.u32 $0x1, s0;
	s7 =	smul.u32 $0x6400, s18  }
0x3: {  	s9 =	rddreg [dreg:$0x0];
	s21 =	simm.s32 $0x67E8;
	s2 =	sshll.u32 s1, $0x4  }
0x4: {  	s3 =	sor.u32 s18, s2;
	s2 =	rddreg [dreg:$0x1];
	s6 =	sshrl.u32 s7, $0x3  }
0x5: {  	s4 =	smul.u32 $0x4E2, s3;
	s3 =	simm.s32 $0x0;
	s6 =	sadd.s32 s6, s9  }
0x6: {  	s5 =	smul.u32 $0x64000, s1;
	[smem:$0x7FF] =	sst s3;
	s19 =	sadd.s32 $0x24200, s6  }
0x7: {  	s23 =	simm.s32 $0x8EF8;
	_ =	strace $0x80000047;
	[dreg:$0x5] =	wrdreg s19  }
0x8: {  	s5 =	sadd.s32 s7, s5;
	s4 =	sadd.s32 s4, s9;
	[dreg:$0x7] =	wrdreg s21  }
0x9: {  	s5 =	sshrl.u32 s5, $0x3;
	[dreg:$0x8] =	wrdreg s23;
	s8 =	sadd.s32 $0x1A400, s4  }
0xa: {  	s5 =	sadd.s32 s5, s9;
	s4 =	sadd.s32 $0x10600, s4;
	[dreg:$0x3] =	wrdreg s8  }
0xb: {  	s20 =	sadd.s32 $0x30A00, s5;
	[dreg:$0x4] =	wrdreg s4  }
0xc: {  	[dreg:$0x6] =	wrdreg s20  }
0xd: {  	s5 =	simm.s32 $0x6400;
	s4 =	simm.s32 $0x3;
	s22 =	rddreg [dreg:$0x3]  }
0xe: {  	[tilespmem:s5], [sflag:$0x3] =	stream.linear.gather [hbm4b:s22+s3], $0x2710, $0x38;
	[tilespmem:$0x1EAA0] =	vst v63  }
0xf: {  	_ =	swait.ge [sflag:s4], $0x2710  }
0x10: {  	[sflag:s4] =	ssyncset.done $0x0  }
0x11: {  	s6 =	simm.s32 $0x8B10;
	s24 =	rddreg [dreg:$0x4];
	[sflag:s4] =	ssyncadd.s32 $0xFFFFD8F0  }
0x12: {  	[tilespmem:s6], [sflag:$0x3] =	stream.linear.gather [hbm4b:s24+s3], $0x2710, $0x38;
	[tilespmem:$0x1EAA0] =	vst v63  }
0x13: {  	s26 =	sshll.u32 s18, $0x6;
	_ =	swait.ge [sflag:s4], $0x2710  }
0x14: {  	s25 =	sadd.s32 s7, s2;
	s7 =	sor.u32 $0x1C03, s26;
	[sflag:s4] =	ssyncset.done $0x0  }
0x15: {  	s8 =	sshrl.u32 s25, $0x3;
	s10 =	rddreg [dreg:$0x5];
	[sflag:s4] =	ssyncadd.s32 $0xFFFFD8F0  }
0x16: {  	[spmem:s8], [sflag:s7] =	dma.local [hbm:s10], $0xC80  }
0x17: {  	_ =	swait.ge [sflag:s4], $0xC80  }
0x18: {  	[sflag:s4] =	ssyncset.done $0x0  }
0x19: {  	s11 =	simm.s32 $0xB220;
	s12 =	simm.s32 $0x1;
	[sflag:s4] =	ssyncadd.s32 $0xFFFFF380  }
0x1a: {  	s9 =	sadd.s32 $0x4200, s9;
	s10 =	simm.s32 $0x3E8;
	[bflag:$0x0] =	sbarrier.arrive $0xFFFF  }
0x1b: {  	[tilespmem:s11], [sflag:$0x1] =	stream.indirect.gather [hbm4b:s9+s10], $0x28, s5, s10, $0xb8;
	[tilespmem:$0x1EAA0] =	vst v63  }
0x1c: {  	_ =	swait.ge [sflag:s12], $0x9C40  }
0x1d: {  	[sflag:s12] =	ssyncset.done $0x0  }
0x1e: {  	[sflag:s12] =	ssyncadd.s32 $0xFFFF63C0  }
0x1f: {  	[spmem:s2] =	stream.indirect.scatter.add.f32 [tilespmem:s11], [sflag:$0x2], $0x28, s6, s10, $0xb8;
	[tilespmem:$0x1EAA0] =	vst v63  }
0x20: {  	s13 =	simm.s32 $0x14E60;
	s14 =	rddreg [dreg:$0x7]  }
0x21: {  	[tilespmem:s13], [sflag:$0x1] =	stream.indirect.gather [hbm4b:s9+s10], $0x28, s14, s10, $0xb8;
	[tilespmem:$0x1EAA0] =	vst v63  }
0x22: {  	_ =	swait.ge [sflag:s12], $0x9C40  }
0x23: {  	[sflag:s12] =	ssyncset.done $0x0  }
0x24: {  	s14 =	simm.s32 $0x2;
	s15 =	rddreg [dreg:$0x8];
	[sflag:s12] =	ssyncadd.s32 $0xFFFF63C0  }
0x25: {  	[spmem:s2] =	stream.indirect.scatter.add.f32 [tilespmem:s13], [sflag:$0x2], $0x28, s15, s10, $0xb8;
	[tilespmem:$0x1EAA0] =	vst v63  }
0x26: {  	_ =	swait.ge [sflag:s14], $0x9C40  }
0x27: {  	[sflag:s14] =	ssyncset.done $0x0  }
0x28: {  	s15 =	simm.s32 $0x6BD0;
	[sflag:s14] =	ssyncadd.s32 $0xFFFF63C0  }
0x29: {  	[tilespmem:s11], [sflag:$0x1] =	stream.indirect.gather [hbm4b:s9+s10], $0x28, s15, s10, $0xb8;
	[tilespmem:$0x1EAA0] =	vst v63  }
0x2a: {  	_ =	swait.ge [sflag:s12], $0x9C40  }
0x2b: {  	[sflag:s12] =	ssyncset.done $0x0  }
0x2c: {  	s16 =	simm.s32 $0x92E0;
	[sflag:s12] =	ssyncadd.s32 $0xFFFF63C0  }
0x2d: {  	[spmem:s2] =	stream.indirect.scatter.add.f32 [tilespmem:s11], [sflag:$0x2], $0x28, s16, s10, $0xb8;
	[tilespmem:$0x1EAA0] =	vst v63  }
0x2e: {  	_ =	swait.ge [sflag:s14], $0x9C40  }
0x2f: {  	[sflag:s14] =	ssyncset.done $0x0  }
0x30: {  	s17 =	simm.s32 $0x6FB8;
	[sflag:s14] =	ssyncadd.s32 $0xFFFF63C0  }
0x31: {  	[tilespmem:s13], [sflag:$0x1] =	stream.indirect.gather [hbm4b:s9+s10], $0x28, s17, s10, $0xb8;
	[tilespmem:$0x1EAA0] =	vst v63  }
0x32: {  	_ =	swait.ge [sflag:s12], $0x9C40  }
0x33: {  	[sflag:s12] =	ssyncset.done $0x0  }
0x34: {  	s18 =	simm.s32 $0x96C8;
	[sflag:s12] =	ssyncadd.s32 $0xFFFF63C0  }
0x35: {  	[spmem:s2] =	stream.indirect.scatter.add.f32 [tilespmem:s13], [sflag:$0x2], $0x28, s18, s10, $0xb8;
	[tilespmem:$0x1EAA0] =	vst v63  }
0x36: {  	_ =	swait.ge [sflag:s14], $0x9C40  }
0x37: {  	[sflag:s14] =	ssyncset.done $0x0  }
0x38: {  	s19 =	simm.s32 $0x73A0;
	[sflag:s14] =	ssyncadd.s32 $0xFFFF63C0  }
0x39: {  	[tilespmem:s11], [sflag:$0x1] =	stream.indirect.gather [hbm4b:s9+s10], $0x28, s19, s10, $0xb8;
	[tilespmem:$0x1EAA0] =	vst v63  }
0x3a: {  	_ =	swait.ge [sflag:s12], $0x9C40  }
0x3b: {  	[sflag:s12] =	ssyncset.done $0x0  }
0x3c: {  	s20 =	simm.s32 $0x9AB0;
	[sflag:s12] =	ssyncadd.s32 $0xFFFF63C0  }
0x3d: {  	[spmem:s2] =	stream.indirect.scatter.add.f32 [tilespmem:s11], [sflag:$0x2], $0x28, s20, s10, $0xb8;
	[tilespmem:$0x1EAA0] =	vst v63  }
0x3e: {  	_ =	swait.ge [sflag:s14], $0x9C40  }
0x3f: {  	[sflag:s14] =	ssyncset.done $0x0  }
0x40: {  	s21 =	simm.s32 $0x7788;
	[sflag:s14] =	ssyncadd.s32 $0xFFFF63C0  }
0x41: {  	[tilespmem:s13], [sflag:$0x1] =	stream.indirect.gather [hbm4b:s9+s10], $0x28, s21, s10, $0xb8;
	[tilespmem:$0x1EAA0] =	vst v63  }
0x42: {  	_ =	swait.ge [sflag:s12], $0x9C40  }
0x43: {  	[sflag:s12] =	ssyncset.done $0x0  }
0x44: {  	s22 =	simm.s32 $0x9E98;
	[sflag:s12] =	ssyncadd.s32 $0xFFFF63C0  }
0x45: {  	[spmem:s2] =	stream.indirect.scatter.add.f32 [tilespmem:s13], [sflag:$0x2], $0x28, s22, s10, $0xb8;
	[tilespmem:$0x1EAA0] =	vst v63  }
0x46: {  	_ =	swait.ge [sflag:s14], $0x9C40  }
0x47: {  	[sflag:s14] =	ssyncset.done $0x0  }
0x48: {  	s23 =	simm.s32 $0x7B70;
	[sflag:s14] =	ssyncadd.s32 $0xFFFF63C0  }
0x49: {  	[tilespmem:s11], [sflag:$0x1] =	stream.indirect.gather [hbm4b:s9+s10], $0x28, s23, s10, $0xb8;
	[tilespmem:$0x1EAA0] =	vst v63  }
0x4a: {  	_ =	swait.ge [sflag:s12], $0x9C40  }
0x4b: {  	[sflag:s12] =	ssyncset.done $0x0  }
0x4c: {  	s24 =	simm.s32 $0xA280;
	[sflag:s12] =	ssyncadd.s32 $0xFFFF63C0  }
0x4d: {  	[spmem:s2] =	stream.indirect.scatter.add.f32 [tilespmem:s11], [sflag:$0x2], $0x28, s24, s10, $0xb8;
	[tilespmem:$0x1EAA0] =	vst v63  }
0x4e: {  	_ =	swait.ge [sflag:s14], $0x9C40  }
0x4f: {  	[sflag:s14] =	ssyncset.done $0x0  }
0x50: {  	s25 =	simm.s32 $0x7F58;
	[sflag:s14] =	ssyncadd.s32 $0xFFFF63C0  }
0x51: {  	[tilespmem:s13], [sflag:$0x1] =	stream.indirect.gather [hbm4b:s9+s10], $0x28, s25, s10, $0xb8;
	[tilespmem:$0x1EAA0] =	vst v63  }
0x52: {  	_ =	swait.ge [sflag:s12], $0x9C40  }
0x53: {  	[sflag:s12] =	ssyncset.done $0x0  }
0x54: {  	s26 =	simm.s32 $0xA668;
	[sflag:s12] =	ssyncadd.s32 $0xFFFF63C0  }
0x55: {  	[spmem:s2] =	stream.indirect.scatter.add.f32 [tilespmem:s13], [sflag:$0x2], $0x28, s26, s10, $0xb8;
	[tilespmem:$0x1EAA0] =	vst v63  }
0x56: {  	_ =	swait.ge [sflag:s14], $0x9C40  }
0x57: {  	[sflag:s14] =	ssyncset.done $0x0  }
0x58: {  	s28 =	simm.s32 $0x8340;
	[sflag:s14] =	ssyncadd.s32 $0xFFFF63C0  }
0x59: {  	[tilespmem:s11], [sflag:$0x1] =	stream.indirect.gather [hbm4b:s9+s10], $0x28, s28, s10, $0xb8;
	[tilespmem:$0x1EAA0] =	vst v63  }
0x5a: {  	_ =	swait.ge [sflag:s12], $0x9C40  }
0x5b: {  	[sflag:s12] =	ssyncset.done $0x0  }
0x5c: {  	s29 =	simm.s32 $0xAA50;
	[sflag:s12] =	ssyncadd.s32 $0xFFFF63C0  }
0x5d: {  	[spmem:s2] =	stream.indirect.scatter.add.f32 [tilespmem:s11], [sflag:$0x2], $0x28, s29, s10, $0xb8;
	[tilespmem:$0x1EAA0] =	vst v63  }
0x5e: {  	_ =	swait.ge [sflag:s14], $0x9C40  }
0x5f: {  	[sflag:s14] =	ssyncset.done $0x0  }
0x60: {  	s30 =	simm.s32 $0x8728;
	[sflag:s14] =	ssyncadd.s32 $0xFFFF63C0  }
0x61: {  	[tilespmem:s13], [sflag:$0x1] =	stream.indirect.gather [hbm4b:s9+s10], $0x28, s30, s10, $0xb8;
	[tilespmem:$0x1EAA0] =	vst v63  }
0x62: {  	_ =	swait.ge [sflag:s12], $0x9C40  }
0x63: {  	[sflag:s12] =	ssyncset.done $0x0  }
0x64: {  	s31 =	simm.s32 $0xAE38;
	[sflag:s12] =	ssyncadd.s32 $0xFFFF63C0  }
0x65: {  	[spmem:s2] =	stream.indirect.scatter.add.f32 [tilespmem:s13], [sflag:$0x2], $0x28, s31, s10, $0xb8;
	[tilespmem:$0x1EAA0] =	vst v63  }
0x66: {  	_ =	swait.ge [sflag:s14], $0x9C40  }
0x67: {  	[sflag:s14] =	ssyncset.done $0x0  }
0x68: {  	[sflag:s14] =	ssyncadd.s32 $0xFFFF63C0  }
0x69: {  	_ =	swait.ge [sflag:s14], $0x9C40  }
0x6a: {  	[sflag:s14] =	ssyncset.done $0x0  }
0x6b: {  	[sflag:s14] =	ssyncadd.s32 $0xFFFF63C0  }
0x6c: {  	[bflag:$0x0] =	sbarrier.arrive $0xFFFF  }
0x6d: {  	s1 =	ssub.s32 $0x2, s1;
	s0 =	rddreg [dreg:$0x6]  }
0x6e: {  	[dreg:$0x9] =	wrdreg s0;
	s0 =	sshrl.u32 s1, $0x1  }
0x6f: {  	s0 =	ssub.s32 s1, s0  }
0x70: {  	s0 =	smax.u32 s0, $0x1  }
0x71: {  	p0 =	sne.s32 s0, $0x1  }
.Ltmp0:
0x72: {  	_ = 	snop;
	(pc) =	sbr.rel @!p0 .LBB2_2-.Ltmp0, $4  }
0x73: {  	_ = 	snop  }
0x74: {  	s1 =	rddreg [dreg:$0x9]  }
0x75: {  	[hbm:s1], [sflag:s7] =	dma.local [spmem:s8], $0xC80  }
0x76: {  	s1 =	sadd.s32 $0xFFFFFFFF, s0;
	_ =	swait.ge [sflag:s4], $0xC80  }
.LBB2_1:
0x77: {  	[sflag:s4] =	ssyncset.done $0x0  }
0x78: {  	s0 =	rddreg [dreg:$0x3];
	[sflag:s4] =	ssyncadd.s32 $0xFFFFF380  }
0x79: {  	[tilespmem:s5], [sflag:$0x3] =	stream.linear.gather [hbm4b:s0+s3], $0x2710, $0x38;
	[tilespmem:$0x1EAA0] =	vst v63  }
0x7a: {  	_ =	swait.ge [sflag:s4], $0x2710  }
0x7b: {  	[sflag:s4] =	ssyncset.done $0x0  }
0x7c: {  	s0 =	rddreg [dreg:$0x4];
	[sflag:s4] =	ssyncadd.s32 $0xFFFFD8F0  }
0x7d: {  	[tilespmem:s6], [sflag:$0x3] =	stream.linear.gather [hbm4b:s0+s3], $0x2710, $0x38;
	[tilespmem:$0x1EAA0] =	vst v63  }
0x7e: {  	_ =	swait.ge [sflag:s4], $0x2710  }
0x7f: {  	[sflag:s4] =	ssyncset.done $0x0  }
0x80: {  	s0 =	rddreg [dreg:$0x5];
	[sflag:s4] =	ssyncadd.s32 $0xFFFFD8F0  }
0x81: {  	[spmem:s8], [sflag:s7] =	dma.local [hbm:s0], $0xC80  }
0x82: {  	_ =	swait.ge [sflag:s4], $0xC80  }
0x83: {  	[sflag:s4] =	ssyncset.done $0x0  }
0x84: {  	[sflag:s4] =	ssyncadd.s32 $0xFFFFF380  }
0x85: {  	[bflag:$0x0] =	sbarrier.arrive $0xFFFF  }
0x86: {  	[tilespmem:s11], [sflag:$0x1] =	stream.indirect.gather [hbm4b:s9+s10], $0x28, s5, s10, $0xb8;
	[tilespmem:$0x1EAA0] =	vst v63  }
0x87: {  	_ =	swait.ge [sflag:s12], $0x9C40  }
0x88: {  	[sflag:s12] =	ssyncset.done $0x0  }
0x89: {  	[sflag:s12] =	ssyncadd.s32 $0xFFFF63C0  }
0x8a: {  	[spmem:s2] =	stream.indirect.scatter.add.f32 [tilespmem:s11], [sflag:$0x2], $0x28, s6, s10, $0xb8;
	[tilespmem:$0x1EAA0] =	vst v63  }
0x8b: {  	s0 =	rddreg [dreg:$0x7]  }
0x8c: {  	[tilespmem:s13], [sflag:$0x1] =	stream.indirect.gather [hbm4b:s9+s10], $0x28, s0, s10, $0xb8;
	[tilespmem:$0x1EAA0] =	vst v63  }
0x8d: {  	_ =	swait.ge [sflag:s12], $0x9C40  }
0x8e: {  	[sflag:s12] =	ssyncset.done $0x0  }
0x8f: {  	s0 =	rddreg [dreg:$0x8];
	[sflag:s12] =	ssyncadd.s32 $0xFFFF63C0  }
0x90: {  	[spmem:s2] =	stream.indirect.scatter.add.f32 [tilespmem:s13], [sflag:$0x2], $0x28, s0, s10, $0xb8;
	[tilespmem:$0x1EAA0] =	vst v63  }
0x91: {  	_ =	swait.ge [sflag:s14], $0x9C40  }
0x92: {  	[sflag:s14] =	ssyncset.done $0x0  }
0x93: {  	[sflag:s14] =	ssyncadd.s32 $0xFFFF63C0  }
0x94: {  	[tilespmem:s11], [sflag:$0x1] =	stream.indirect.gather [hbm4b:s9+s10], $0x28, s15, s10, $0xb8;
	[tilespmem:$0x1EAA0] =	vst v63  }
0x95: {  	_ =	swait.ge [sflag:s12], $0x9C40  }
0x96: {  	[sflag:s12] =	ssyncset.done $0x0  }
0x97: {  	[sflag:s12] =	ssyncadd.s32 $0xFFFF63C0  }
0x98: {  	[spmem:s2] =	stream.indirect.scatter.add.f32 [tilespmem:s11], [sflag:$0x2], $0x28, s16, s10, $0xb8;
	[tilespmem:$0x1EAA0] =	vst v63  }
0x99: {  	_ =	swait.ge [sflag:s14], $0x9C40  }
0x9a: {  	[sflag:s14] =	ssyncset.done $0x0  }
0x9b: {  	[sflag:s14] =	ssyncadd.s32 $0xFFFF63C0  }
0x9c: {  	[tilespmem:s13], [sflag:$0x1] =	stream.indirect.gather [hbm4b:s9+s10], $0x28, s17, s10, $0xb8;
	[tilespmem:$0x1EAA0] =	vst v63  }
0x9d: {  	_ =	swait.ge [sflag:s12], $0x9C40  }
0x9e: {  	[sflag:s12] =	ssyncset.done $0x0  }
0x9f: {  	[sflag:s12] =	ssyncadd.s32 $0xFFFF63C0  }
0xa0: {  	[spmem:s2] =	stream.indirect.scatter.add.f32 [tilespmem:s13], [sflag:$0x2], $0x28, s18, s10, $0xb8;
	[tilespmem:$0x1EAA0] =	vst v63  }
0xa1: {  	_ =	swait.ge [sflag:s14], $0x9C40  }
0xa2: {  	[sflag:s14] =	ssyncset.done $0x0  }
0xa3: {  	[sflag:s14] =	ssyncadd.s32 $0xFFFF63C0  }
0xa4: {  	[tilespmem:s11], [sflag:$0x1] =	stream.indirect.gather [hbm4b:s9+s10], $0x28, s19, s10, $0xb8;
	[tilespmem:$0x1EAA0] =	vst v63  }
0xa5: {  	_ =	swait.ge [sflag:s12], $0x9C40  }
0xa6: {  	[sflag:s12] =	ssyncset.done $0x0  }
0xa7: {  	[sflag:s12] =	ssyncadd.s32 $0xFFFF63C0  }
0xa8: {  	[spmem:s2] =	stream.indirect.scatter.add.f32 [tilespmem:s11], [sflag:$0x2], $0x28, s20, s10, $0xb8;
	[tilespmem:$0x1EAA0] =	vst v63  }
0xa9: {  	_ =	swait.ge [sflag:s14], $0x9C40  }
0xaa: {  	[sflag:s14] =	ssyncset.done $0x0  }
0xab: {  	[sflag:s14] =	ssyncadd.s32 $0xFFFF63C0  }
0xac: {  	[tilespmem:s13], [sflag:$0x1] =	stream.indirect.gather [hbm4b:s9+s10], $0x28, s21, s10, $0xb8;
	[tilespmem:$0x1EAA0] =	vst v63  }
0xad: {  	_ =	swait.ge [sflag:s12], $0x9C40  }
0xae: {  	[sflag:s12] =	ssyncset.done $0x0  }
0xaf: {  	[sflag:s12] =	ssyncadd.s32 $0xFFFF63C0  }
0xb0: {  	[spmem:s2] =	stream.indirect.scatter.add.f32 [tilespmem:s13], [sflag:$0x2], $0x28, s22, s10, $0xb8;
	[tilespmem:$0x1EAA0] =	vst v63  }
0xb1: {  	_ =	swait.ge [sflag:s14], $0x9C40  }
0xb2: {  	[sflag:s14] =	ssyncset.done $0x0  }
0xb3: {  	[sflag:s14] =	ssyncadd.s32 $0xFFFF63C0  }
0xb4: {  	[tilespmem:s11], [sflag:$0x1] =	stream.indirect.gather [hbm4b:s9+s10], $0x28, s23, s10, $0xb8;
	[tilespmem:$0x1EAA0] =	vst v63  }
0xb5: {  	_ =	swait.ge [sflag:s12], $0x9C40  }
0xb6: {  	[sflag:s12] =	ssyncset.done $0x0  }
0xb7: {  	[sflag:s12] =	ssyncadd.s32 $0xFFFF63C0  }
0xb8: {  	[spmem:s2] =	stream.indirect.scatter.add.f32 [tilespmem:s11], [sflag:$0x2], $0x28, s24, s10, $0xb8;
	[tilespmem:$0x1EAA0] =	vst v63  }
0xb9: {  	_ =	swait.ge [sflag:s14], $0x9C40  }
0xba: {  	[sflag:s14] =	ssyncset.done $0x0  }
0xbb: {  	[sflag:s14] =	ssyncadd.s32 $0xFFFF63C0  }
0xbc: {  	[tilespmem:s13], [sflag:$0x1] =	stream.indirect.gather [hbm4b:s9+s10], $0x28, s25, s10, $0xb8;
	[tilespmem:$0x1EAA0] =	vst v63  }
0xbd: {  	_ =	swait.ge [sflag:s12], $0x9C40  }
0xbe: {  	[sflag:s12] =	ssyncset.done $0x0  }
0xbf: {  	[sflag:s12] =	ssyncadd.s32 $0xFFFF63C0  }
0xc0: {  	[spmem:s2] =	stream.indirect.scatter.add.f32 [tilespmem:s13], [sflag:$0x2], $0x28, s26, s10, $0xb8;
	[tilespmem:$0x1EAA0] =	vst v63  }
0xc1: {  	_ =	swait.ge [sflag:s14], $0x9C40  }
0xc2: {  	[sflag:s14] =	ssyncset.done $0x0  }
0xc3: {  	[sflag:s14] =	ssyncadd.s32 $0xFFFF63C0  }
0xc4: {  	[tilespmem:s11], [sflag:$0x1] =	stream.indirect.gather [hbm4b:s9+s10], $0x28, s28, s10, $0xb8;
	[tilespmem:$0x1EAA0] =	vst v63  }
0xc5: {  	_ =	swait.ge [sflag:s12], $0x9C40  }
0xc6: {  	[sflag:s12] =	ssyncset.done $0x0  }
0xc7: {  	[sflag:s12] =	ssyncadd.s32 $0xFFFF63C0  }
0xc8: {  	[spmem:s2] =	stream.indirect.scatter.add.f32 [tilespmem:s11], [sflag:$0x2], $0x28, s29, s10, $0xb8;
	[tilespmem:$0x1EAA0] =	vst v63  }
0xc9: {  	_ =	swait.ge [sflag:s14], $0x9C40  }
0xca: {  	[sflag:s14] =	ssyncset.done $0x0  }
0xcb: {  	[sflag:s14] =	ssyncadd.s32 $0xFFFF63C0  }
0xcc: {  	[tilespmem:s13], [sflag:$0x1] =	stream.indirect.gather [hbm4b:s9+s10], $0x28, s30, s10, $0xb8;
	[tilespmem:$0x1EAA0] =	vst v63  }
0xcd: {  	_ =	swait.ge [sflag:s12], $0x9C40  }
0xce: {  	[sflag:s12] =	ssyncset.done $0x0  }
0xcf: {  	[sflag:s12] =	ssyncadd.s32 $0xFFFF63C0  }
0xd0: {  	[spmem:s2] =	stream.indirect.scatter.add.f32 [tilespmem:s13], [sflag:$0x2], $0x28, s31, s10, $0xb8;
	[tilespmem:$0x1EAA0] =	vst v63  }
0xd1: {  	_ =	swait.ge [sflag:s14], $0x9C40  }
0xd2: {  	[sflag:s14] =	ssyncset.done $0x0  }
0xd3: {  	[sflag:s14] =	ssyncadd.s32 $0xFFFF63C0  }
0xd4: {  	_ =	swait.ge [sflag:s14], $0x9C40  }
0xd5: {  	p0 =	sne.s32 s1, $0x1;
	[sflag:s14] =	ssyncset.done $0x0  }
.Ltmp1:
0xd6: {  	[sflag:s14] =	ssyncadd.s32 $0xFFFF63C0;
	(pc) =	sbr.rel @p0 .LBB2_1-.Ltmp1, $4  }
0xd7: {  	[bflag:$0x0] =	sbarrier.arrive $0xFFFF  }
0xd8: {  	s0 =	rddreg [dreg:$0x6]  }
0xd9: {  	[hbm:s0], [sflag:s7] =	dma.local [spmem:s8], $0xC80  }
0xda: {  	s1 =	sadd.s32 $0xFFFFFFFF, s1;
	_ =	swait.ge [sflag:s4], $0xC80  }
.LBB2_2:
0xdb: {  	[sflag:s4] =	ssyncset.done $0x0  }
0xdc: {  	[sflag:s4] =	ssyncadd.s32 $0xFFFFF380  }
0xdd: {  	_ =	sfence.sel $0x180000  }
0xde: {  	[bflag:$0x0] =	sbarrier.arrive $0xFFFF  }
0xdf: {  	_ =	strace $0x90000047  }
0xe0: {  	s0 =	stileid.u32;
	[bflag:$0x2] =	sbarrier.arrive $0xFFFF  }
0xe1: {  	p0 =	sne.s32 s0, $0x0;
	s0 =	rddreg [dreg:$0x2]  }
0xe2: {  	s0 =	sadd.s32 @!p0 $0x100000, s0  }
0xe3: {  	[sflag:s0] =	ssyncadd.tile.s32 @!p0 $0x1;
	_ =	shalt  }
.Lfunc_end2:
_tile_overlayer_lowered:
.L_overlay_start_2:
0xe4: {  	(tag) =	ssettag $0x2  }
0xe5: {  	s0 =	rddreg [dreg:$0x0];
	s2 =	stileid.u32  }
0xe6: {  	s1 =	rddreg [dreg:$0x1];
	p0 =	sne.s32 s2, $0x0  }
0xe7: {  	s3 =	rddreg [dreg:$0x2];
	[bflag:$0x3] =	sbarrier.arrive $0xFFFF;
	s2 =	simm.s32 @!p0 $0x1C03  }
0xe8: {  	[timem:s3], [sflag:s2] =	dma.local @!p0 [hbm:s0], s1  }
0xe9: {  	s0 =	simm.s32 @!p0 $0x3  }
0xea: {  	_ =	swait.ge @!p0 [sflag:s0], s1  }
0xeb: {  	s1 =	ssub.s32 @!p0 $0x0, s1;
	[sflag:s0] =	ssyncset.done @!p0 $0x0  }
0xec: {  	[sflag:s0] =	ssyncadd.s32 @!p0 s1  }
0xed: {  	[bflag:$0x3] =	sbarrier.arrive $0xFFFF  }
0xee: {  	_ =	shalt  }

// kernel: kernel.15.cloned.1.call-start
scs
__scs_entry_jumppad:
0x0: {  	(pc) =	sbr.rel $0x88, $3  }
0x1: {  	(tag) =	ssettag $0x0;
	lr =	simm.s32 $0x1  }
0x2: {  	[smem:$0x3F93] =	sst lr;
	_ =	strace $0xD0000000  }
0x3: {  	_ = 	snop  }
0x4: {  	_ = 	snop  }
0x5: {  	_ = 	snop  }
0x6: {  	_ = 	snop  }
0x7: {  	_ = 	snop  }
__scs_overlays_trampoline_lowered:
0x8: {  	[smem:$0x3FA2] =	sst s0  }
0x9: {  	[smem:$0x3FA3] =	sst s1  }
0xa: {  	[smem:$0x3FA4] =	sst s2  }
0xb: {  	[smem:$0x3FA5] =	sst s3  }
0xc: {  	[smem:$0x3FA6] =	sst s4  }
0xd: {  	[smem:$0x3FA7] =	sst s5  }
0xe: {  	[smem:$0x3FA8] =	sst s6  }
0xf: {  	[smem:$0x3FA9] =	sst s7  }
0x10: {  	[smem:$0x3FAA] =	sst s8  }
0x11: {  	[smem:$0x3FAB] =	sst s9;
	s0 =	simm.s32 @!p0 $0x0  }
0x12: {  	s1 =	sld [smem:$0x3F91];
	s0 =	simm.s32 @p0 $0x1  }
0x13: {  	[smem:$0x3FAC] =	sst s0;
	s0 =	simm.s32 @!p1 $0x0  }
0x14: {  	s2 =	sld [smem:$0x3F90];
	s0 =	simm.s32 @p1 $0x1  }
0x15: {  	[smem:$0x3FAD] =	sst s0;
	s0 =	simm.s32 @!p2 $0x0  }
0x16: {  	s3 =	sld [smem:$0x3FDB];
	s0 =	simm.s32 @p2 $0x1  }
0x17: {  	s4 =	simm.s32 $0x1BF5;
	[smem:$0x3FAF] =	sst s0  }
0x18: {  	s0 =	sld [smem:$0x3F92];
	_ =	swait.ge [sflag:s4], $0x0  }
0x19: {  	s7 =	sld [smem:$0x3F93]  }
0x1a: {  	s8 =	sadd.s32 $0xFFFFE003, lr  }
0x1b: {  	s9 =	sadd.s32 $0xFFFFFEF7, lr;
	s5 =	simm.s32 $0xFFFFFFFF;
	p2 =	slt.u32 s8, $0xFFFFF086  }
0x1c: {  	p1 =	slt.u32 s9, $0xF7A;
	s5 =	simm.s32 @!p2 $0x0  }
0x1d: {  	s5 =	simm.s32 @p1 $0x1;
	p0 =	seq.s32 s7, s2  }
0x1e: {  	s7 =	smul.u32 @!p0 $0xF7A, s2;
	p2 =	seq.s32 @!p0 s5, $0x0  }
0x1f: {  	s9 =	smul.u32 $0xF7A, s1;
	s8 =	simm.s32 @!p0 $0x1BF5;
	p2 =	por !p2, p0  }
0x20: {  	[sflag:s8] =	ssyncset.s32 @!p0 $0xFFFFF086;
	s6 =	sadd.s32 @!p0 s3, s7;
	s7 =	simm.s32 @!p0 $0x108  }
0x21: {  	s3 =	sadd.s32 s3, s9;
	s6 =	sadd.s32 @!p0 $0x88, s6;
	s7 =	simm.s32 @p2 $0x1082  }
0x22: {  	[simem:s7], [sflag:s8] =	dma.local @!p0 [hbm:s6], $0xF7A  }
0x23: {  	s9 =	sor.u32 $0xD0000000, s2;
	s6 =	simm.s32 $0x108;
	_ =	swait.ge @!p0 [sflag:s8], $0x0  }
0x24: {  	s3 =	sadd.s32 $0x88, s3;
	s6 =	simm.s32 @!p1 $0x1082;
	[sflag:s4] =	ssyncset.s32 $0xFFFFF086  }
0x25: {  	[simem:s6], [sflag:s4] =	dma.local [hbm:s3], $0xF7A  }
0x26: {  	[smem:$0x3F93] =	sst s1;
	(tag) =	ssettag s2;
	_ =	strace s9  }
0x27: {  	s1 =	sld [smem:$0x3FA3]  }
0x28: {  	s2 =	sld [smem:$0x3FA4]  }
0x29: {  	s4 =	sld [smem:$0x3FA6]  }
0x2a: {  	p0 =	seq.s32 s5, $0x0;
	s5 =	sld [smem:$0x3FA7]  }
0x2b: {  	s6 =	sld [smem:$0x3FA8]  }
0x2c: {  	s7 =	sld [smem:$0x3FA9]  }
0x2d: {  	s3 =	simm.s32 $0x108;
	s8 =	sld [smem:$0x3FAA]  }
0x2e: {  	s3 =	simm.s32 @!p0 $0x1082;
	s9 =	sld [smem:$0x3FAB]  }
0x2f: {  	lr =	sadd.s32 s0, s3;
	s0 =	sld [smem:$0x3FA2]  }
0x30: {  	s3 =	sld [smem:$0x3FA5]  }
0x31: {  	[smem:$0x3FAE] =	sst s10  }
0x32: {  	s10 =	sld [smem:$0x3FAC];
	_ =	sdelay $0x3  }
0x33: {  	p0 =	seq.s32 s10, $0x1;
	s10 =	sld [smem:$0x3FAE];
	_ =	sdelay $0x3  }
0x34: {  	[smem:$0x3FAE] =	sst s10  }
0x35: {  	s10 =	sld [smem:$0x3FAD];
	_ =	sdelay $0x3  }
0x36: {  	p1 =	seq.s32 s10, $0x1;
	s10 =	sld [smem:$0x3FAE];
	_ =	sdelay $0x3  }
0x37: {  	[smem:$0x3FAE] =	sst s10  }
0x38: {  	s10 =	sld [smem:$0x3FAF]  }
0x39: {  	_ = 	snop;
	(pc) =	sbr.ind lr, $3  }
0x3a: {  	_ = 	snop  }
0x3b: {  	_ = 	snop  }
0x3c: {  	p2 =	seq.s32 s10, $0x1;
	s10 =	sld [smem:$0x3FAE]  }
0x3d: {  	_ =	shalt  }
0x3e: {  	_ =	shalt  }
0x3f: {  	_ =	shalt  }
0x40: {  	_ =	shalt  }
0x41: {  	_ =	shalt  }
0x42: {  	_ =	shalt  }
0x43: {  	_ =	shalt  }
0x44: {  	_ =	shalt  }
0x45: {  	_ =	shalt  }
0x46: {  	_ =	shalt  }
0x47: {  	_ =	shalt  }
0x48: {  	_ =	shalt  }
0x49: {  	_ =	shalt  }
0x4a: {  	_ =	shalt  }
0x4b: {  	_ =	shalt  }
0x4c: {  	_ =	shalt  }
0x4d: {  	_ =	shalt  }
0x4e: {  	_ =	shalt  }
0x4f: {  	_ =	shalt  }
0x50: {  	_ =	shalt  }
0x51: {  	_ =	shalt  }
0x52: {  	_ =	shalt  }
0x53: {  	_ =	shalt  }
0x54: {  	_ =	shalt  }
0x55: {  	_ =	shalt  }
0x56: {  	_ =	shalt  }
0x57: {  	_ =	shalt  }
0x58: {  	_ =	shalt  }
0x59: {  	_ =	shalt  }
0x5a: {  	_ =	shalt  }
0x5b: {  	_ =	shalt  }
0x5c: {  	_ =	shalt  }
0x5d: {  	_ =	shalt  }
0x5e: {  	_ =	shalt  }
0x5f: {  	_ =	shalt  }
0x60: {  	_ =	shalt  }
0x61: {  	_ =	shalt  }
0x62: {  	_ =	shalt  }
0x63: {  	_ =	shalt  }
0x64: {  	_ =	shalt  }
0x65: {  	_ =	shalt  }
0x66: {  	_ =	shalt  }
0x67: {  	_ =	shalt  }
0x68: {  	_ =	shalt  }
0x69: {  	_ =	shalt  }
0x6a: {  	_ =	shalt  }
0x6b: {  	_ =	shalt  }
0x6c: {  	_ =	shalt  }
0x6d: {  	_ =	shalt  }
0x6e: {  	_ =	shalt  }
0x6f: {  	_ =	shalt  }
0x70: {  	_ =	shalt  }
0x71: {  	_ =	shalt  }
0x72: {  	_ =	shalt  }
0x73: {  	_ =	shalt  }
0x74: {  	_ =	shalt  }
0x75: {  	_ =	shalt  }
0x76: {  	_ =	shalt  }
0x77: {  	_ =	shalt  }
0x78: {  	_ =	shalt  }
0x79: {  	_ =	shalt  }
0x7a: {  	_ =	shalt  }
0x7b: {  	_ =	shalt  }
0x7c: {  	_ =	shalt  }
0x7d: {  	_ =	shalt  }
0x7e: {  	_ =	shalt  }
0x7f: {  	_ =	shalt  }
0x80: {  	_ =	shalt  }
0x81: {  	_ =	shalt  }
0x82: {  	_ =	shalt  }
0x83: {  	_ =	shalt  }
0x84: {  	_ =	shalt  }
0x85: {  	_ =	shalt  }
0x86: {  	_ =	shalt  }
0x87: {  	_ =	shalt  }
.Lfunc_end0:
.L_simem_size_0:
called_computation.1_lowered:
.L_overlay_start_0:
0x88: {  	s2 =	sld [smem:$0x3FD9]  }
0x89: {  	s3 =	sld [smem:$0x3FFE];
	_ =	sdelay $0x1  }
0x8a: {  	s1 =	srdreg.scid  }
0x8b: {  	s0 =	sand.u32 $0x1, s1  }
0x8c: {  	s16 =	sshll.u32 s0, $0xA;
	s2 =	sadd.s32 s3, s2  }
0x8d: {  	s2 =	sadd.s32 s2, s16  }
0x8e: {  	[smem:$0x3FBA] =	sst s2  }
0x8f: {  	_ = 	snop  }
0x90: {  	(tm) =	ssettm $0x1  }
0x91: {  	s17 =	sld [smem:$0x3FFB];
	_ =	sdelay $0x3  }
0x92: {  	_ =	strace s17  }
0x93: {  	s2 =	sld [smem:$0x3FFC];
	_ =	sdelay $0x3  }
0x94: {  	_ =	strace s2  }
0x95: {  	s2 =	sld [smem:$0x3FFD];
	_ =	sdelay $0x3  }
0x96: {  	_ =	strace s2  }
0x97: {  	_ =	strace $0x8FFFFFFF  }
0x98: {  	s18 =	sld [smem:$0x3FDB];
	_ =	sdelay $0x1  }
0x99: {  	s19 =	simm.s32 $_scs_section_size  }
0x9a: {  	s4 =	simm.s32 $_size__tile_overlayer_lowered;
	s5 =	simm.s32 $_tile_overlayer_lowered  }
0x9b: {  	s22 =	simm.s32 $0x1BFF;
	s21 =	sshll.u32 s5, $0x1;
	s2 =	sadd.s32 s19, s18  }
0x9c: {  	s6 =	simm.s32 $0x0;
	s20 =	sshll.u32 s4, $0x1;
	s4 =	sadd.s32 s21, s2  }
0x9d: {  	[timem:s6], [sflag:s22] =	dma.local [hbm:s4], s20  }
0x9e: {  	_ =	swait.ge [sflag:s22], s20  }
0x9f: {  	s3 =	ssub.s32 $0x0, s20;
	[sflag:s22] =	ssyncset.done $0x0  }
0xa0: {  	[sflag:s22] =	ssyncadd.s32 s3;
	_ =	sdelay $0x1  }
0xa1: {  	s23 =	simm.s32 $0x1B8B  }
0xa2: {  	_ =	swait.ge [sflag:s23], $0x1  }
0xa3: {  	[sflag:s23] =	ssyncset.done $0x0  }
0xa4: {  	s25 =	simm.s32 $0x1B8E;
	s24 =	sld [smem:$0x3FFE];
	[sflag:s23] =	ssyncadd.s32 $0xFFFFFFFF  }
0xa5: {  	s26 =	simm.s32 $execute0_lowered;
	[smem:$0x3FD2] =	sst s25  }
0xa6: {  	s4 =	sshll.u32 s26, $0x1;
	_ =	strace $0x80000049;
	[dreg:$0x1] =	wrdreg $0xFFFFFFFF  }
0xa7: {  	s28 =	simm.s32 $_size_execute0_lowered;
	s2 =	sadd.s32 s2, s4;
	[dreg:$0x0] =	wrdreg $0x0  }
0xa8: {  	s4 =	sshll.u32 s28, $0x1;
	[dreg:$0x2] =	wrdreg s2  }
0xa9: {  	[dreg:$0x3] =	wrdreg s4  }
0xaa: {  	[dreg:$0x4] =	wrdreg $0xC0  }
0xab: {  	_ =	task [dreg:s6], $0x5FFFF  }
0xac: {  	[dreg:$0x1] =	wrdreg $0xFFFFFFFF  }
0xad: {  	[dreg:$0x0] =	wrdreg $0x60  }
0xae: {  	[dreg:$0x2] =	wrdreg s24  }
0xaf: {  	[dreg:$0x3] =	wrdreg $0x0  }
0xb0: {  	[dreg:$0x4] =	wrdreg $0x9  }
0xb1: {  	_ =	task.clear_ibuf [dreg:s6], $0x5FFFF;
	_ =	strace $0x90000049  }
0xb2: {  	s29 =	simm.s32 $0x9;
	_ =	strace $0x8000004B  }
0xb3: {  	_ =	swait.ge [sflag:s29], $0x1  }
0xb4: {  	[sflag:s29] =	ssyncadd.s32 $0xFFFFFFFF  }
0xb5: {  	_ =	strace $0x9000004B  }
0xb6: {  	_ =	sfence  }
0xb7: {  	s30 =	sld [smem:$0x0];
	_ =	sdelay $0x2  }
0xb8: {  	s31 =	sshll.u32 s1, $0xD;
	s1 =	sshrl.u32 s1, $0x2  }
0xb9: {  	s3 =	sand.u32 $0x4000, s31;
	s1 =	sadd.s32 s1, s30  }
0xba: {  	s0 =	sor.u32 s3, s0;
	s1 =	sshll.u32 s1, $0x11  }
0xbb: {  	s0 =	sor.u32 s1, s0  }
0xbc: {  	s0 =	sadd.s32 $0x8F2B, s0  }
0xbd: {  	[sflag:s0] =	ssyncadd.remote.s32 $0x1  }
0xbe: {  	_ =	sfence.sel $0xFFFF  }
0xbf: {  	[dreg:$0x0] =	wrdreg $0xFFFFFFFF;
	(pc) =	sbr.abs _section_cstart, $3  }
0xc0: {  	[dreg:$0x1] =	wrdreg $0xFFFFFFFF  }
0xc1: {  	_ =	task.clear_ibuf [dreg:s6], $0x2FFFF;
	_ =	strace $0x9FFFFFFF  }
0xc2: {  	(tm) =	ssettm $0x7FFFFFFF  }
0xc3: {  	_ =	shalt  }
tec
execute0_lowered:
.L_overlay_start_1:
0x0: {  	(tag) =	ssettag $0x1  }
0x1: {  	s0 =	srdreg.scid;
	s18 =	stileid.u32  }
0x2: {  	s1 =	sand.u32 $0x1, s0;
	s7 =	smul.u32 $0x5000, s18  }
0x3: {  	s9 =	rddreg [dreg:$0x0];
	s21 =	simm.s32 $0x53E8;
	s2 =	sshll.u32 s1, $0x4  }
0x4: {  	s3 =	sor.u32 s18, s2;
	s2 =	rddreg [dreg:$0x1];
	s6 =	sshrl.u32 s7, $0x3  }
0x5: {  	s4 =	smul.u32 $0x4E2, s3;
	s3 =	simm.s32 $0x0;
	s6 =	sadd.s32 s6, s9  }
0x6: {  	s5 =	smul.u32 $0x50000, s1;
	[smem:$0x7FF] =	sst s3;
	s19 =	sadd.s32 $0x4B400, s6  }
0x7: {  	s23 =	simm.s32 $0x7AF8;
	_ =	strace $0x8000004A;
	[dreg:$0x5] =	wrdreg s19  }
0x8: {  	s5 =	sadd.s32 s7, s5;
	s4 =	sadd.s32 s4, s9;
	[dreg:$0x7] =	wrdreg s21  }
0x9: {  	s5 =	sshrl.u32 s5, $0x3;
	[dreg:$0x8] =	wrdreg s23;
	s8 =	sadd.s32 $0x1A400, s4  }
0xa: {  	s5 =	sadd.s32 s5, s9;
	s4 =	sadd.s32 $0x10600, s4;
	[dreg:$0x3] =	wrdreg s8  }
0xb: {  	s20 =	sadd.s32 $0x55400, s5;
	[dreg:$0x4] =	wrdreg s4  }
0xc: {  	[dreg:$0x6] =	wrdreg s20  }
0xd: {  	s5 =	simm.s32 $0x5000;
	s4 =	simm.s32 $0x3;
	s22 =	rddreg [dreg:$0x3]  }
0xe: {  	[tilespmem:s5], [sflag:$0x3] =	stream.linear.gather [hbm4b:s22+s3], $0x2710, $0x38;
	[tilespmem:$0x19820] =	vst v63  }
0xf: {  	_ =	swait.ge [sflag:s4], $0x2710  }
0x10: {  	[sflag:s4] =	ssyncset.done $0x0  }
0x11: {  	s6 =	simm.s32 $0x7710;
	s24 =	rddreg [dreg:$0x4];
	[sflag:s4] =	ssyncadd.s32 $0xFFFFD8F0  }
0x12: {  	[tilespmem:s6], [sflag:$0x3] =	stream.linear.gather [hbm4b:s24+s3], $0x2710, $0x38;
	[tilespmem:$0x19820] =	vst v63  }
0x13: {  	s26 =	sshll.u32 s18, $0x6;
	_ =	swait.ge [sflag:s4], $0x2710  }
0x14: {  	s25 =	sadd.s32 s7, s2;
	s7 =	sor.u32 $0x1C03, s26;
	[sflag:s4] =	ssyncset.done $0x0  }
0x15: {  	s8 =	sshrl.u32 s25, $0x3;
	s10 =	rddreg [dreg:$0x5];
	[sflag:s4] =	ssyncadd.s32 $0xFFFFD8F0  }
0x16: {  	[spmem:s8], [sflag:s7] =	dma.local [hbm:s10], $0xA00  }
0x17: {  	_ =	swait.ge [sflag:s4], $0xA00  }
0x18: {  	[sflag:s4] =	ssyncset.done $0x0  }
0x19: {  	s11 =	simm.s32 $0x9E20;
	s12 =	simm.s32 $0x1;
	[sflag:s4] =	ssyncadd.s32 $0xFFFFF600  }
0x1a: {  	s9 =	sadd.s32 $0x4200, s9;
	s10 =	simm.s32 $0x3E8;
	[bflag:$0x0] =	sbarrier.arrive $0xFFFF  }
0x1b: {  	[tilespmem:s11], [sflag:$0x1] =	stream.indirect.gather [hbm4b:s9+s10], $0x20, s5, s10, $0xb8;
	[tilespmem:$0x19820] =	vst v63  }
0x1c: {  	_ =	swait.ge [sflag:s12], $0x7D00  }
0x1d: {  	[sflag:s12] =	ssyncset.done $0x0  }
0x1e: {  	[sflag:s12] =	ssyncadd.s32 $0xFFFF8300  }
0x1f: {  	[spmem:s2] =	stream.indirect.scatter.add.f32 [tilespmem:s11], [sflag:$0x2], $0x20, s6, s10, $0xb8;
	[tilespmem:$0x19820] =	vst v63  }
0x20: {  	s13 =	simm.s32 $0x11B20;
	s14 =	rddreg [dreg:$0x7]  }
0x21: {  	[tilespmem:s13], [sflag:$0x1] =	stream.indirect.gather [hbm4b:s9+s10], $0x20, s14, s10, $0xb8;
	[tilespmem:$0x19820] =	vst v63  }
0x22: {  	_ =	swait.ge [sflag:s12], $0x7D00  }
0x23: {  	[sflag:s12] =	ssyncset.done $0x0  }
0x24: {  	s14 =	simm.s32 $0x2;
	s15 =	rddreg [dreg:$0x8];
	[sflag:s12] =	ssyncadd.s32 $0xFFFF8300  }
0x25: {  	[spmem:s2] =	stream.indirect.scatter.add.f32 [tilespmem:s13], [sflag:$0x2], $0x20, s15, s10, $0xb8;
	[tilespmem:$0x19820] =	vst v63  }
0x26: {  	_ =	swait.ge [sflag:s14], $0x7D00  }
0x27: {  	[sflag:s14] =	ssyncset.done $0x0  }
0x28: {  	s15 =	simm.s32 $0x57D0;
	[sflag:s14] =	ssyncadd.s32 $0xFFFF8300  }
0x29: {  	[tilespmem:s11], [sflag:$0x1] =	stream.indirect.gather [hbm4b:s9+s10], $0x20, s15, s10, $0xb8;
	[tilespmem:$0x19820] =	vst v63  }
0x2a: {  	_ =	swait.ge [sflag:s12], $0x7D00  }
0x2b: {  	[sflag:s12] =	ssyncset.done $0x0  }
0x2c: {  	s16 =	simm.s32 $0x7EE0;
	[sflag:s12] =	ssyncadd.s32 $0xFFFF8300  }
0x2d: {  	[spmem:s2] =	stream.indirect.scatter.add.f32 [tilespmem:s11], [sflag:$0x2], $0x20, s16, s10, $0xb8;
	[tilespmem:$0x19820] =	vst v63  }
0x2e: {  	_ =	swait.ge [sflag:s14], $0x7D00  }
0x2f: {  	[sflag:s14] =	ssyncset.done $0x0  }
0x30: {  	s17 =	simm.s32 $0x5BB8;
	[sflag:s14] =	ssyncadd.s32 $0xFFFF8300  }
0x31: {  	[tilespmem:s13], [sflag:$0x1] =	stream.indirect.gather [hbm4b:s9+s10], $0x20, s17, s10, $0xb8;
	[tilespmem:$0x19820] =	vst v63  }
0x32: {  	_ =	swait.ge [sflag:s12], $0x7D00  }
0x33: {  	[sflag:s12] =	ssyncset.done $0x0  }
0x34: {  	s18 =	simm.s32 $0x82C8;
	[sflag:s12] =	ssyncadd.s32 $0xFFFF8300  }
0x35: {  	[spmem:s2] =	stream.indirect.scatter.add.f32 [tilespmem:s13], [sflag:$0x2], $0x20, s18, s10, $0xb8;
	[tilespmem:$0x19820] =	vst v63  }
0x36: {  	_ =	swait.ge [sflag:s14], $0x7D00  }
0x37: {  	[sflag:s14] =	ssyncset.done $0x0  }
0x38: {  	s19 =	simm.s32 $0x5FA0;
	[sflag:s14] =	ssyncadd.s32 $0xFFFF8300  }
0x39: {  	[tilespmem:s11], [sflag:$0x1] =	stream.indirect.gather [hbm4b:s9+s10], $0x20, s19, s10, $0xb8;
	[tilespmem:$0x19820] =	vst v63  }
0x3a: {  	_ =	swait.ge [sflag:s12], $0x7D00  }
0x3b: {  	[sflag:s12] =	ssyncset.done $0x0  }
0x3c: {  	s20 =	simm.s32 $0x86B0;
	[sflag:s12] =	ssyncadd.s32 $0xFFFF8300  }
0x3d: {  	[spmem:s2] =	stream.indirect.scatter.add.f32 [tilespmem:s11], [sflag:$0x2], $0x20, s20, s10, $0xb8;
	[tilespmem:$0x19820] =	vst v63  }
0x3e: {  	_ =	swait.ge [sflag:s14], $0x7D00  }
0x3f: {  	[sflag:s14] =	ssyncset.done $0x0  }
0x40: {  	s21 =	simm.s32 $0x6388;
	[sflag:s14] =	ssyncadd.s32 $0xFFFF8300  }
0x41: {  	[tilespmem:s13], [sflag:$0x1] =	stream.indirect.gather [hbm4b:s9+s10], $0x20, s21, s10, $0xb8;
	[tilespmem:$0x19820] =	vst v63  }
0x42: {  	_ =	swait.ge [sflag:s12], $0x7D00  }
0x43: {  	[sflag:s12] =	ssyncset.done $0x0  }
0x44: {  	s22 =	simm.s32 $0x8A98;
	[sflag:s12] =	ssyncadd.s32 $0xFFFF8300  }
0x45: {  	[spmem:s2] =	stream.indirect.scatter.add.f32 [tilespmem:s13], [sflag:$0x2], $0x20, s22, s10, $0xb8;
	[tilespmem:$0x19820] =	vst v63  }
0x46: {  	_ =	swait.ge [sflag:s14], $0x7D00  }
0x47: {  	[sflag:s14] =	ssyncset.done $0x0  }
0x48: {  	s23 =	simm.s32 $0x6770;
	[sflag:s14] =	ssyncadd.s32 $0xFFFF8300  }
0x49: {  	[tilespmem:s11], [sflag:$0x1] =	stream.indirect.gather [hbm4b:s9+s10], $0x20, s23, s10, $0xb8;
	[tilespmem:$0x19820] =	vst v63  }
0x4a: {  	_ =	swait.ge [sflag:s12], $0x7D00  }
0x4b: {  	[sflag:s12] =	ssyncset.done $0x0  }
0x4c: {  	s24 =	simm.s32 $0x8E80;
	[sflag:s12] =	ssyncadd.s32 $0xFFFF8300  }
0x4d: {  	[spmem:s2] =	stream.indirect.scatter.add.f32 [tilespmem:s11], [sflag:$0x2], $0x20, s24, s10, $0xb8;
	[tilespmem:$0x19820] =	vst v63  }
0x4e: {  	_ =	swait.ge [sflag:s14], $0x7D00  }
0x4f: {  	[sflag:s14] =	ssyncset.done $0x0  }
0x50: {  	s25 =	simm.s32 $0x6B58;
	[sflag:s14] =	ssyncadd.s32 $0xFFFF8300  }
0x51: {  	[tilespmem:s13], [sflag:$0x1] =	stream.indirect.gather [hbm4b:s9+s10], $0x20, s25, s10, $0xb8;
	[tilespmem:$0x19820] =	vst v63  }
0x52: {  	_ =	swait.ge [sflag:s12], $0x7D00  }
0x53: {  	[sflag:s12] =	ssyncset.done $0x0  }
0x54: {  	s26 =	simm.s32 $0x9268;
	[sflag:s12] =	ssyncadd.s32 $0xFFFF8300  }
0x55: {  	[spmem:s2] =	stream.indirect.scatter.add.f32 [tilespmem:s13], [sflag:$0x2], $0x20, s26, s10, $0xb8;
	[tilespmem:$0x19820] =	vst v63  }
0x56: {  	_ =	swait.ge [sflag:s14], $0x7D00  }
0x57: {  	[sflag:s14] =	ssyncset.done $0x0  }
0x58: {  	s28 =	simm.s32 $0x6F40;
	[sflag:s14] =	ssyncadd.s32 $0xFFFF8300  }
0x59: {  	[tilespmem:s11], [sflag:$0x1] =	stream.indirect.gather [hbm4b:s9+s10], $0x20, s28, s10, $0xb8;
	[tilespmem:$0x19820] =	vst v63  }
0x5a: {  	_ =	swait.ge [sflag:s12], $0x7D00  }
0x5b: {  	[sflag:s12] =	ssyncset.done $0x0  }
0x5c: {  	s29 =	simm.s32 $0x9650;
	[sflag:s12] =	ssyncadd.s32 $0xFFFF8300  }
0x5d: {  	[spmem:s2] =	stream.indirect.scatter.add.f32 [tilespmem:s11], [sflag:$0x2], $0x20, s29, s10, $0xb8;
	[tilespmem:$0x19820] =	vst v63  }
0x5e: {  	_ =	swait.ge [sflag:s14], $0x7D00  }
0x5f: {  	[sflag:s14] =	ssyncset.done $0x0  }
0x60: {  	s30 =	simm.s32 $0x7328;
	[sflag:s14] =	ssyncadd.s32 $0xFFFF8300  }
0x61: {  	[tilespmem:s13], [sflag:$0x1] =	stream.indirect.gather [hbm4b:s9+s10], $0x20, s30, s10, $0xb8;
	[tilespmem:$0x19820] =	vst v63  }
0x62: {  	_ =	swait.ge [sflag:s12], $0x7D00  }
0x63: {  	[sflag:s12] =	ssyncset.done $0x0  }
0x64: {  	s31 =	simm.s32 $0x9A38;
	[sflag:s12] =	ssyncadd.s32 $0xFFFF8300  }
0x65: {  	[spmem:s2] =	stream.indirect.scatter.add.f32 [tilespmem:s13], [sflag:$0x2], $0x20, s31, s10, $0xb8;
	[tilespmem:$0x19820] =	vst v63  }
0x66: {  	_ =	swait.ge [sflag:s14], $0x7D00  }
0x67: {  	[sflag:s14] =	ssyncset.done $0x0  }
0x68: {  	[sflag:s14] =	ssyncadd.s32 $0xFFFF8300  }
0x69: {  	_ =	swait.ge [sflag:s14], $0x7D00  }
0x6a: {  	[sflag:s14] =	ssyncset.done $0x0  }
0x6b: {  	[sflag:s14] =	ssyncadd.s32 $0xFFFF8300  }
0x6c: {  	[bflag:$0x0] =	sbarrier.arrive $0xFFFF  }
0x6d: {  	s1 =	ssub.s32 $0x2, s1;
	s0 =	rddreg [dreg:$0x6]  }
0x6e: {  	[dreg:$0x9] =	wrdreg s0;
	s0 =	sshrl.u32 s1, $0x1  }
0x6f: {  	s0 =	ssub.s32 s1, s0  }
0x70: {  	s0 =	smax.u32 s0, $0x1  }
0x71: {  	p0 =	sne.s32 s0, $0x1  }
.Ltmp0:
0x72: {  	_ = 	snop;
	(pc) =	sbr.rel @!p0 .LBB2_2-.Ltmp0, $4  }
0x73: {  	_ = 	snop  }
0x74: {  	s1 =	rddreg [dreg:$0x9]  }
0x75: {  	[hbm:s1], [sflag:s7] =	dma.local [spmem:s8], $0xA00  }
0x76: {  	s1 =	sadd.s32 $0xFFFFFFFF, s0;
	_ =	swait.ge [sflag:s4], $0xA00  }
.LBB2_1:
0x77: {  	[sflag:s4] =	ssyncset.done $0x0  }
0x78: {  	s0 =	rddreg [dreg:$0x3];
	[sflag:s4] =	ssyncadd.s32 $0xFFFFF600  }
0x79: {  	[tilespmem:s5], [sflag:$0x3] =	stream.linear.gather [hbm4b:s0+s3], $0x2710, $0x38;
	[tilespmem:$0x19820] =	vst v63  }
0x7a: {  	_ =	swait.ge [sflag:s4], $0x2710  }
0x7b: {  	[sflag:s4] =	ssyncset.done $0x0  }
0x7c: {  	s0 =	rddreg [dreg:$0x4];
	[sflag:s4] =	ssyncadd.s32 $0xFFFFD8F0  }
0x7d: {  	[tilespmem:s6], [sflag:$0x3] =	stream.linear.gather [hbm4b:s0+s3], $0x2710, $0x38;
	[tilespmem:$0x19820] =	vst v63  }
0x7e: {  	_ =	swait.ge [sflag:s4], $0x2710  }
0x7f: {  	[sflag:s4] =	ssyncset.done $0x0  }
0x80: {  	s0 =	rddreg [dreg:$0x5];
	[sflag:s4] =	ssyncadd.s32 $0xFFFFD8F0  }
0x81: {  	[spmem:s8], [sflag:s7] =	dma.local [hbm:s0], $0xA00  }
0x82: {  	_ =	swait.ge [sflag:s4], $0xA00  }
0x83: {  	[sflag:s4] =	ssyncset.done $0x0  }
0x84: {  	[sflag:s4] =	ssyncadd.s32 $0xFFFFF600  }
0x85: {  	[bflag:$0x0] =	sbarrier.arrive $0xFFFF  }
0x86: {  	[tilespmem:s11], [sflag:$0x1] =	stream.indirect.gather [hbm4b:s9+s10], $0x20, s5, s10, $0xb8;
	[tilespmem:$0x19820] =	vst v63  }
0x87: {  	_ =	swait.ge [sflag:s12], $0x7D00  }
0x88: {  	[sflag:s12] =	ssyncset.done $0x0  }
0x89: {  	[sflag:s12] =	ssyncadd.s32 $0xFFFF8300  }
0x8a: {  	[spmem:s2] =	stream.indirect.scatter.add.f32 [tilespmem:s11], [sflag:$0x2], $0x20, s6, s10, $0xb8;
	[tilespmem:$0x19820] =	vst v63  }
0x8b: {  	s0 =	rddreg [dreg:$0x7]  }
0x8c: {  	[tilespmem:s13], [sflag:$0x1] =	stream.indirect.gather [hbm4b:s9+s10], $0x20, s0, s10, $0xb8;
	[tilespmem:$0x19820] =	vst v63  }
0x8d: {  	_ =	swait.ge [sflag:s12], $0x7D00  }
0x8e: {  	[sflag:s12] =	ssyncset.done $0x0  }
0x8f: {  	s0 =	rddreg [dreg:$0x8];
	[sflag:s12] =	ssyncadd.s32 $0xFFFF8300  }
0x90: {  	[spmem:s2] =	stream.indirect.scatter.add.f32 [tilespmem:s13], [sflag:$0x2], $0x20, s0, s10, $0xb8;
	[tilespmem:$0x19820] =	vst v63  }
0x91: {  	_ =	swait.ge [sflag:s14], $0x7D00  }
0x92: {  	[sflag:s14] =	ssyncset.done $0x0  }
0x93: {  	[sflag:s14] =	ssyncadd.s32 $0xFFFF8300  }
0x94: {  	[tilespmem:s11], [sflag:$0x1] =	stream.indirect.gather [hbm4b:s9+s10], $0x20, s15, s10, $0xb8;
	[tilespmem:$0x19820] =	vst v63  }
0x95: {  	_ =	swait.ge [sflag:s12], $0x7D00  }
0x96: {  	[sflag:s12] =	ssyncset.done $0x0  }
0x97: {  	[sflag:s12] =	ssyncadd.s32 $0xFFFF8300  }
0x98: {  	[spmem:s2] =	stream.indirect.scatter.add.f32 [tilespmem:s11], [sflag:$0x2], $0x20, s16, s10, $0xb8;
	[tilespmem:$0x19820] =	vst v63  }
0x99: {  	_ =	swait.ge [sflag:s14], $0x7D00  }
0x9a: {  	[sflag:s14] =	ssyncset.done $0x0  }
0x9b: {  	[sflag:s14] =	ssyncadd.s32 $0xFFFF8300  }
0x9c: {  	[tilespmem:s13], [sflag:$0x1] =	stream.indirect.gather [hbm4b:s9+s10], $0x20, s17, s10, $0xb8;
	[tilespmem:$0x19820] =	vst v63  }
0x9d: {  	_ =	swait.ge [sflag:s12], $0x7D00  }
0x9e: {  	[sflag:s12] =	ssyncset.done $0x0  }
0x9f: {  	[sflag:s12] =	ssyncadd.s32 $0xFFFF8300  }
0xa0: {  	[spmem:s2] =	stream.indirect.scatter.add.f32 [tilespmem:s13], [sflag:$0x2], $0x20, s18, s10, $0xb8;
	[tilespmem:$0x19820] =	vst v63  }
0xa1: {  	_ =	swait.ge [sflag:s14], $0x7D00  }
0xa2: {  	[sflag:s14] =	ssyncset.done $0x0  }
0xa3: {  	[sflag:s14] =	ssyncadd.s32 $0xFFFF8300  }
0xa4: {  	[tilespmem:s11], [sflag:$0x1] =	stream.indirect.gather [hbm4b:s9+s10], $0x20, s19, s10, $0xb8;
	[tilespmem:$0x19820] =	vst v63  }
0xa5: {  	_ =	swait.ge [sflag:s12], $0x7D00  }
0xa6: {  	[sflag:s12] =	ssyncset.done $0x0  }
0xa7: {  	[sflag:s12] =	ssyncadd.s32 $0xFFFF8300  }
0xa8: {  	[spmem:s2] =	stream.indirect.scatter.add.f32 [tilespmem:s11], [sflag:$0x2], $0x20, s20, s10, $0xb8;
	[tilespmem:$0x19820] =	vst v63  }
0xa9: {  	_ =	swait.ge [sflag:s14], $0x7D00  }
0xaa: {  	[sflag:s14] =	ssyncset.done $0x0  }
0xab: {  	[sflag:s14] =	ssyncadd.s32 $0xFFFF8300  }
0xac: {  	[tilespmem:s13], [sflag:$0x1] =	stream.indirect.gather [hbm4b:s9+s10], $0x20, s21, s10, $0xb8;
	[tilespmem:$0x19820] =	vst v63  }
0xad: {  	_ =	swait.ge [sflag:s12], $0x7D00  }
0xae: {  	[sflag:s12] =	ssyncset.done $0x0  }
0xaf: {  	[sflag:s12] =	ssyncadd.s32 $0xFFFF8300  }
0xb0: {  	[spmem:s2] =	stream.indirect.scatter.add.f32 [tilespmem:s13], [sflag:$0x2], $0x20, s22, s10, $0xb8;
	[tilespmem:$0x19820] =	vst v63  }
0xb1: {  	_ =	swait.ge [sflag:s14], $0x7D00  }
0xb2: {  	[sflag:s14] =	ssyncset.done $0x0  }
0xb3: {  	[sflag:s14] =	ssyncadd.s32 $0xFFFF8300  }
0xb4: {  	[tilespmem:s11], [sflag:$0x1] =	stream.indirect.gather [hbm4b:s9+s10], $0x20, s23, s10, $0xb8;
	[tilespmem:$0x19820] =	vst v63  }
0xb5: {  	_ =	swait.ge [sflag:s12], $0x7D00  }
0xb6: {  	[sflag:s12] =	ssyncset.done $0x0  }
0xb7: {  	[sflag:s12] =	ssyncadd.s32 $0xFFFF8300  }
0xb8: {  	[spmem:s2] =	stream.indirect.scatter.add.f32 [tilespmem:s11], [sflag:$0x2], $0x20, s24, s10, $0xb8;
	[tilespmem:$0x19820] =	vst v63  }
0xb9: {  	_ =	swait.ge [sflag:s14], $0x7D00  }
0xba: {  	[sflag:s14] =	ssyncset.done $0x0  }
0xbb: {  	[sflag:s14] =	ssyncadd.s32 $0xFFFF8300  }
0xbc: {  	[tilespmem:s13], [sflag:$0x1] =	stream.indirect.gather [hbm4b:s9+s10], $0x20, s25, s10, $0xb8;
	[tilespmem:$0x19820] =	vst v63  }
0xbd: {  	_ =	swait.ge [sflag:s12], $0x7D00  }
0xbe: {  	[sflag:s12] =	ssyncset.done $0x0  }
0xbf: {  	[sflag:s12] =	ssyncadd.s32 $0xFFFF8300  }
0xc0: {  	[spmem:s2] =	stream.indirect.scatter.add.f32 [tilespmem:s13], [sflag:$0x2], $0x20, s26, s10, $0xb8;
	[tilespmem:$0x19820] =	vst v63  }
0xc1: {  	_ =	swait.ge [sflag:s14], $0x7D00  }
0xc2: {  	[sflag:s14] =	ssyncset.done $0x0  }
0xc3: {  	[sflag:s14] =	ssyncadd.s32 $0xFFFF8300  }
0xc4: {  	[tilespmem:s11], [sflag:$0x1] =	stream.indirect.gather [hbm4b:s9+s10], $0x20, s28, s10, $0xb8;
	[tilespmem:$0x19820] =	vst v63  }
0xc5: {  	_ =	swait.ge [sflag:s12], $0x7D00  }
0xc6: {  	[sflag:s12] =	ssyncset.done $0x0  }
0xc7: {  	[sflag:s12] =	ssyncadd.s32 $0xFFFF8300  }
0xc8: {  	[spmem:s2] =	stream.indirect.scatter.add.f32 [tilespmem:s11], [sflag:$0x2], $0x20, s29, s10, $0xb8;
	[tilespmem:$0x19820] =	vst v63  }
0xc9: {  	_ =	swait.ge [sflag:s14], $0x7D00  }
0xca: {  	[sflag:s14] =	ssyncset.done $0x0  }
0xcb: {  	[sflag:s14] =	ssyncadd.s32 $0xFFFF8300  }
0xcc: {  	[tilespmem:s13], [sflag:$0x1] =	stream.indirect.gather [hbm4b:s9+s10], $0x20, s30, s10, $0xb8;
	[tilespmem:$0x19820] =	vst v63  }
0xcd: {  	_ =	swait.ge [sflag:s12], $0x7D00  }
0xce: {  	[sflag:s12] =	ssyncset.done $0x0  }
0xcf: {  	[sflag:s12] =	ssyncadd.s32 $0xFFFF8300  }
0xd0: {  	[spmem:s2] =	stream.indirect.scatter.add.f32 [tilespmem:s13], [sflag:$0x2], $0x20, s31, s10, $0xb8;
	[tilespmem:$0x19820] =	vst v63  }
0xd1: {  	_ =	swait.ge [sflag:s14], $0x7D00  }
0xd2: {  	[sflag:s14] =	ssyncset.done $0x0  }
0xd3: {  	[sflag:s14] =	ssyncadd.s32 $0xFFFF8300  }
0xd4: {  	_ =	swait.ge [sflag:s14], $0x7D00  }
0xd5: {  	p0 =	sne.s32 s1, $0x1;
	[sflag:s14] =	ssyncset.done $0x0  }
.Ltmp1:
0xd6: {  	[sflag:s14] =	ssyncadd.s32 $0xFFFF8300;
	(pc) =	sbr.rel @p0 .LBB2_1-.Ltmp1, $4  }
0xd7: {  	[bflag:$0x0] =	sbarrier.arrive $0xFFFF  }
0xd8: {  	s0 =	rddreg [dreg:$0x6]  }
0xd9: {  	[hbm:s0], [sflag:s7] =	dma.local [spmem:s8], $0xA00  }
0xda: {  	s1 =	sadd.s32 $0xFFFFFFFF, s1;
	_ =	swait.ge [sflag:s4], $0xA00  }
.LBB2_2:
0xdb: {  	[sflag:s4] =	ssyncset.done $0x0  }
0xdc: {  	[sflag:s4] =	ssyncadd.s32 $0xFFFFF600  }
0xdd: {  	_ =	sfence.sel $0x180000  }
0xde: {  	[bflag:$0x0] =	sbarrier.arrive $0xFFFF  }
0xdf: {  	_ =	strace $0x9000004A  }
0xe0: {  	s0 =	stileid.u32;
	[bflag:$0x2] =	sbarrier.arrive $0xFFFF  }
0xe1: {  	p0 =	sne.s32 s0, $0x0;
	s0 =	rddreg [dreg:$0x2]  }
0xe2: {  	s0 =	sadd.s32 @!p0 $0x100000, s0  }
0xe3: {  	[sflag:s0] =	ssyncadd.tile.s32 @!p0 $0x1;
	_ =	shalt  }
.Lfunc_end2:
_tile_overlayer_lowered:
.L_overlay_start_2:
0xe4: {  	(tag) =	ssettag $0x2  }
0xe5: {  	s0 =	rddreg [dreg:$0x0];
	s2 =	stileid.u32  }
0xe6: {  	s1 =	rddreg [dreg:$0x1];
	p0 =	sne.s32 s2, $0x0  }
0xe7: {  	s3 =	rddreg [dreg:$0x2];
	[bflag:$0x3] =	sbarrier.arrive $0xFFFF;
	s2 =	simm.s32 @!p0 $0x1C03  }
0xe8: {  	[timem:s3], [sflag:s2] =	dma.local @!p0 [hbm:s0], s1  }
0xe9: {  	s0 =	simm.s32 @!p0 $0x3  }
0xea: {  	_ =	swait.ge @!p0 [sflag:s0], s1  }
0xeb: {  	s1 =	ssub.s32 @!p0 $0x0, s1;
	[sflag:s0] =	ssyncset.done @!p0 $0x0  }
0xec: {  	[sflag:s0] =	ssyncadd.s32 @!p0 s1  }
0xed: {  	[bflag:$0x3] =	sbarrier.arrive $0xFFFF  }
0xee: {  	_ =	shalt  }

// kernel: kernel.18.cloned.1.call-start
scs
__scs_entry_jumppad:
0x0: {  	(pc) =	sbr.rel $0x88, $3  }
0x1: {  	(tag) =	ssettag $0x0;
	lr =	simm.s32 $0x1  }
0x2: {  	[smem:$0x3F93] =	sst lr;
	_ =	strace $0xD0000000  }
0x3: {  	_ = 	snop  }
0x4: {  	_ = 	snop  }
0x5: {  	_ = 	snop  }
0x6: {  	_ = 	snop  }
0x7: {  	_ = 	snop  }
__scs_overlays_trampoline_lowered:
0x8: {  	[smem:$0x3FA2] =	sst s0  }
0x9: {  	[smem:$0x3FA3] =	sst s1  }
0xa: {  	[smem:$0x3FA4] =	sst s2  }
0xb: {  	[smem:$0x3FA5] =	sst s3  }
0xc: {  	[smem:$0x3FA6] =	sst s4  }
0xd: {  	[smem:$0x3FA7] =	sst s5  }
0xe: {  	[smem:$0x3FA8] =	sst s6  }
0xf: {  	[smem:$0x3FA9] =	sst s7  }
0x10: {  	[smem:$0x3FAA] =	sst s8  }
0x11: {  	[smem:$0x3FAB] =	sst s9;
	s0 =	simm.s32 @!p0 $0x0  }
0x12: {  	s1 =	sld [smem:$0x3F91];
	s0 =	simm.s32 @p0 $0x1  }
0x13: {  	[smem:$0x3FAC] =	sst s0;
	s0 =	simm.s32 @!p1 $0x0  }
0x14: {  	s2 =	sld [smem:$0x3F90];
	s0 =	simm.s32 @p1 $0x1  }
0x15: {  	[smem:$0x3FAD] =	sst s0;
	s0 =	simm.s32 @!p2 $0x0  }
0x16: {  	s3 =	sld [smem:$0x3FDB];
	s0 =	simm.s32 @p2 $0x1  }
0x17: {  	s4 =	simm.s32 $0x1BF5;
	[smem:$0x3FAF] =	sst s0  }
0x18: {  	s0 =	sld [smem:$0x3F92];
	_ =	swait.ge [sflag:s4], $0x0  }
0x19: {  	s7 =	sld [smem:$0x3F93]  }
0x1a: {  	s8 =	sadd.s32 $0xFFFFE003, lr  }
0x1b: {  	s9 =	sadd.s32 $0xFFFFFEF7, lr;
	s5 =	simm.s32 $0xFFFFFFFF;
	p2 =	slt.u32 s8, $0xFFFFF086  }
0x1c: {  	p1 =	slt.u32 s9, $0xF7A;
	s5 =	simm.s32 @!p2 $0x0  }
0x1d: {  	s5 =	simm.s32 @p1 $0x1;
	p0 =	seq.s32 s7, s2  }
0x1e: {  	s7 =	smul.u32 @!p0 $0xF7A, s2;
	p2 =	seq.s32 @!p0 s5, $0x0  }
0x1f: {  	s9 =	smul.u32 $0xF7A, s1;
	s8 =	simm.s32 @!p0 $0x1BF5;
	p2 =	por !p2, p0  }
0x20: {  	[sflag:s8] =	ssyncset.s32 @!p0 $0xFFFFF086;
	s6 =	sadd.s32 @!p0 s3, s7;
	s7 =	simm.s32 @!p0 $0x108  }
0x21: {  	s3 =	sadd.s32 s3, s9;
	s6 =	sadd.s32 @!p0 $0x88, s6;
	s7 =	simm.s32 @p2 $0x1082  }
0x22: {  	[simem:s7], [sflag:s8] =	dma.local @!p0 [hbm:s6], $0xF7A  }
0x23: {  	s9 =	sor.u32 $0xD0000000, s2;
	s6 =	simm.s32 $0x108;
	_ =	swait.ge @!p0 [sflag:s8], $0x0  }
0x24: {  	s3 =	sadd.s32 $0x88, s3;
	s6 =	simm.s32 @!p1 $0x1082;
	[sflag:s4] =	ssyncset.s32 $0xFFFFF086  }
0x25: {  	[simem:s6], [sflag:s4] =	dma.local [hbm:s3], $0xF7A  }
0x26: {  	[smem:$0x3F93] =	sst s1;
	(tag) =	ssettag s2;
	_ =	strace s9  }
0x27: {  	s1 =	sld [smem:$0x3FA3]  }
0x28: {  	s2 =	sld [smem:$0x3FA4]  }
0x29: {  	s4 =	sld [smem:$0x3FA6]  }
0x2a: {  	p0 =	seq.s32 s5, $0x0;
	s5 =	sld [smem:$0x3FA7]  }
0x2b: {  	s6 =	sld [smem:$0x3FA8]  }
0x2c: {  	s7 =	sld [smem:$0x3FA9]  }
0x2d: {  	s3 =	simm.s32 $0x108;
	s8 =	sld [smem:$0x3FAA]  }
0x2e: {  	s3 =	simm.s32 @!p0 $0x1082;
	s9 =	sld [smem:$0x3FAB]  }
0x2f: {  	lr =	sadd.s32 s0, s3;
	s0 =	sld [smem:$0x3FA2]  }
0x30: {  	s3 =	sld [smem:$0x3FA5]  }
0x31: {  	[smem:$0x3FAE] =	sst s10  }
0x32: {  	s10 =	sld [smem:$0x3FAC];
	_ =	sdelay $0x3  }
0x33: {  	p0 =	seq.s32 s10, $0x1;
	s10 =	sld [smem:$0x3FAE];
	_ =	sdelay $0x3  }
0x34: {  	[smem:$0x3FAE] =	sst s10  }
0x35: {  	s10 =	sld [smem:$0x3FAD];
	_ =	sdelay $0x3  }
0x36: {  	p1 =	seq.s32 s10, $0x1;
	s10 =	sld [smem:$0x3FAE];
	_ =	sdelay $0x3  }
0x37: {  	[smem:$0x3FAE] =	sst s10  }
0x38: {  	s10 =	sld [smem:$0x3FAF]  }
0x39: {  	_ = 	snop;
	(pc) =	sbr.ind lr, $3  }
0x3a: {  	_ = 	snop  }
0x3b: {  	_ = 	snop  }
0x3c: {  	p2 =	seq.s32 s10, $0x1;
	s10 =	sld [smem:$0x3FAE]  }
0x3d: {  	_ =	shalt  }
0x3e: {  	_ =	shalt  }
0x3f: {  	_ =	shalt  }
0x40: {  	_ =	shalt  }
0x41: {  	_ =	shalt  }
0x42: {  	_ =	shalt  }
0x43: {  	_ =	shalt  }
0x44: {  	_ =	shalt  }
0x45: {  	_ =	shalt  }
0x46: {  	_ =	shalt  }
0x47: {  	_ =	shalt  }
0x48: {  	_ =	shalt  }
0x49: {  	_ =	shalt  }
0x4a: {  	_ =	shalt  }
0x4b: {  	_ =	shalt  }
0x4c: {  	_ =	shalt  }
0x4d: {  	_ =	shalt  }
0x4e: {  	_ =	shalt  }
0x4f: {  	_ =	shalt  }
0x50: {  	_ =	shalt  }
0x51: {  	_ =	shalt  }
0x52: {  	_ =	shalt  }
0x53: {  	_ =	shalt  }
0x54: {  	_ =	shalt  }
0x55: {  	_ =	shalt  }
0x56: {  	_ =	shalt  }
0x57: {  	_ =	shalt  }
0x58: {  	_ =	shalt  }
0x59: {  	_ =	shalt  }
0x5a: {  	_ =	shalt  }
0x5b: {  	_ =	shalt  }
0x5c: {  	_ =	shalt  }
0x5d: {  	_ =	shalt  }
0x5e: {  	_ =	shalt  }
0x5f: {  	_ =	shalt  }
0x60: {  	_ =	shalt  }
0x61: {  	_ =	shalt  }
0x62: {  	_ =	shalt  }
0x63: {  	_ =	shalt  }
0x64: {  	_ =	shalt  }
0x65: {  	_ =	shalt  }
0x66: {  	_ =	shalt  }
0x67: {  	_ =	shalt  }
0x68: {  	_ =	shalt  }
0x69: {  	_ =	shalt  }
0x6a: {  	_ =	shalt  }
0x6b: {  	_ =	shalt  }
0x6c: {  	_ =	shalt  }
0x6d: {  	_ =	shalt  }
0x6e: {  	_ =	shalt  }
0x6f: {  	_ =	shalt  }
0x70: {  	_ =	shalt  }
0x71: {  	_ =	shalt  }
0x72: {  	_ =	shalt  }
0x73: {  	_ =	shalt  }
0x74: {  	_ =	shalt  }
0x75: {  	_ =	shalt  }
0x76: {  	_ =	shalt  }
0x77: {  	_ =	shalt  }
0x78: {  	_ =	shalt  }
0x79: {  	_ =	shalt  }
0x7a: {  	_ =	shalt  }
0x7b: {  	_ =	shalt  }
0x7c: {  	_ =	shalt  }
0x7d: {  	_ =	shalt  }
0x7e: {  	_ =	shalt  }
0x7f: {  	_ =	shalt  }
0x80: {  	_ =	shalt  }
0x81: {  	_ =	shalt  }
0x82: {  	_ =	shalt  }
0x83: {  	_ =	shalt  }
0x84: {  	_ =	shalt  }
0x85: {  	_ =	shalt  }
0x86: {  	_ =	shalt  }
0x87: {  	_ =	shalt  }
.Lfunc_end0:
.L_simem_size_0:
called_computation.2_lowered:
.L_overlay_start_0:
0x88: {  	s2 =	sld [smem:$0x3FD9]  }
0x89: {  	s3 =	sld [smem:$0x3FFE];
	_ =	sdelay $0x1  }
0x8a: {  	s1 =	srdreg.scid  }
0x8b: {  	s0 =	sand.u32 $0x1, s1  }
0x8c: {  	s16 =	sshll.u32 s0, $0xA;
	s2 =	sadd.s32 s3, s2  }
0x8d: {  	s2 =	sadd.s32 s2, s16  }
0x8e: {  	[smem:$0x3FBA] =	sst s2  }
0x8f: {  	_ = 	snop  }
0x90: {  	(tm) =	ssettm $0x1  }
0x91: {  	s17 =	sld [smem:$0x3FFB];
	_ =	sdelay $0x3  }
0x92: {  	_ =	strace s17  }
0x93: {  	s2 =	sld [smem:$0x3FFC];
	_ =	sdelay $0x3  }
0x94: {  	_ =	strace s2  }
0x95: {  	s2 =	sld [smem:$0x3FFD];
	_ =	sdelay $0x3  }
0x96: {  	_ =	strace s2  }
0x97: {  	_ =	strace $0x8FFFFFFF  }
0x98: {  	s18 =	sld [smem:$0x3FDB];
	_ =	sdelay $0x1  }
0x99: {  	s19 =	simm.s32 $_scs_section_size  }
0x9a: {  	s4 =	simm.s32 $_size__tile_overlayer_lowered;
	s5 =	simm.s32 $_tile_overlayer_lowered  }
0x9b: {  	s22 =	simm.s32 $0x1BFF;
	s21 =	sshll.u32 s5, $0x1;
	s2 =	sadd.s32 s19, s18  }
0x9c: {  	s6 =	simm.s32 $0x0;
	s20 =	sshll.u32 s4, $0x1;
	s4 =	sadd.s32 s21, s2  }
0x9d: {  	[timem:s6], [sflag:s22] =	dma.local [hbm:s4], s20  }
0x9e: {  	_ =	swait.ge [sflag:s22], s20  }
0x9f: {  	s3 =	ssub.s32 $0x0, s20;
	[sflag:s22] =	ssyncset.done $0x0  }
0xa0: {  	[sflag:s22] =	ssyncadd.s32 s3;
	_ =	sdelay $0x1  }
0xa1: {  	s23 =	simm.s32 $0x1B8B  }
0xa2: {  	_ =	swait.ge [sflag:s23], $0x1  }
0xa3: {  	[sflag:s23] =	ssyncset.done $0x0  }
0xa4: {  	s25 =	simm.s32 $0x1B8E;
	s24 =	sld [smem:$0x3FFE];
	[sflag:s23] =	ssyncadd.s32 $0xFFFFFFFF  }
0xa5: {  	s26 =	simm.s32 $execute0_lowered;
	[smem:$0x3FD2] =	sst s25  }
0xa6: {  	s4 =	sshll.u32 s26, $0x1;
	_ =	strace $0x8000004C;
	[dreg:$0x1] =	wrdreg $0xFFFFFFFF  }
0xa7: {  	s28 =	simm.s32 $_size_execute0_lowered;
	s2 =	sadd.s32 s2, s4;
	[dreg:$0x0] =	wrdreg $0x0  }
0xa8: {  	s4 =	sshll.u32 s28, $0x1;
	[dreg:$0x2] =	wrdreg s2  }
0xa9: {  	[dreg:$0x3] =	wrdreg s4  }
0xaa: {  	[dreg:$0x4] =	wrdreg $0xC0  }
0xab: {  	_ =	task [dreg:s6], $0x5FFFF  }
0xac: {  	[dreg:$0x1] =	wrdreg $0xFFFFFFFF  }
0xad: {  	[dreg:$0x0] =	wrdreg $0x60  }
0xae: {  	[dreg:$0x2] =	wrdreg s24  }
0xaf: {  	[dreg:$0x3] =	wrdreg $0x0  }
0xb0: {  	[dreg:$0x4] =	wrdreg $0x9  }
0xb1: {  	_ =	task.clear_ibuf [dreg:s6], $0x5FFFF;
	_ =	strace $0x9000004C  }
0xb2: {  	s29 =	simm.s32 $0x9;
	_ =	strace $0x8000004E  }
0xb3: {  	_ =	swait.ge [sflag:s29], $0x1  }
0xb4: {  	[sflag:s29] =	ssyncadd.s32 $0xFFFFFFFF  }
0xb5: {  	_ =	strace $0x9000004E  }
0xb6: {  	_ =	sfence  }
0xb7: {  	s30 =	sld [smem:$0x0];
	_ =	sdelay $0x2  }
0xb8: {  	s31 =	sshll.u32 s1, $0xD;
	s1 =	sshrl.u32 s1, $0x2  }
0xb9: {  	s3 =	sand.u32 $0x4000, s31;
	s1 =	sadd.s32 s1, s30  }
0xba: {  	s0 =	sor.u32 s3, s0;
	s1 =	sshll.u32 s1, $0x11  }
0xbb: {  	s0 =	sor.u32 s1, s0  }
0xbc: {  	s0 =	sadd.s32 $0x8F2B, s0  }
0xbd: {  	[sflag:s0] =	ssyncadd.remote.s32 $0x1  }
0xbe: {  	_ =	sfence.sel $0xFFFF  }
0xbf: {  	[dreg:$0x0] =	wrdreg $0xFFFFFFFF;
	(pc) =	sbr.abs _section_cstart, $3  }
0xc0: {  	[dreg:$0x1] =	wrdreg $0xFFFFFFFF  }
0xc1: {  	_ =	task.clear_ibuf [dreg:s6], $0x2FFFF;
	_ =	strace $0x9FFFFFFF  }
0xc2: {  	(tm) =	ssettm $0x7FFFFFFF  }
0xc3: {  	_ =	shalt  }
tec
execute0_lowered:
.L_overlay_start_1:
0x0: {  	(tag) =	ssettag $0x1  }
0x1: {  	s0 =	srdreg.scid;
	s18 =	stileid.u32  }
0x2: {  	s1 =	sand.u32 $0x1, s0;
	s7 =	smul.u32 $0x5000, s18  }
0x3: {  	s9 =	rddreg [dreg:$0x0];
	s21 =	simm.s32 $0x53E8;
	s2 =	sshll.u32 s1, $0x4  }
0x4: {  	s3 =	sor.u32 s18, s2;
	s2 =	rddreg [dreg:$0x1];
	s6 =	sshrl.u32 s7, $0x3  }
0x5: {  	s4 =	smul.u32 $0x4E2, s3;
	s3 =	simm.s32 $0x0;
	s6 =	sadd.s32 s6, s9  }
0x6: {  	s5 =	smul.u32 $0x50000, s1;
	[smem:$0x7FF] =	sst s3;
	s19 =	sadd.s32 $0x4B400, s6  }
0x7: {  	s23 =	simm.s32 $0x7AF8;
	_ =	strace $0x8000004D;
	[dreg:$0x5] =	wrdreg s19  }
0x8: {  	s5 =	sadd.s32 s7, s5;
	s4 =	sadd.s32 s4, s9;
	[dreg:$0x7] =	wrdreg s21  }
0x9: {  	s5 =	sshrl.u32 s5, $0x3;
	[dreg:$0x8] =	wrdreg s23;
	s8 =	sadd.s32 $0x1A400, s4  }
0xa: {  	s5 =	sadd.s32 s5, s9;
	s4 =	sadd.s32 $0x10600, s4;
	[dreg:$0x3] =	wrdreg s8  }
0xb: {  	s20 =	sadd.s32 $0x55400, s5;
	[dreg:$0x4] =	wrdreg s4  }
0xc: {  	[dreg:$0x6] =	wrdreg s20  }
0xd: {  	s5 =	simm.s32 $0x5000;
	s4 =	simm.s32 $0x3;
	s22 =	rddreg [dreg:$0x3]  }
0xe: {  	[tilespmem:s5], [sflag:$0x3] =	stream.linear.gather [hbm4b:s22+s3], $0x2710, $0x38;
	[tilespmem:$0x19820] =	vst v63  }
0xf: {  	_ =	swait.ge [sflag:s4], $0x2710  }
0x10: {  	[sflag:s4] =	ssyncset.done $0x0  }
0x11: {  	s6 =	simm.s32 $0x7710;
	s24 =	rddreg [dreg:$0x4];
	[sflag:s4] =	ssyncadd.s32 $0xFFFFD8F0  }
0x12: {  	[tilespmem:s6], [sflag:$0x3] =	stream.linear.gather [hbm4b:s24+s3], $0x2710, $0x38;
	[tilespmem:$0x19820] =	vst v63  }
0x13: {  	s26 =	sshll.u32 s18, $0x6;
	_ =	swait.ge [sflag:s4], $0x2710  }
0x14: {  	s25 =	sadd.s32 s7, s2;
	s7 =	sor.u32 $0x1C03, s26;
	[sflag:s4] =	ssyncset.done $0x0  }
0x15: {  	s8 =	sshrl.u32 s25, $0x3;
	s10 =	rddreg [dreg:$0x5];
	[sflag:s4] =	ssyncadd.s32 $0xFFFFD8F0  }
0x16: {  	[spmem:s8], [sflag:s7] =	dma.local [hbm:s10], $0xA00  }
0x17: {  	_ =	swait.ge [sflag:s4], $0xA00  }
0x18: {  	[sflag:s4] =	ssyncset.done $0x0  }
0x19: {  	s11 =	simm.s32 $0x9E20;
	s12 =	simm.s32 $0x1;
	[sflag:s4] =	ssyncadd.s32 $0xFFFFF600  }
0x1a: {  	s9 =	sadd.s32 $0x4200, s9;
	s10 =	simm.s32 $0x3E8;
	[bflag:$0x0] =	sbarrier.arrive $0xFFFF  }
0x1b: {  	[tilespmem:s11], [sflag:$0x1] =	stream.indirect.gather [hbm4b:s9+s10], $0x20, s5, s10, $0xb8;
	[tilespmem:$0x19820] =	vst v63  }
0x1c: {  	_ =	swait.ge [sflag:s12], $0x7D00  }
0x1d: {  	[sflag:s12] =	ssyncset.done $0x0  }
0x1e: {  	[sflag:s12] =	ssyncadd.s32 $0xFFFF8300  }
0x1f: {  	[spmem:s2] =	stream.indirect.scatter.add.f32 [tilespmem:s11], [sflag:$0x2], $0x20, s6, s10, $0xb8;
	[tilespmem:$0x19820] =	vst v63  }
0x20: {  	s13 =	simm.s32 $0x11B20;
	s14 =	rddreg [dreg:$0x7]  }
0x21: {  	[tilespmem:s13], [sflag:$0x1] =	stream.indirect.gather [hbm4b:s9+s10], $0x20, s14, s10, $0xb8;
	[tilespmem:$0x19820] =	vst v63  }
0x22: {  	_ =	swait.ge [sflag:s12], $0x7D00  }
0x23: {  	[sflag:s12] =	ssyncset.done $0x0  }
0x24: {  	s14 =	simm.s32 $0x2;
	s15 =	rddreg [dreg:$0x8];
	[sflag:s12] =	ssyncadd.s32 $0xFFFF8300  }
0x25: {  	[spmem:s2] =	stream.indirect.scatter.add.f32 [tilespmem:s13], [sflag:$0x2], $0x20, s15, s10, $0xb8;
	[tilespmem:$0x19820] =	vst v63  }
0x26: {  	_ =	swait.ge [sflag:s14], $0x7D00  }
0x27: {  	[sflag:s14] =	ssyncset.done $0x0  }
0x28: {  	s15 =	simm.s32 $0x57D0;
	[sflag:s14] =	ssyncadd.s32 $0xFFFF8300  }
0x29: {  	[tilespmem:s11], [sflag:$0x1] =	stream.indirect.gather [hbm4b:s9+s10], $0x20, s15, s10, $0xb8;
	[tilespmem:$0x19820] =	vst v63  }
0x2a: {  	_ =	swait.ge [sflag:s12], $0x7D00  }
0x2b: {  	[sflag:s12] =	ssyncset.done $0x0  }
0x2c: {  	s16 =	simm.s32 $0x7EE0;
	[sflag:s12] =	ssyncadd.s32 $0xFFFF8300  }
0x2d: {  	[spmem:s2] =	stream.indirect.scatter.add.f32 [tilespmem:s11], [sflag:$0x2], $0x20, s16, s10, $0xb8;
	[tilespmem:$0x19820] =	vst v63  }
0x2e: {  	_ =	swait.ge [sflag:s14], $0x7D00  }
0x2f: {  	[sflag:s14] =	ssyncset.done $0x0  }
0x30: {  	s17 =	simm.s32 $0x5BB8;
	[sflag:s14] =	ssyncadd.s32 $0xFFFF8300  }
0x31: {  	[tilespmem:s13], [sflag:$0x1] =	stream.indirect.gather [hbm4b:s9+s10], $0x20, s17, s10, $0xb8;
	[tilespmem:$0x19820] =	vst v63  }
0x32: {  	_ =	swait.ge [sflag:s12], $0x7D00  }
0x33: {  	[sflag:s12] =	ssyncset.done $0x0  }
0x34: {  	s18 =	simm.s32 $0x82C8;
	[sflag:s12] =	ssyncadd.s32 $0xFFFF8300  }
0x35: {  	[spmem:s2] =	stream.indirect.scatter.add.f32 [tilespmem:s13], [sflag:$0x2], $0x20, s18, s10, $0xb8;
	[tilespmem:$0x19820] =	vst v63  }
0x36: {  	_ =	swait.ge [sflag:s14], $0x7D00  }
0x37: {  	[sflag:s14] =	ssyncset.done $0x0  }
0x38: {  	s19 =	simm.s32 $0x5FA0;
	[sflag:s14] =	ssyncadd.s32 $0xFFFF8300  }
0x39: {  	[tilespmem:s11], [sflag:$0x1] =	stream.indirect.gather [hbm4b:s9+s10], $0x20, s19, s10, $0xb8;
	[tilespmem:$0x19820] =	vst v63  }
0x3a: {  	_ =	swait.ge [sflag:s12], $0x7D00  }
0x3b: {  	[sflag:s12] =	ssyncset.done $0x0  }
0x3c: {  	s20 =	simm.s32 $0x86B0;
	[sflag:s12] =	ssyncadd.s32 $0xFFFF8300  }
0x3d: {  	[spmem:s2] =	stream.indirect.scatter.add.f32 [tilespmem:s11], [sflag:$0x2], $0x20, s20, s10, $0xb8;
	[tilespmem:$0x19820] =	vst v63  }
0x3e: {  	_ =	swait.ge [sflag:s14], $0x7D00  }
0x3f: {  	[sflag:s14] =	ssyncset.done $0x0  }
0x40: {  	s21 =	simm.s32 $0x6388;
	[sflag:s14] =	ssyncadd.s32 $0xFFFF8300  }
0x41: {  	[tilespmem:s13], [sflag:$0x1] =	stream.indirect.gather [hbm4b:s9+s10], $0x20, s21, s10, $0xb8;
	[tilespmem:$0x19820] =	vst v63  }
0x42: {  	_ =	swait.ge [sflag:s12], $0x7D00  }
0x43: {  	[sflag:s12] =	ssyncset.done $0x0  }
0x44: {  	s22 =	simm.s32 $0x8A98;
	[sflag:s12] =	ssyncadd.s32 $0xFFFF8300  }
0x45: {  	[spmem:s2] =	stream.indirect.scatter.add.f32 [tilespmem:s13], [sflag:$0x2], $0x20, s22, s10, $0xb8;
	[tilespmem:$0x19820] =	vst v63  }
0x46: {  	_ =	swait.ge [sflag:s14], $0x7D00  }
0x47: {  	[sflag:s14] =	ssyncset.done $0x0  }
0x48: {  	s23 =	simm.s32 $0x6770;
	[sflag:s14] =	ssyncadd.s32 $0xFFFF8300  }
0x49: {  	[tilespmem:s11], [sflag:$0x1] =	stream.indirect.gather [hbm4b:s9+s10], $0x20, s23, s10, $0xb8;
	[tilespmem:$0x19820] =	vst v63  }
0x4a: {  	_ =	swait.ge [sflag:s12], $0x7D00  }
0x4b: {  	[sflag:s12] =	ssyncset.done $0x0  }
0x4c: {  	s24 =	simm.s32 $0x8E80;
	[sflag:s12] =	ssyncadd.s32 $0xFFFF8300  }
0x4d: {  	[spmem:s2] =	stream.indirect.scatter.add.f32 [tilespmem:s11], [sflag:$0x2], $0x20, s24, s10, $0xb8;
	[tilespmem:$0x19820] =	vst v63  }
0x4e: {  	_ =	swait.ge [sflag:s14], $0x7D00  }
0x4f: {  	[sflag:s14] =	ssyncset.done $0x0  }
0x50: {  	s25 =	simm.s32 $0x6B58;
	[sflag:s14] =	ssyncadd.s32 $0xFFFF8300  }
0x51: {  	[tilespmem:s13], [sflag:$0x1] =	stream.indirect.gather [hbm4b:s9+s10], $0x20, s25, s10, $0xb8;
	[tilespmem:$0x19820] =	vst v63  }
0x52: {  	_ =	swait.ge [sflag:s12], $0x7D00  }
0x53: {  	[sflag:s12] =	ssyncset.done $0x0  }
0x54: {  	s26 =	simm.s32 $0x9268;
	[sflag:s12] =	ssyncadd.s32 $0xFFFF8300  }
0x55: {  	[spmem:s2] =	stream.indirect.scatter.add.f32 [tilespmem:s13], [sflag:$0x2], $0x20, s26, s10, $0xb8;
	[tilespmem:$0x19820] =	vst v63  }
0x56: {  	_ =	swait.ge [sflag:s14], $0x7D00  }
0x57: {  	[sflag:s14] =	ssyncset.done $0x0  }
0x58: {  	s28 =	simm.s32 $0x6F40;
	[sflag:s14] =	ssyncadd.s32 $0xFFFF8300  }
0x59: {  	[tilespmem:s11], [sflag:$0x1] =	stream.indirect.gather [hbm4b:s9+s10], $0x20, s28, s10, $0xb8;
	[tilespmem:$0x19820] =	vst v63  }
0x5a: {  	_ =	swait.ge [sflag:s12], $0x7D00  }
0x5b: {  	[sflag:s12] =	ssyncset.done $0x0  }
0x5c: {  	s29 =	simm.s32 $0x9650;
	[sflag:s12] =	ssyncadd.s32 $0xFFFF8300  }
0x5d: {  	[spmem:s2] =	stream.indirect.scatter.add.f32 [tilespmem:s11], [sflag:$0x2], $0x20, s29, s10, $0xb8;
	[tilespmem:$0x19820] =	vst v63  }
0x5e: {  	_ =	swait.ge [sflag:s14], $0x7D00  }
0x5f: {  	[sflag:s14] =	ssyncset.done $0x0  }
0x60: {  	s30 =	simm.s32 $0x7328;
	[sflag:s14] =	ssyncadd.s32 $0xFFFF8300  }
0x61: {  	[tilespmem:s13], [sflag:$0x1] =	stream.indirect.gather [hbm4b:s9+s10], $0x20, s30, s10, $0xb8;
	[tilespmem:$0x19820] =	vst v63  }
0x62: {  	_ =	swait.ge [sflag:s12], $0x7D00  }
0x63: {  	[sflag:s12] =	ssyncset.done $0x0  }
0x64: {  	s31 =	simm.s32 $0x9A38;
	[sflag:s12] =	ssyncadd.s32 $0xFFFF8300  }
0x65: {  	[spmem:s2] =	stream.indirect.scatter.add.f32 [tilespmem:s13], [sflag:$0x2], $0x20, s31, s10, $0xb8;
	[tilespmem:$0x19820] =	vst v63  }
0x66: {  	_ =	swait.ge [sflag:s14], $0x7D00  }
0x67: {  	[sflag:s14] =	ssyncset.done $0x0  }
0x68: {  	[sflag:s14] =	ssyncadd.s32 $0xFFFF8300  }
0x69: {  	_ =	swait.ge [sflag:s14], $0x7D00  }
0x6a: {  	[sflag:s14] =	ssyncset.done $0x0  }
0x6b: {  	[sflag:s14] =	ssyncadd.s32 $0xFFFF8300  }
0x6c: {  	[bflag:$0x0] =	sbarrier.arrive $0xFFFF  }
0x6d: {  	s1 =	ssub.s32 $0x2, s1;
	s0 =	rddreg [dreg:$0x6]  }
0x6e: {  	[dreg:$0x9] =	wrdreg s0;
	s0 =	sshrl.u32 s1, $0x1  }
0x6f: {  	s0 =	ssub.s32 s1, s0  }
0x70: {  	s0 =	smax.u32 s0, $0x1  }
0x71: {  	p0 =	sne.s32 s0, $0x1  }
.Ltmp0:
0x72: {  	_ = 	snop;
	(pc) =	sbr.rel @!p0 .LBB2_2-.Ltmp0, $4  }
0x73: {  	_ = 	snop  }
0x74: {  	s1 =	rddreg [dreg:$0x9]  }
0x75: {  	[hbm:s1], [sflag:s7] =	dma.local [spmem:s8], $0xA00  }
0x76: {  	s1 =	sadd.s32 $0xFFFFFFFF, s0;
	_ =	swait.ge [sflag:s4], $0xA00  }
.LBB2_1:
0x77: {  	[sflag:s4] =	ssyncset.done $0x0  }
0x78: {  	s0 =	rddreg [dreg:$0x3];
	[sflag:s4] =	ssyncadd.s32 $0xFFFFF600  }
0x79: {  	[tilespmem:s5], [sflag:$0x3] =	stream.linear.gather [hbm4b:s0+s3], $0x2710, $0x38;
	[tilespmem:$0x19820] =	vst v63  }
0x7a: {  	_ =	swait.ge [sflag:s4], $0x2710  }
0x7b: {  	[sflag:s4] =	ssyncset.done $0x0  }
0x7c: {  	s0 =	rddreg [dreg:$0x4];
	[sflag:s4] =	ssyncadd.s32 $0xFFFFD8F0  }
0x7d: {  	[tilespmem:s6], [sflag:$0x3] =	stream.linear.gather [hbm4b:s0+s3], $0x2710, $0x38;
	[tilespmem:$0x19820] =	vst v63  }
0x7e: {  	_ =	swait.ge [sflag:s4], $0x2710  }
0x7f: {  	[sflag:s4] =	ssyncset.done $0x0  }
0x80: {  	s0 =	rddreg [dreg:$0x5];
	[sflag:s4] =	ssyncadd.s32 $0xFFFFD8F0  }
0x81: {  	[spmem:s8], [sflag:s7] =	dma.local [hbm:s0], $0xA00  }
0x82: {  	_ =	swait.ge [sflag:s4], $0xA00  }
0x83: {  	[sflag:s4] =	ssyncset.done $0x0  }
0x84: {  	[sflag:s4] =	ssyncadd.s32 $0xFFFFF600  }
0x85: {  	[bflag:$0x0] =	sbarrier.arrive $0xFFFF  }
0x86: {  	[tilespmem:s11], [sflag:$0x1] =	stream.indirect.gather [hbm4b:s9+s10], $0x20, s5, s10, $0xb8;
	[tilespmem:$0x19820] =	vst v63  }
0x87: {  	_ =	swait.ge [sflag:s12], $0x7D00  }
0x88: {  	[sflag:s12] =	ssyncset.done $0x0  }
0x89: {  	[sflag:s12] =	ssyncadd.s32 $0xFFFF8300  }
0x8a: {  	[spmem:s2] =	stream.indirect.scatter.add.f32 [tilespmem:s11], [sflag:$0x2], $0x20, s6, s10, $0xb8;
	[tilespmem:$0x19820] =	vst v63  }
0x8b: {  	s0 =	rddreg [dreg:$0x7]  }
0x8c: {  	[tilespmem:s13], [sflag:$0x1] =	stream.indirect.gather [hbm4b:s9+s10], $0x20, s0, s10, $0xb8;
	[tilespmem:$0x19820] =	vst v63  }
0x8d: {  	_ =	swait.ge [sflag:s12], $0x7D00  }
0x8e: {  	[sflag:s12] =	ssyncset.done $0x0  }
0x8f: {  	s0 =	rddreg [dreg:$0x8];
	[sflag:s12] =	ssyncadd.s32 $0xFFFF8300  }
0x90: {  	[spmem:s2] =	stream.indirect.scatter.add.f32 [tilespmem:s13], [sflag:$0x2], $0x20, s0, s10, $0xb8;
	[tilespmem:$0x19820] =	vst v63  }
0x91: {  	_ =	swait.ge [sflag:s14], $0x7D00  }
0x92: {  	[sflag:s14] =	ssyncset.done $0x0  }
0x93: {  	[sflag:s14] =	ssyncadd.s32 $0xFFFF8300  }
0x94: {  	[tilespmem:s11], [sflag:$0x1] =	stream.indirect.gather [hbm4b:s9+s10], $0x20, s15, s10, $0xb8;
	[tilespmem:$0x19820] =	vst v63  }
0x95: {  	_ =	swait.ge [sflag:s12], $0x7D00  }
0x96: {  	[sflag:s12] =	ssyncset.done $0x0  }
0x97: {  	[sflag:s12] =	ssyncadd.s32 $0xFFFF8300  }
0x98: {  	[spmem:s2] =	stream.indirect.scatter.add.f32 [tilespmem:s11], [sflag:$0x2], $0x20, s16, s10, $0xb8;
	[tilespmem:$0x19820] =	vst v63  }
0x99: {  	_ =	swait.ge [sflag:s14], $0x7D00  }
0x9a: {  	[sflag:s14] =	ssyncset.done $0x0  }
0x9b: {  	[sflag:s14] =	ssyncadd.s32 $0xFFFF8300  }
0x9c: {  	[tilespmem:s13], [sflag:$0x1] =	stream.indirect.gather [hbm4b:s9+s10], $0x20, s17, s10, $0xb8;
	[tilespmem:$0x19820] =	vst v63  }
0x9d: {  	_ =	swait.ge [sflag:s12], $0x7D00  }
0x9e: {  	[sflag:s12] =	ssyncset.done $0x0  }
0x9f: {  	[sflag:s12] =	ssyncadd.s32 $0xFFFF8300  }
0xa0: {  	[spmem:s2] =	stream.indirect.scatter.add.f32 [tilespmem:s13], [sflag:$0x2], $0x20, s18, s10, $0xb8;
	[tilespmem:$0x19820] =	vst v63  }
0xa1: {  	_ =	swait.ge [sflag:s14], $0x7D00  }
0xa2: {  	[sflag:s14] =	ssyncset.done $0x0  }
0xa3: {  	[sflag:s14] =	ssyncadd.s32 $0xFFFF8300  }
0xa4: {  	[tilespmem:s11], [sflag:$0x1] =	stream.indirect.gather [hbm4b:s9+s10], $0x20, s19, s10, $0xb8;
	[tilespmem:$0x19820] =	vst v63  }
0xa5: {  	_ =	swait.ge [sflag:s12], $0x7D00  }
0xa6: {  	[sflag:s12] =	ssyncset.done $0x0  }
0xa7: {  	[sflag:s12] =	ssyncadd.s32 $0xFFFF8300  }
0xa8: {  	[spmem:s2] =	stream.indirect.scatter.add.f32 [tilespmem:s11], [sflag:$0x2], $0x20, s20, s10, $0xb8;
	[tilespmem:$0x19820] =	vst v63  }
0xa9: {  	_ =	swait.ge [sflag:s14], $0x7D00  }
0xaa: {  	[sflag:s14] =	ssyncset.done $0x0  }
0xab: {  	[sflag:s14] =	ssyncadd.s32 $0xFFFF8300  }
0xac: {  	[tilespmem:s13], [sflag:$0x1] =	stream.indirect.gather [hbm4b:s9+s10], $0x20, s21, s10, $0xb8;
	[tilespmem:$0x19820] =	vst v63  }
0xad: {  	_ =	swait.ge [sflag:s12], $0x7D00  }
0xae: {  	[sflag:s12] =	ssyncset.done $0x0  }
0xaf: {  	[sflag:s12] =	ssyncadd.s32 $0xFFFF8300  }
0xb0: {  	[spmem:s2] =	stream.indirect.scatter.add.f32 [tilespmem:s13], [sflag:$0x2], $0x20, s22, s10, $0xb8;
	[tilespmem:$0x19820] =	vst v63  }
0xb1: {  	_ =	swait.ge [sflag:s14], $0x7D00  }
0xb2: {  	[sflag:s14] =	ssyncset.done $0x0  }
0xb3: {  	[sflag:s14] =	ssyncadd.s32 $0xFFFF8300  }
0xb4: {  	[tilespmem:s11], [sflag:$0x1] =	stream.indirect.gather [hbm4b:s9+s10], $0x20, s23, s10, $0xb8;
	[tilespmem:$0x19820] =	vst v63  }
0xb5: {  	_ =	swait.ge [sflag:s12], $0x7D00  }
0xb6: {  	[sflag:s12] =	ssyncset.done $0x0  }
0xb7: {  	[sflag:s12] =	ssyncadd.s32 $0xFFFF8300  }
0xb8: {  	[spmem:s2] =	stream.indirect.scatter.add.f32 [tilespmem:s11], [sflag:$0x2], $0x20, s24, s10, $0xb8;
	[tilespmem:$0x19820] =	vst v63  }
0xb9: {  	_ =	swait.ge [sflag:s14], $0x7D00  }
0xba: {  	[sflag:s14] =	ssyncset.done $0x0  }
0xbb: {  	[sflag:s14] =	ssyncadd.s32 $0xFFFF8300  }
0xbc: {  	[tilespmem:s13], [sflag:$0x1] =	stream.indirect.gather [hbm4b:s9+s10], $0x20, s25, s10, $0xb8;
	[tilespmem:$0x19820] =	vst v63  }
0xbd: {  	_ =	swait.ge [sflag:s12], $0x7D00  }
0xbe: {  	[sflag:s12] =	ssyncset.done $0x0  }
0xbf: {  	[sflag:s12] =	ssyncadd.s32 $0xFFFF8300  }
0xc0: {  	[spmem:s2] =	stream.indirect.scatter.add.f32 [tilespmem:s13], [sflag:$0x2], $0x20, s26, s10, $0xb8;
	[tilespmem:$0x19820] =	vst v63  }
0xc1: {  	_ =	swait.ge [sflag:s14], $0x7D00  }
0xc2: {  	[sflag:s14] =	ssyncset.done $0x0  }
0xc3: {  	[sflag:s14] =	ssyncadd.s32 $0xFFFF8300  }
0xc4: {  	[tilespmem:s11], [sflag:$0x1] =	stream.indirect.gather [hbm4b:s9+s10], $0x20, s28, s10, $0xb8;
	[tilespmem:$0x19820] =	vst v63  }
0xc5: {  	_ =	swait.ge [sflag:s12], $0x7D00  }
0xc6: {  	[sflag:s12] =	ssyncset.done $0x0  }
0xc7: {  	[sflag:s12] =	ssyncadd.s32 $0xFFFF8300  }
0xc8: {  	[spmem:s2] =	stream.indirect.scatter.add.f32 [tilespmem:s11], [sflag:$0x2], $0x20, s29, s10, $0xb8;
	[tilespmem:$0x19820] =	vst v63  }
0xc9: {  	_ =	swait.ge [sflag:s14], $0x7D00  }
0xca: {  	[sflag:s14] =	ssyncset.done $0x0  }
0xcb: {  	[sflag:s14] =	ssyncadd.s32 $0xFFFF8300  }
0xcc: {  	[tilespmem:s13], [sflag:$0x1] =	stream.indirect.gather [hbm4b:s9+s10], $0x20, s30, s10, $0xb8;
	[tilespmem:$0x19820] =	vst v63  }
0xcd: {  	_ =	swait.ge [sflag:s12], $0x7D00  }
0xce: {  	[sflag:s12] =	ssyncset.done $0x0  }
0xcf: {  	[sflag:s12] =	ssyncadd.s32 $0xFFFF8300  }
0xd0: {  	[spmem:s2] =	stream.indirect.scatter.add.f32 [tilespmem:s13], [sflag:$0x2], $0x20, s31, s10, $0xb8;
	[tilespmem:$0x19820] =	vst v63  }
0xd1: {  	_ =	swait.ge [sflag:s14], $0x7D00  }
0xd2: {  	[sflag:s14] =	ssyncset.done $0x0  }
0xd3: {  	[sflag:s14] =	ssyncadd.s32 $0xFFFF8300  }
0xd4: {  	_ =	swait.ge [sflag:s14], $0x7D00  }
0xd5: {  	p0 =	sne.s32 s1, $0x1;
	[sflag:s14] =	ssyncset.done $0x0  }
.Ltmp1:
0xd6: {  	[sflag:s14] =	ssyncadd.s32 $0xFFFF8300;
	(pc) =	sbr.rel @p0 .LBB2_1-.Ltmp1, $4  }
0xd7: {  	[bflag:$0x0] =	sbarrier.arrive $0xFFFF  }
0xd8: {  	s0 =	rddreg [dreg:$0x6]  }
0xd9: {  	[hbm:s0], [sflag:s7] =	dma.local [spmem:s8], $0xA00  }
0xda: {  	s1 =	sadd.s32 $0xFFFFFFFF, s1;
	_ =	swait.ge [sflag:s4], $0xA00  }
.LBB2_2:
0xdb: {  	[sflag:s4] =	ssyncset.done $0x0  }
0xdc: {  	[sflag:s4] =	ssyncadd.s32 $0xFFFFF600  }
0xdd: {  	_ =	sfence.sel $0x180000  }
0xde: {  	[bflag:$0x0] =	sbarrier.arrive $0xFFFF  }
0xdf: {  	_ =	strace $0x9000004D  }
0xe0: {  	s0 =	stileid.u32;
	[bflag:$0x2] =	sbarrier.arrive $0xFFFF  }
0xe1: {  	p0 =	sne.s32 s0, $0x0;
	s0 =	rddreg [dreg:$0x2]  }
0xe2: {  	s0 =	sadd.s32 @!p0 $0x100000, s0  }
0xe3: {  	[sflag:s0] =	ssyncadd.tile.s32 @!p0 $0x1;
	_ =	shalt  }
.Lfunc_end2:
_tile_overlayer_lowered:
.L_overlay_start_2:
0xe4: {  	(tag) =	ssettag $0x2  }
0xe5: {  	s0 =	rddreg [dreg:$0x0];
	s2 =	stileid.u32  }
0xe6: {  	s1 =	rddreg [dreg:$0x1];
	p0 =	sne.s32 s2, $0x0  }
0xe7: {  	s3 =	rddreg [dreg:$0x2];
	[bflag:$0x3] =	sbarrier.arrive $0xFFFF;
	s2 =	simm.s32 @!p0 $0x1C03  }
0xe8: {  	[timem:s3], [sflag:s2] =	dma.local @!p0 [hbm:s0], s1  }
0xe9: {  	s0 =	simm.s32 @!p0 $0x3  }
0xea: {  	_ =	swait.ge @!p0 [sflag:s0], s1  }
0xeb: {  	s1 =	ssub.s32 @!p0 $0x0, s1;
	[sflag:s0] =	ssyncset.done @!p0 $0x0  }
0xec: {  	[sflag:s0] =	ssyncadd.s32 @!p0 s1  }
0xed: {  	[bflag:$0x3] =	sbarrier.arrive $0xFFFF  }
0xee: {  	_ =	shalt  }

// kernel: kernel.21.cloned.1.call-start
scs
__scs_entry_jumppad:
0x0: {  	(pc) =	sbr.rel $0x88, $3  }
0x1: {  	(tag) =	ssettag $0x0;
	lr =	simm.s32 $0x1  }
0x2: {  	[smem:$0x3F93] =	sst lr;
	_ =	strace $0xD0000000  }
0x3: {  	_ = 	snop  }
0x4: {  	_ = 	snop  }
0x5: {  	_ = 	snop  }
0x6: {  	_ = 	snop  }
0x7: {  	_ = 	snop  }
__scs_overlays_trampoline_lowered:
0x8: {  	[smem:$0x3FA2] =	sst s0  }
0x9: {  	[smem:$0x3FA3] =	sst s1  }
0xa: {  	[smem:$0x3FA4] =	sst s2  }
0xb: {  	[smem:$0x3FA5] =	sst s3  }
0xc: {  	[smem:$0x3FA6] =	sst s4  }
0xd: {  	[smem:$0x3FA7] =	sst s5  }
0xe: {  	[smem:$0x3FA8] =	sst s6  }
0xf: {  	[smem:$0x3FA9] =	sst s7  }
0x10: {  	[smem:$0x3FAA] =	sst s8  }
0x11: {  	[smem:$0x3FAB] =	sst s9;
	s0 =	simm.s32 @!p0 $0x0  }
0x12: {  	s1 =	sld [smem:$0x3F91];
	s0 =	simm.s32 @p0 $0x1  }
0x13: {  	[smem:$0x3FAC] =	sst s0;
	s0 =	simm.s32 @!p1 $0x0  }
0x14: {  	s2 =	sld [smem:$0x3F90];
	s0 =	simm.s32 @p1 $0x1  }
0x15: {  	[smem:$0x3FAD] =	sst s0;
	s0 =	simm.s32 @!p2 $0x0  }
0x16: {  	s3 =	sld [smem:$0x3FDB];
	s0 =	simm.s32 @p2 $0x1  }
0x17: {  	s4 =	simm.s32 $0x1BF5;
	[smem:$0x3FAF] =	sst s0  }
0x18: {  	s0 =	sld [smem:$0x3F92];
	_ =	swait.ge [sflag:s4], $0x0  }
0x19: {  	s7 =	sld [smem:$0x3F93]  }
0x1a: {  	s8 =	sadd.s32 $0xFFFFE003, lr  }
0x1b: {  	s9 =	sadd.s32 $0xFFFFFEF7, lr;
	s5 =	simm.s32 $0xFFFFFFFF;
	p2 =	slt.u32 s8, $0xFFFFF086  }
0x1c: {  	p1 =	slt.u32 s9, $0xF7A;
	s5 =	simm.s32 @!p2 $0x0  }
0x1d: {  	s5 =	simm.s32 @p1 $0x1;
	p0 =	seq.s32 s7, s2  }
0x1e: {  	s7 =	smul.u32 @!p0 $0xF7A, s2;
	p2 =	seq.s32 @!p0 s5, $0x0  }
0x1f: {  	s9 =	smul.u32 $0xF7A, s1;
	s8 =	simm.s32 @!p0 $0x1BF5;
	p2 =	por !p2, p0  }
0x20: {  	[sflag:s8] =	ssyncset.s32 @!p0 $0xFFFFF086;
	s6 =	sadd.s32 @!p0 s3, s7;
	s7 =	simm.s32 @!p0 $0x108  }
0x21: {  	s3 =	sadd.s32 s3, s9;
	s6 =	sadd.s32 @!p0 $0x88, s6;
	s7 =	simm.s32 @p2 $0x1082  }
0x22: {  	[simem:s7], [sflag:s8] =	dma.local @!p0 [hbm:s6], $0xF7A  }
0x23: {  	s9 =	sor.u32 $0xD0000000, s2;
	s6 =	simm.s32 $0x108;
	_ =	swait.ge @!p0 [sflag:s8], $0x0  }
0x24: {  	s3 =	sadd.s32 $0x88, s3;
	s6 =	simm.s32 @!p1 $0x1082;
	[sflag:s4] =	ssyncset.s32 $0xFFFFF086  }
0x25: {  	[simem:s6], [sflag:s4] =	dma.local [hbm:s3], $0xF7A  }
0x26: {  	[smem:$0x3F93] =	sst s1;
	(tag) =	ssettag s2;
	_ =	strace s9  }
0x27: {  	s1 =	sld [smem:$0x3FA3]  }
0x28: {  	s2 =	sld [smem:$0x3FA4]  }
0x29: {  	s4 =	sld [smem:$0x3FA6]  }
0x2a: {  	p0 =	seq.s32 s5, $0x0;
	s5 =	sld [smem:$0x3FA7]  }
0x2b: {  	s6 =	sld [smem:$0x3FA8]  }
0x2c: {  	s7 =	sld [smem:$0x3FA9]  }
0x2d: {  	s3 =	simm.s32 $0x108;
	s8 =	sld [smem:$0x3FAA]  }
0x2e: {  	s3 =	simm.s32 @!p0 $0x1082;
	s9 =	sld [smem:$0x3FAB]  }
0x2f: {  	lr =	sadd.s32 s0, s3;
	s0 =	sld [smem:$0x3FA2]  }
0x30: {  	s3 =	sld [smem:$0x3FA5]  }
0x31: {  	[smem:$0x3FAE] =	sst s10  }
0x32: {  	s10 =	sld [smem:$0x3FAC];
	_ =	sdelay $0x3  }
0x33: {  	p0 =	seq.s32 s10, $0x1;
	s10 =	sld [smem:$0x3FAE];
	_ =	sdelay $0x3  }
0x34: {  	[smem:$0x3FAE] =	sst s10  }
0x35: {  	s10 =	sld [smem:$0x3FAD];
	_ =	sdelay $0x3  }
0x36: {  	p1 =	seq.s32 s10, $0x1;
	s10 =	sld [smem:$0x3FAE];
	_ =	sdelay $0x3  }
0x37: {  	[smem:$0x3FAE] =	sst s10  }
0x38: {  	s10 =	sld [smem:$0x3FAF]  }
0x39: {  	_ = 	snop;
	(pc) =	sbr.ind lr, $3  }
0x3a: {  	_ = 	snop  }
0x3b: {  	_ = 	snop  }
0x3c: {  	p2 =	seq.s32 s10, $0x1;
	s10 =	sld [smem:$0x3FAE]  }
0x3d: {  	_ =	shalt  }
0x3e: {  	_ =	shalt  }
0x3f: {  	_ =	shalt  }
0x40: {  	_ =	shalt  }
0x41: {  	_ =	shalt  }
0x42: {  	_ =	shalt  }
0x43: {  	_ =	shalt  }
0x44: {  	_ =	shalt  }
0x45: {  	_ =	shalt  }
0x46: {  	_ =	shalt  }
0x47: {  	_ =	shalt  }
0x48: {  	_ =	shalt  }
0x49: {  	_ =	shalt  }
0x4a: {  	_ =	shalt  }
0x4b: {  	_ =	shalt  }
0x4c: {  	_ =	shalt  }
0x4d: {  	_ =	shalt  }
0x4e: {  	_ =	shalt  }
0x4f: {  	_ =	shalt  }
0x50: {  	_ =	shalt  }
0x51: {  	_ =	shalt  }
0x52: {  	_ =	shalt  }
0x53: {  	_ =	shalt  }
0x54: {  	_ =	shalt  }
0x55: {  	_ =	shalt  }
0x56: {  	_ =	shalt  }
0x57: {  	_ =	shalt  }
0x58: {  	_ =	shalt  }
0x59: {  	_ =	shalt  }
0x5a: {  	_ =	shalt  }
0x5b: {  	_ =	shalt  }
0x5c: {  	_ =	shalt  }
0x5d: {  	_ =	shalt  }
0x5e: {  	_ =	shalt  }
0x5f: {  	_ =	shalt  }
0x60: {  	_ =	shalt  }
0x61: {  	_ =	shalt  }
0x62: {  	_ =	shalt  }
0x63: {  	_ =	shalt  }
0x64: {  	_ =	shalt  }
0x65: {  	_ =	shalt  }
0x66: {  	_ =	shalt  }
0x67: {  	_ =	shalt  }
0x68: {  	_ =	shalt  }
0x69: {  	_ =	shalt  }
0x6a: {  	_ =	shalt  }
0x6b: {  	_ =	shalt  }
0x6c: {  	_ =	shalt  }
0x6d: {  	_ =	shalt  }
0x6e: {  	_ =	shalt  }
0x6f: {  	_ =	shalt  }
0x70: {  	_ =	shalt  }
0x71: {  	_ =	shalt  }
0x72: {  	_ =	shalt  }
0x73: {  	_ =	shalt  }
0x74: {  	_ =	shalt  }
0x75: {  	_ =	shalt  }
0x76: {  	_ =	shalt  }
0x77: {  	_ =	shalt  }
0x78: {  	_ =	shalt  }
0x79: {  	_ =	shalt  }
0x7a: {  	_ =	shalt  }
0x7b: {  	_ =	shalt  }
0x7c: {  	_ =	shalt  }
0x7d: {  	_ =	shalt  }
0x7e: {  	_ =	shalt  }
0x7f: {  	_ =	shalt  }
0x80: {  	_ =	shalt  }
0x81: {  	_ =	shalt  }
0x82: {  	_ =	shalt  }
0x83: {  	_ =	shalt  }
0x84: {  	_ =	shalt  }
0x85: {  	_ =	shalt  }
0x86: {  	_ =	shalt  }
0x87: {  	_ =	shalt  }
.Lfunc_end0:
.L_simem_size_0:
called_computation.3_lowered:
.L_overlay_start_0:
0x88: {  	s2 =	sld [smem:$0x3FD9]  }
0x89: {  	s3 =	sld [smem:$0x3FFE];
	_ =	sdelay $0x1  }
0x8a: {  	s1 =	srdreg.scid  }
0x8b: {  	s0 =	sand.u32 $0x1, s1  }
0x8c: {  	s16 =	sshll.u32 s0, $0xA;
	s2 =	sadd.s32 s3, s2  }
0x8d: {  	s2 =	sadd.s32 s2, s16  }
0x8e: {  	[smem:$0x3FBA] =	sst s2  }
0x8f: {  	_ = 	snop  }
0x90: {  	(tm) =	ssettm $0x1  }
0x91: {  	s17 =	sld [smem:$0x3FFB];
	_ =	sdelay $0x3  }
0x92: {  	_ =	strace s17  }
0x93: {  	s2 =	sld [smem:$0x3FFC];
	_ =	sdelay $0x3  }
0x94: {  	_ =	strace s2  }
0x95: {  	s2 =	sld [smem:$0x3FFD];
	_ =	sdelay $0x3  }
0x96: {  	_ =	strace s2  }
0x97: {  	_ =	strace $0x8FFFFFFF  }
0x98: {  	s18 =	sld [smem:$0x3FDB];
	_ =	sdelay $0x1  }
0x99: {  	s19 =	simm.s32 $_scs_section_size  }
0x9a: {  	s4 =	simm.s32 $_size__tile_overlayer_lowered;
	s5 =	simm.s32 $_tile_overlayer_lowered  }
0x9b: {  	s22 =	simm.s32 $0x1BFF;
	s21 =	sshll.u32 s5, $0x1;
	s2 =	sadd.s32 s19, s18  }
0x9c: {  	s6 =	simm.s32 $0x0;
	s20 =	sshll.u32 s4, $0x1;
	s4 =	sadd.s32 s21, s2  }
0x9d: {  	[timem:s6], [sflag:s22] =	dma.local [hbm:s4], s20  }
0x9e: {  	_ =	swait.ge [sflag:s22], s20  }
0x9f: {  	s3 =	ssub.s32 $0x0, s20;
	[sflag:s22] =	ssyncset.done $0x0  }
0xa0: {  	[sflag:s22] =	ssyncadd.s32 s3;
	_ =	sdelay $0x1  }
0xa1: {  	s23 =	simm.s32 $0x1B8B  }
0xa2: {  	_ =	swait.ge [sflag:s23], $0x1  }
0xa3: {  	[sflag:s23] =	ssyncset.done $0x0  }
0xa4: {  	s25 =	simm.s32 $0x1B8E;
	s24 =	sld [smem:$0x3FFE];
	[sflag:s23] =	ssyncadd.s32 $0xFFFFFFFF  }
0xa5: {  	s26 =	simm.s32 $execute0_lowered;
	[smem:$0x3FD2] =	sst s25  }
0xa6: {  	s4 =	sshll.u32 s26, $0x1;
	_ =	strace $0x8000004F;
	[dreg:$0x1] =	wrdreg $0xFFFFFFFF  }
0xa7: {  	s28 =	simm.s32 $_size_execute0_lowered;
	s2 =	sadd.s32 s2, s4;
	[dreg:$0x0] =	wrdreg $0x0  }
0xa8: {  	s4 =	sshll.u32 s28, $0x1;
	[dreg:$0x2] =	wrdreg s2  }
0xa9: {  	[dreg:$0x3] =	wrdreg s4  }
0xaa: {  	[dreg:$0x4] =	wrdreg $0xC0  }
0xab: {  	_ =	task [dreg:s6], $0x5FFFF  }
0xac: {  	[dreg:$0x1] =	wrdreg $0xFFFFFFFF  }
0xad: {  	[dreg:$0x0] =	wrdreg $0x60  }
0xae: {  	[dreg:$0x2] =	wrdreg s24  }
0xaf: {  	[dreg:$0x3] =	wrdreg $0x0  }
0xb0: {  	[dreg:$0x4] =	wrdreg $0x9  }
0xb1: {  	_ =	task.clear_ibuf [dreg:s6], $0x5FFFF;
	_ =	strace $0x9000004F  }
0xb2: {  	s29 =	simm.s32 $0x9;
	_ =	strace $0x80000051  }
0xb3: {  	_ =	swait.ge [sflag:s29], $0x1  }
0xb4: {  	[sflag:s29] =	ssyncadd.s32 $0xFFFFFFFF  }
0xb5: {  	_ =	strace $0x90000051  }
0xb6: {  	_ =	sfence  }
0xb7: {  	s30 =	sld [smem:$0x0];
	_ =	sdelay $0x2  }
0xb8: {  	s31 =	sshll.u32 s1, $0xD;
	s1 =	sshrl.u32 s1, $0x2  }
0xb9: {  	s3 =	sand.u32 $0x4000, s31;
	s1 =	sadd.s32 s1, s30  }
0xba: {  	s0 =	sor.u32 s3, s0;
	s1 =	sshll.u32 s1, $0x11  }
0xbb: {  	s0 =	sor.u32 s1, s0  }
0xbc: {  	s0 =	sadd.s32 $0x8F2B, s0  }
0xbd: {  	[sflag:s0] =	ssyncadd.remote.s32 $0x1  }
0xbe: {  	_ =	sfence.sel $0xFFFF  }
0xbf: {  	[dreg:$0x0] =	wrdreg $0xFFFFFFFF;
	(pc) =	sbr.abs _section_cstart, $3  }
0xc0: {  	[dreg:$0x1] =	wrdreg $0xFFFFFFFF  }
0xc1: {  	_ =	task.clear_ibuf [dreg:s6], $0x2FFFF;
	_ =	strace $0x9FFFFFFF  }
0xc2: {  	(tm) =	ssettm $0x7FFFFFFF  }
0xc3: {  	_ =	shalt  }
tec
execute0_lowered:
.L_overlay_start_1:
0x0: {  	(tag) =	ssettag $0x1  }
0x1: {  	s0 =	srdreg.scid;
	s18 =	stileid.u32  }
0x2: {  	s1 =	sand.u32 $0x1, s0;
	s7 =	smul.u32 $0x1400, s18  }
0x3: {  	s9 =	rddreg [dreg:$0x0];
	s21 =	simm.s32 $0x17E8;
	s2 =	sshll.u32 s1, $0x4  }
0x4: {  	s3 =	sor.u32 s18, s2;
	s2 =	rddreg [dreg:$0x1];
	s6 =	sshrl.u32 s7, $0x3  }
0x5: {  	s4 =	smul.u32 $0x4E2, s3;
	s3 =	simm.s32 $0x0;
	s6 =	sadd.s32 s6, s9  }
0x6: {  	s5 =	smul.u32 $0x14000, s1;
	[smem:$0x7FF] =	sst s3;
	s19 =	sadd.s32 $0x6A00, s6  }
0x7: {  	s23 =	simm.s32 $0x3EF8;
	_ =	strace $0x80000050;
	[dreg:$0x5] =	wrdreg s19  }
0x8: {  	s5 =	sadd.s32 s7, s5;
	s4 =	sadd.s32 s4, s9;
	[dreg:$0x7] =	wrdreg s21  }
0x9: {  	s5 =	sshrl.u32 s5, $0x3;
	[dreg:$0x8] =	wrdreg s23;
	s8 =	sadd.s32 $0x1A400, s4  }
0xa: {  	s5 =	sadd.s32 s5, s9;
	s4 =	sadd.s32 $0x10600, s4;
	[dreg:$0x3] =	wrdreg s8  }
0xb: {  	s20 =	sadd.s32 $0x9200, s5;
	[dreg:$0x4] =	wrdreg s4  }
0xc: {  	[dreg:$0x6] =	wrdreg s20  }
0xd: {  	s5 =	simm.s32 $0x1400;
	s4 =	simm.s32 $0x3;
	s22 =	rddreg [dreg:$0x3]  }
0xe: {  	[tilespmem:s5], [sflag:$0x3] =	stream.linear.gather [hbm4b:s22+s3], $0x2710, $0x38;
	[tilespmem:$0xA0A0] =	vst v63  }
0xf: {  	_ =	swait.ge [sflag:s4], $0x2710  }
0x10: {  	[sflag:s4] =	ssyncset.done $0x0  }
0x11: {  	s6 =	simm.s32 $0x3B10;
	s24 =	rddreg [dreg:$0x4];
	[sflag:s4] =	ssyncadd.s32 $0xFFFFD8F0  }
0x12: {  	[tilespmem:s6], [sflag:$0x3] =	stream.linear.gather [hbm4b:s24+s3], $0x2710, $0x38;
	[tilespmem:$0xA0A0] =	vst v63  }
0x13: {  	s26 =	sshll.u32 s18, $0x6;
	_ =	swait.ge [sflag:s4], $0x2710  }
0x14: {  	s25 =	sadd.s32 s7, s2;
	s7 =	sor.u32 $0x1C03, s26;
	[sflag:s4] =	ssyncset.done $0x0  }
0x15: {  	s8 =	sshrl.u32 s25, $0x3;
	s10 =	rddreg [dreg:$0x5];
	[sflag:s4] =	ssyncadd.s32 $0xFFFFD8F0  }
0x16: {  	[spmem:s8], [sflag:s7] =	dma.local [hbm:s10], $0x280  }
0x17: {  	_ =	swait.ge [sflag:s4], $0x280  }
0x18: {  	[sflag:s4] =	ssyncset.done $0x0  }
0x19: {  	s11 =	simm.s32 $0x6220;
	s12 =	simm.s32 $0x1;
	[sflag:s4] =	ssyncadd.s32 $0xFFFFFD80  }
0x1a: {  	s9 =	sadd.s32 $0x4200, s9;
	s10 =	simm.s32 $0x3E8;
	[bflag:$0x0] =	sbarrier.arrive $0xFFFF  }
0x1b: {  	[tilespmem:s11], [sflag:$0x1] =	stream.indirect.gather [hbm4b:s9+s10], $0x8, s5, s10, $0xb8;
	[tilespmem:$0xA0A0] =	vst v63  }
0x1c: {  	_ =	swait.ge [sflag:s12], $0x1F40  }
0x1d: {  	[sflag:s12] =	ssyncset.done $0x0  }
0x1e: {  	[sflag:s12] =	ssyncadd.s32 $0xFFFFE0C0  }
0x1f: {  	[spmem:s2] =	stream.indirect.scatter.add.f32 [tilespmem:s11], [sflag:$0x2], $0x8, s6, s10, $0xb8;
	[tilespmem:$0xA0A0] =	vst v63  }
0x20: {  	s13 =	simm.s32 $0x8160;
	s14 =	rddreg [dreg:$0x7]  }
0x21: {  	[tilespmem:s13], [sflag:$0x1] =	stream.indirect.gather [hbm4b:s9+s10], $0x8, s14, s10, $0xb8;
	[tilespmem:$0xA0A0] =	vst v63  }
0x22: {  	_ =	swait.ge [sflag:s12], $0x1F40  }
0x23: {  	[sflag:s12] =	ssyncset.done $0x0  }
0x24: {  	s14 =	simm.s32 $0x2;
	s15 =	rddreg [dreg:$0x8];
	[sflag:s12] =	ssyncadd.s32 $0xFFFFE0C0  }
0x25: {  	[spmem:s2] =	stream.indirect.scatter.add.f32 [tilespmem:s13], [sflag:$0x2], $0x8, s15, s10, $0xb8;
	[tilespmem:$0xA0A0] =	vst v63  }
0x26: {  	_ =	swait.ge [sflag:s14], $0x1F40  }
0x27: {  	[sflag:s14] =	ssyncset.done $0x0  }
0x28: {  	s15 =	simm.s32 $0x1BD0;
	[sflag:s14] =	ssyncadd.s32 $0xFFFFE0C0  }
0x29: {  	[tilespmem:s11], [sflag:$0x1] =	stream.indirect.gather [hbm4b:s9+s10], $0x8, s15, s10, $0xb8;
	[tilespmem:$0xA0A0] =	vst v63  }
0x2a: {  	_ =	swait.ge [sflag:s12], $0x1F40  }
0x2b: {  	[sflag:s12] =	ssyncset.done $0x0  }
0x2c: {  	s16 =	simm.s32 $0x42E0;
	[sflag:s12] =	ssyncadd.s32 $0xFFFFE0C0  }
0x2d: {  	[spmem:s2] =	stream.indirect.scatter.add.f32 [tilespmem:s11], [sflag:$0x2], $0x8, s16, s10, $0xb8;
	[tilespmem:$0xA0A0] =	vst v63  }
0x2e: {  	_ =	swait.ge [sflag:s14], $0x1F40  }
0x2f: {  	[sflag:s14] =	ssyncset.done $0x0  }
0x30: {  	s17 =	simm.s32 $0x1FB8;
	[sflag:s14] =	ssyncadd.s32 $0xFFFFE0C0  }
0x31: {  	[tilespmem:s13], [sflag:$0x1] =	stream.indirect.gather [hbm4b:s9+s10], $0x8, s17, s10, $0xb8;
	[tilespmem:$0xA0A0] =	vst v63  }
0x32: {  	_ =	swait.ge [sflag:s12], $0x1F40  }
0x33: {  	[sflag:s12] =	ssyncset.done $0x0  }
0x34: {  	s18 =	simm.s32 $0x46C8;
	[sflag:s12] =	ssyncadd.s32 $0xFFFFE0C0  }
0x35: {  	[spmem:s2] =	stream.indirect.scatter.add.f32 [tilespmem:s13], [sflag:$0x2], $0x8, s18, s10, $0xb8;
	[tilespmem:$0xA0A0] =	vst v63  }
0x36: {  	_ =	swait.ge [sflag:s14], $0x1F40  }
0x37: {  	[sflag:s14] =	ssyncset.done $0x0  }
0x38: {  	s19 =	simm.s32 $0x23A0;
	[sflag:s14] =	ssyncadd.s32 $0xFFFFE0C0  }
0x39: {  	[tilespmem:s11], [sflag:$0x1] =	stream.indirect.gather [hbm4b:s9+s10], $0x8, s19, s10, $0xb8;
	[tilespmem:$0xA0A0] =	vst v63  }
0x3a: {  	_ =	swait.ge [sflag:s12], $0x1F40  }
0x3b: {  	[sflag:s12] =	ssyncset.done $0x0  }
0x3c: {  	s20 =	simm.s32 $0x4AB0;
	[sflag:s12] =	ssyncadd.s32 $0xFFFFE0C0  }
0x3d: {  	[spmem:s2] =	stream.indirect.scatter.add.f32 [tilespmem:s11], [sflag:$0x2], $0x8, s20, s10, $0xb8;
	[tilespmem:$0xA0A0] =	vst v63  }
0x3e: {  	_ =	swait.ge [sflag:s14], $0x1F40  }
0x3f: {  	[sflag:s14] =	ssyncset.done $0x0  }
0x40: {  	s21 =	simm.s32 $0x2788;
	[sflag:s14] =	ssyncadd.s32 $0xFFFFE0C0  }
0x41: {  	[tilespmem:s13], [sflag:$0x1] =	stream.indirect.gather [hbm4b:s9+s10], $0x8, s21, s10, $0xb8;
	[tilespmem:$0xA0A0] =	vst v63  }
0x42: {  	_ =	swait.ge [sflag:s12], $0x1F40  }
0x43: {  	[sflag:s12] =	ssyncset.done $0x0  }
0x44: {  	s22 =	simm.s32 $0x4E98;
	[sflag:s12] =	ssyncadd.s32 $0xFFFFE0C0  }
0x45: {  	[spmem:s2] =	stream.indirect.scatter.add.f32 [tilespmem:s13], [sflag:$0x2], $0x8, s22, s10, $0xb8;
	[tilespmem:$0xA0A0] =	vst v63  }
0x46: {  	_ =	swait.ge [sflag:s14], $0x1F40  }
0x47: {  	[sflag:s14] =	ssyncset.done $0x0  }
0x48: {  	s23 =	simm.s32 $0x2B70;
	[sflag:s14] =	ssyncadd.s32 $0xFFFFE0C0  }
0x49: {  	[tilespmem:s11], [sflag:$0x1] =	stream.indirect.gather [hbm4b:s9+s10], $0x8, s23, s10, $0xb8;
	[tilespmem:$0xA0A0] =	vst v63  }
0x4a: {  	_ =	swait.ge [sflag:s12], $0x1F40  }
0x4b: {  	[sflag:s12] =	ssyncset.done $0x0  }
0x4c: {  	s24 =	simm.s32 $0x5280;
	[sflag:s12] =	ssyncadd.s32 $0xFFFFE0C0  }
0x4d: {  	[spmem:s2] =	stream.indirect.scatter.add.f32 [tilespmem:s11], [sflag:$0x2], $0x8, s24, s10, $0xb8;
	[tilespmem:$0xA0A0] =	vst v63  }
0x4e: {  	_ =	swait.ge [sflag:s14], $0x1F40  }
0x4f: {  	[sflag:s14] =	ssyncset.done $0x0  }
0x50: {  	s25 =	simm.s32 $0x2F58;
	[sflag:s14] =	ssyncadd.s32 $0xFFFFE0C0  }
0x51: {  	[tilespmem:s13], [sflag:$0x1] =	stream.indirect.gather [hbm4b:s9+s10], $0x8, s25, s10, $0xb8;
	[tilespmem:$0xA0A0] =	vst v63  }
0x52: {  	_ =	swait.ge [sflag:s12], $0x1F40  }
0x53: {  	[sflag:s12] =	ssyncset.done $0x0  }
0x54: {  	s26 =	simm.s32 $0x5668;
	[sflag:s12] =	ssyncadd.s32 $0xFFFFE0C0  }
0x55: {  	[spmem:s2] =	stream.indirect.scatter.add.f32 [tilespmem:s13], [sflag:$0x2], $0x8, s26, s10, $0xb8;
	[tilespmem:$0xA0A0] =	vst v63  }
0x56: {  	_ =	swait.ge [sflag:s14], $0x1F40  }
0x57: {  	[sflag:s14] =	ssyncset.done $0x0  }
0x58: {  	s28 =	simm.s32 $0x3340;
	[sflag:s14] =	ssyncadd.s32 $0xFFFFE0C0  }
0x59: {  	[tilespmem:s11], [sflag:$0x1] =	stream.indirect.gather [hbm4b:s9+s10], $0x8, s28, s10, $0xb8;
	[tilespmem:$0xA0A0] =	vst v63  }
0x5a: {  	_ =	swait.ge [sflag:s12], $0x1F40  }
0x5b: {  	[sflag:s12] =	ssyncset.done $0x0  }
0x5c: {  	s29 =	simm.s32 $0x5A50;
	[sflag:s12] =	ssyncadd.s32 $0xFFFFE0C0  }
0x5d: {  	[spmem:s2] =	stream.indirect.scatter.add.f32 [tilespmem:s11], [sflag:$0x2], $0x8, s29, s10, $0xb8;
	[tilespmem:$0xA0A0] =	vst v63  }
0x5e: {  	_ =	swait.ge [sflag:s14], $0x1F40  }
0x5f: {  	[sflag:s14] =	ssyncset.done $0x0  }
0x60: {  	s30 =	simm.s32 $0x3728;
	[sflag:s14] =	ssyncadd.s32 $0xFFFFE0C0  }
0x61: {  	[tilespmem:s13], [sflag:$0x1] =	stream.indirect.gather [hbm4b:s9+s10], $0x8, s30, s10, $0xb8;
	[tilespmem:$0xA0A0] =	vst v63  }
0x62: {  	_ =	swait.ge [sflag:s12], $0x1F40  }
0x63: {  	[sflag:s12] =	ssyncset.done $0x0  }
0x64: {  	s31 =	simm.s32 $0x5E38;
	[sflag:s12] =	ssyncadd.s32 $0xFFFFE0C0  }
0x65: {  	[spmem:s2] =	stream.indirect.scatter.add.f32 [tilespmem:s13], [sflag:$0x2], $0x8, s31, s10, $0xb8;
	[tilespmem:$0xA0A0] =	vst v63  }
0x66: {  	_ =	swait.ge [sflag:s14], $0x1F40  }
0x67: {  	[sflag:s14] =	ssyncset.done $0x0  }
0x68: {  	[sflag:s14] =	ssyncadd.s32 $0xFFFFE0C0  }
0x69: {  	_ =	swait.ge [sflag:s14], $0x1F40  }
0x6a: {  	[sflag:s14] =	ssyncset.done $0x0  }
0x6b: {  	[sflag:s14] =	ssyncadd.s32 $0xFFFFE0C0  }
0x6c: {  	[bflag:$0x0] =	sbarrier.arrive $0xFFFF  }
0x6d: {  	s1 =	ssub.s32 $0x2, s1;
	s0 =	rddreg [dreg:$0x6]  }
0x6e: {  	[dreg:$0x9] =	wrdreg s0;
	s0 =	sshrl.u32 s1, $0x1  }
0x6f: {  	s0 =	ssub.s32 s1, s0  }
0x70: {  	s0 =	smax.u32 s0, $0x1  }
0x71: {  	p0 =	sne.s32 s0, $0x1  }
.Ltmp0:
0x72: {  	_ = 	snop;
	(pc) =	sbr.rel @!p0 .LBB2_2-.Ltmp0, $4  }
0x73: {  	_ = 	snop  }
0x74: {  	s1 =	rddreg [dreg:$0x9]  }
0x75: {  	[hbm:s1], [sflag:s7] =	dma.local [spmem:s8], $0x280  }
0x76: {  	s1 =	sadd.s32 $0xFFFFFFFF, s0;
	_ =	swait.ge [sflag:s4], $0x280  }
.LBB2_1:
0x77: {  	[sflag:s4] =	ssyncset.done $0x0  }
0x78: {  	s0 =	rddreg [dreg:$0x3];
	[sflag:s4] =	ssyncadd.s32 $0xFFFFFD80  }
0x79: {  	[tilespmem:s5], [sflag:$0x3] =	stream.linear.gather [hbm4b:s0+s3], $0x2710, $0x38;
	[tilespmem:$0xA0A0] =	vst v63  }
0x7a: {  	_ =	swait.ge [sflag:s4], $0x2710  }
0x7b: {  	[sflag:s4] =	ssyncset.done $0x0  }
0x7c: {  	s0 =	rddreg [dreg:$0x4];
	[sflag:s4] =	ssyncadd.s32 $0xFFFFD8F0  }
0x7d: {  	[tilespmem:s6], [sflag:$0x3] =	stream.linear.gather [hbm4b:s0+s3], $0x2710, $0x38;
	[tilespmem:$0xA0A0] =	vst v63  }
0x7e: {  	_ =	swait.ge [sflag:s4], $0x2710  }
0x7f: {  	[sflag:s4] =	ssyncset.done $0x0  }
0x80: {  	s0 =	rddreg [dreg:$0x5];
	[sflag:s4] =	ssyncadd.s32 $0xFFFFD8F0  }
0x81: {  	[spmem:s8], [sflag:s7] =	dma.local [hbm:s0], $0x280  }
0x82: {  	_ =	swait.ge [sflag:s4], $0x280  }
0x83: {  	[sflag:s4] =	ssyncset.done $0x0  }
0x84: {  	[sflag:s4] =	ssyncadd.s32 $0xFFFFFD80  }
0x85: {  	[bflag:$0x0] =	sbarrier.arrive $0xFFFF  }
0x86: {  	[tilespmem:s11], [sflag:$0x1] =	stream.indirect.gather [hbm4b:s9+s10], $0x8, s5, s10, $0xb8;
	[tilespmem:$0xA0A0] =	vst v63  }
0x87: {  	_ =	swait.ge [sflag:s12], $0x1F40  }
0x88: {  	[sflag:s12] =	ssyncset.done $0x0  }
0x89: {  	[sflag:s12] =	ssyncadd.s32 $0xFFFFE0C0  }
0x8a: {  	[spmem:s2] =	stream.indirect.scatter.add.f32 [tilespmem:s11], [sflag:$0x2], $0x8, s6, s10, $0xb8;
	[tilespmem:$0xA0A0] =	vst v63  }
0x8b: {  	s0 =	rddreg [dreg:$0x7]  }
0x8c: {  	[tilespmem:s13], [sflag:$0x1] =	stream.indirect.gather [hbm4b:s9+s10], $0x8, s0, s10, $0xb8;
	[tilespmem:$0xA0A0] =	vst v63  }
0x8d: {  	_ =	swait.ge [sflag:s12], $0x1F40  }
0x8e: {  	[sflag:s12] =	ssyncset.done $0x0  }
0x8f: {  	s0 =	rddreg [dreg:$0x8];
	[sflag:s12] =	ssyncadd.s32 $0xFFFFE0C0  }
0x90: {  	[spmem:s2] =	stream.indirect.scatter.add.f32 [tilespmem:s13], [sflag:$0x2], $0x8, s0, s10, $0xb8;
	[tilespmem:$0xA0A0] =	vst v63  }
0x91: {  	_ =	swait.ge [sflag:s14], $0x1F40  }
0x92: {  	[sflag:s14] =	ssyncset.done $0x0  }
0x93: {  	[sflag:s14] =	ssyncadd.s32 $0xFFFFE0C0  }
0x94: {  	[tilespmem:s11], [sflag:$0x1] =	stream.indirect.gather [hbm4b:s9+s10], $0x8, s15, s10, $0xb8;
	[tilespmem:$0xA0A0] =	vst v63  }
0x95: {  	_ =	swait.ge [sflag:s12], $0x1F40  }
0x96: {  	[sflag:s12] =	ssyncset.done $0x0  }
0x97: {  	[sflag:s12] =	ssyncadd.s32 $0xFFFFE0C0  }
0x98: {  	[spmem:s2] =	stream.indirect.scatter.add.f32 [tilespmem:s11], [sflag:$0x2], $0x8, s16, s10, $0xb8;
	[tilespmem:$0xA0A0] =	vst v63  }
0x99: {  	_ =	swait.ge [sflag:s14], $0x1F40  }
0x9a: {  	[sflag:s14] =	ssyncset.done $0x0  }
0x9b: {  	[sflag:s14] =	ssyncadd.s32 $0xFFFFE0C0  }
0x9c: {  	[tilespmem:s13], [sflag:$0x1] =	stream.indirect.gather [hbm4b:s9+s10], $0x8, s17, s10, $0xb8;
	[tilespmem:$0xA0A0] =	vst v63  }
0x9d: {  	_ =	swait.ge [sflag:s12], $0x1F40  }
0x9e: {  	[sflag:s12] =	ssyncset.done $0x0  }
0x9f: {  	[sflag:s12] =	ssyncadd.s32 $0xFFFFE0C0  }
0xa0: {  	[spmem:s2] =	stream.indirect.scatter.add.f32 [tilespmem:s13], [sflag:$0x2], $0x8, s18, s10, $0xb8;
	[tilespmem:$0xA0A0] =	vst v63  }
0xa1: {  	_ =	swait.ge [sflag:s14], $0x1F40  }
0xa2: {  	[sflag:s14] =	ssyncset.done $0x0  }
0xa3: {  	[sflag:s14] =	ssyncadd.s32 $0xFFFFE0C0  }
0xa4: {  	[tilespmem:s11], [sflag:$0x1] =	stream.indirect.gather [hbm4b:s9+s10], $0x8, s19, s10, $0xb8;
	[tilespmem:$0xA0A0] =	vst v63  }
0xa5: {  	_ =	swait.ge [sflag:s12], $0x1F40  }
0xa6: {  	[sflag:s12] =	ssyncset.done $0x0  }
0xa7: {  	[sflag:s12] =	ssyncadd.s32 $0xFFFFE0C0  }
0xa8: {  	[spmem:s2] =	stream.indirect.scatter.add.f32 [tilespmem:s11], [sflag:$0x2], $0x8, s20, s10, $0xb8;
	[tilespmem:$0xA0A0] =	vst v63  }
0xa9: {  	_ =	swait.ge [sflag:s14], $0x1F40  }
0xaa: {  	[sflag:s14] =	ssyncset.done $0x0  }
0xab: {  	[sflag:s14] =	ssyncadd.s32 $0xFFFFE0C0  }
0xac: {  	[tilespmem:s13], [sflag:$0x1] =	stream.indirect.gather [hbm4b:s9+s10], $0x8, s21, s10, $0xb8;
	[tilespmem:$0xA0A0] =	vst v63  }
0xad: {  	_ =	swait.ge [sflag:s12], $0x1F40  }
0xae: {  	[sflag:s12] =	ssyncset.done $0x0  }
0xaf: {  	[sflag:s12] =	ssyncadd.s32 $0xFFFFE0C0  }
0xb0: {  	[spmem:s2] =	stream.indirect.scatter.add.f32 [tilespmem:s13], [sflag:$0x2], $0x8, s22, s10, $0xb8;
	[tilespmem:$0xA0A0] =	vst v63  }
0xb1: {  	_ =	swait.ge [sflag:s14], $0x1F40  }
0xb2: {  	[sflag:s14] =	ssyncset.done $0x0  }
0xb3: {  	[sflag:s14] =	ssyncadd.s32 $0xFFFFE0C0  }
0xb4: {  	[tilespmem:s11], [sflag:$0x1] =	stream.indirect.gather [hbm4b:s9+s10], $0x8, s23, s10, $0xb8;
	[tilespmem:$0xA0A0] =	vst v63  }
0xb5: {  	_ =	swait.ge [sflag:s12], $0x1F40  }
0xb6: {  	[sflag:s12] =	ssyncset.done $0x0  }
0xb7: {  	[sflag:s12] =	ssyncadd.s32 $0xFFFFE0C0  }
0xb8: {  	[spmem:s2] =	stream.indirect.scatter.add.f32 [tilespmem:s11], [sflag:$0x2], $0x8, s24, s10, $0xb8;
	[tilespmem:$0xA0A0] =	vst v63  }
0xb9: {  	_ =	swait.ge [sflag:s14], $0x1F40  }
0xba: {  	[sflag:s14] =	ssyncset.done $0x0  }
0xbb: {  	[sflag:s14] =	ssyncadd.s32 $0xFFFFE0C0  }
0xbc: {  	[tilespmem:s13], [sflag:$0x1] =	stream.indirect.gather [hbm4b:s9+s10], $0x8, s25, s10, $0xb8;
	[tilespmem:$0xA0A0] =	vst v63  }
0xbd: {  	_ =	swait.ge [sflag:s12], $0x1F40  }
0xbe: {  	[sflag:s12] =	ssyncset.done $0x0  }
0xbf: {  	[sflag:s12] =	ssyncadd.s32 $0xFFFFE0C0  }
0xc0: {  	[spmem:s2] =	stream.indirect.scatter.add.f32 [tilespmem:s13], [sflag:$0x2], $0x8, s26, s10, $0xb8;
	[tilespmem:$0xA0A0] =	vst v63  }
0xc1: {  	_ =	swait.ge [sflag:s14], $0x1F40  }
0xc2: {  	[sflag:s14] =	ssyncset.done $0x0  }
0xc3: {  	[sflag:s14] =	ssyncadd.s32 $0xFFFFE0C0  }
0xc4: {  	[tilespmem:s11], [sflag:$0x1] =	stream.indirect.gather [hbm4b:s9+s10], $0x8, s28, s10, $0xb8;
	[tilespmem:$0xA0A0] =	vst v63  }
0xc5: {  	_ =	swait.ge [sflag:s12], $0x1F40  }
0xc6: {  	[sflag:s12] =	ssyncset.done $0x0  }
0xc7: {  	[sflag:s12] =	ssyncadd.s32 $0xFFFFE0C0  }
0xc8: {  	[spmem:s2] =	stream.indirect.scatter.add.f32 [tilespmem:s11], [sflag:$0x2], $0x8, s29, s10, $0xb8;
	[tilespmem:$0xA0A0] =	vst v63  }
0xc9: {  	_ =	swait.ge [sflag:s14], $0x1F40  }
0xca: {  	[sflag:s14] =	ssyncset.done $0x0  }
0xcb: {  	[sflag:s14] =	ssyncadd.s32 $0xFFFFE0C0  }
0xcc: {  	[tilespmem:s13], [sflag:$0x1] =	stream.indirect.gather [hbm4b:s9+s10], $0x8, s30, s10, $0xb8;
	[tilespmem:$0xA0A0] =	vst v63  }
0xcd: {  	_ =	swait.ge [sflag:s12], $0x1F40  }
0xce: {  	[sflag:s12] =	ssyncset.done $0x0  }
0xcf: {  	[sflag:s12] =	ssyncadd.s32 $0xFFFFE0C0  }
0xd0: {  	[spmem:s2] =	stream.indirect.scatter.add.f32 [tilespmem:s13], [sflag:$0x2], $0x8, s31, s10, $0xb8;
	[tilespmem:$0xA0A0] =	vst v63  }
0xd1: {  	_ =	swait.ge [sflag:s14], $0x1F40  }
0xd2: {  	[sflag:s14] =	ssyncset.done $0x0  }
0xd3: {  	[sflag:s14] =	ssyncadd.s32 $0xFFFFE0C0  }
0xd4: {  	_ =	swait.ge [sflag:s14], $0x1F40  }
0xd5: {  	p0 =	sne.s32 s1, $0x1;
	[sflag:s14] =	ssyncset.done $0x0  }
.Ltmp1:
0xd6: {  	[sflag:s14] =	ssyncadd.s32 $0xFFFFE0C0;
	(pc) =	sbr.rel @p0 .LBB2_1-.Ltmp1, $4  }
0xd7: {  	[bflag:$0x0] =	sbarrier.arrive $0xFFFF  }
0xd8: {  	s0 =	rddreg [dreg:$0x6]  }
0xd9: {  	[hbm:s0], [sflag:s7] =	dma.local [spmem:s8], $0x280  }
0xda: {  	s1 =	sadd.s32 $0xFFFFFFFF, s1;
	_ =	swait.ge [sflag:s4], $0x280  }
.LBB2_2:
0xdb: {  	[sflag:s4] =	ssyncset.done $0x0  }
0xdc: {  	[sflag:s4] =	ssyncadd.s32 $0xFFFFFD80  }
0xdd: {  	_ =	sfence.sel $0x180000  }
0xde: {  	[bflag:$0x0] =	sbarrier.arrive $0xFFFF  }
0xdf: {  	_ =	strace $0x90000050  }
0xe0: {  	s0 =	stileid.u32;
	[bflag:$0x2] =	sbarrier.arrive $0xFFFF  }
0xe1: {  	p0 =	sne.s32 s0, $0x0;
	s0 =	rddreg [dreg:$0x2]  }
0xe2: {  	s0 =	sadd.s32 @!p0 $0x100000, s0  }
0xe3: {  	[sflag:s0] =	ssyncadd.tile.s32 @!p0 $0x1;
	_ =	shalt  }
.Lfunc_end2:
_tile_overlayer_lowered:
.L_overlay_start_2:
0xe4: {  	(tag) =	ssettag $0x2  }
0xe5: {  	s0 =	rddreg [dreg:$0x0];
	s2 =	stileid.u32  }
0xe6: {  	s1 =	rddreg [dreg:$0x1];
	p0 =	sne.s32 s2, $0x0  }
0xe7: {  	s3 =	rddreg [dreg:$0x2];
	[bflag:$0x3] =	sbarrier.arrive $0xFFFF;
	s2 =	simm.s32 @!p0 $0x1C03  }
0xe8: {  	[timem:s3], [sflag:s2] =	dma.local @!p0 [hbm:s0], s1  }
0xe9: {  	s0 =	simm.s32 @!p0 $0x3  }
0xea: {  	_ =	swait.ge @!p0 [sflag:s0], s1  }
0xeb: {  	s1 =	ssub.s32 @!p0 $0x0, s1;
	[sflag:s0] =	ssyncset.done @!p0 $0x0  }
0xec: {  	[sflag:s0] =	ssyncadd.s32 @!p0 s1  }
0xed: {  	[bflag:$0x3] =	sbarrier.arrive $0xFFFF  }
0xee: {  	_ =	shalt  }

</sc_bundles>
